<compile_context>
chip_gen: v7x
topology: tpu7x:2x2x1
jax: 0.10.2.dev20260603
libtpu: 0.0.44.dev20260713+nightly
codegen_flags: <defaults>
</compile_context>

<pallas_src>
import functools

import jax
import jax.numpy as jnp
from jax import lax
from jax.experimental import pallas as pl
from jax.experimental.pallas import tpu as pltpu
from jax.experimental.pallas import tpu_sc as plsc

_NC = 2
_NS = 16
_K = 128


def _make_sc_scatter(N, E, Ch):
    ECH = E // _K
    EPT = -(-ECH // _NS)
    RCH = 200
    RNCH = N // RCH
    RPT = -(-RNCH // _NS)

    mesh = plsc.VectorSubcoreMesh(core_axis_name="c", subcore_axis_name="s")

    @functools.partial(
        pl.kernel,
        out_type=jax.ShapeDtypeStruct((2 * N, Ch), jnp.float32),
        mesh=mesh,
        scratch_types=[
            pltpu.VMEM((_K,), jnp.int32),
            pltpu.VMEM((_K,), jnp.int32),
            pltpu.VMEM((_K, Ch), jnp.float32),
            pltpu.VMEM((RCH, Ch), jnp.float32),
            pltpu.VMEM_SHARED((N, Ch), jnp.float32),
            pltpu.SemaphoreType.DMA,
        ],
        compiler_params=pltpu.CompilerParams(use_tc_tiling_on_sc=False),
    )
    def sc_scatter(h_hbm, gsrc_hbm, dst_hbm, zero_hbm, out_hbm, sidx, didx,
                   rows, stage, shared, sem):
        c = lax.axis_index("c")
        s = lax.axis_index("s")

        pltpu.sync_copy(zero_hbm, stage)

        def init_chunk(j, carry):
            g = s + j * _NS

            @pl.when(g < RNCH)
            def _():
                pltpu.sync_copy(stage, shared.at[pl.ds(g * RCH, RCH)])

            return carry

        lax.fori_loop(0, RPT, init_chunk, 0)
        plsc.subcore_barrier()

        def chunk(j, carry):
            g = s + j * _NS

            @pl.when(g < ECH)
            def _():
                base = g * _K
                pltpu.sync_copy(gsrc_hbm.at[pl.ds(c * E + base, _K)], sidx)
                pltpu.sync_copy(dst_hbm.at[pl.ds(base, _K)], didx)
                pltpu.async_copy(h_hbm.at[sidx], rows, sem).wait()
                pltpu.sync_copy(rows, shared.at[didx], add=True)

            return carry

        lax.fori_loop(0, EPT, chunk, 0)
        plsc.subcore_barrier()

        def out_chunk(j, carry):
            g = s + j * _NS

            @pl.when(g < RNCH)
            def _():
                pltpu.sync_copy(shared.at[pl.ds(g * RCH, RCH)], stage)
                pltpu.sync_copy(stage, out_hbm.at[pl.ds(c * N + g * RCH, RCH)])

            return carry

        lax.fori_loop(0, RPT, out_chunk, 0)

    return sc_scatter


def _make_sc_pool(N, G, Ch):
    CHN = 80
    NCHUNK = N // CHN
    PER_TILE = -(-NCHUNK // _NS)
    GR = G // _NS

    mesh = plsc.VectorSubcoreMesh(core_axis_name="c", subcore_axis_name="s")

    @functools.partial(
        pl.kernel,
        out_type=jax.ShapeDtypeStruct((2 * G, Ch), jnp.float32),
        mesh=mesh,
        scratch_types=[
            pltpu.VMEM((CHN,), jnp.int32),
            pltpu.VMEM((CHN, Ch), jnp.float32),
            pltpu.VMEM((G // 4, Ch), jnp.float32),
            pltpu.VMEM_SHARED((G, Ch), jnp.float32),
        ],
        compiler_params=pltpu.CompilerParams(use_tc_tiling_on_sc=False),
    )
    def sc_pool(h_hbm, batch_hbm, zero_hbm, out_hbm, bidx, rows, stage, shared):
        c = lax.axis_index("c")
        s = lax.axis_index("s")

        @pl.when(s < 4)
        def _():
            q = G // 4
            pltpu.sync_copy(zero_hbm.at[pl.ds(s * q, q)], stage)
            pltpu.sync_copy(stage, shared.at[pl.ds(s * q, q)])

        plsc.subcore_barrier()

        def chunk(j, carry):
            g = s + j * _NS

            @pl.when(g < NCHUNK)
            def _():
                pltpu.sync_copy(h_hbm.at[pl.ds(c * N + g * CHN, CHN)], rows)
                pltpu.sync_copy(batch_hbm.at[pl.ds(g * CHN, CHN)], bidx)
                pltpu.sync_copy(rows, shared.at[bidx], add=True)

            return carry

        lax.fori_loop(0, PER_TILE, chunk, 0)
        plsc.subcore_barrier()
        pltpu.sync_copy(shared.at[pl.ds(s * GR, GR)], stage.at[pl.ds(0, GR)])
        pltpu.sync_copy(stage.at[pl.ds(0, GR)],
                        out_hbm.at[pl.ds(c * G + s * GR, GR)])

    return sc_pool




def _embed_kernel(x_ref, emb_ref, out_ref):
    xb = x_ref[...]
    r = xb.shape[0]
    v = emb_ref.shape[0]
    onehot = (xb[:, None] == lax.broadcasted_iota(jnp.int32, (r, v), 1))
    onehot = onehot.astype(jnp.float32)
    h = jnp.dot(onehot, emb_ref[...], preferred_element_type=jnp.float32,
                precision=lax.Precision.HIGHEST)
    ch = out_ref.shape[2]
    out_ref[0] = h[:, :ch]
    out_ref[1] = h[:, ch:]


def _dense_kernel(h_ref, a_ref, w1_ref, b1_ref, w2_ref, b2_ref, out_ref):
    ch = h_ref.shape[2]
    h_in = jnp.concatenate([h_ref[0], h_ref[1]], axis=1)
    agg = jnp.concatenate([a_ref[0], a_ref[1]], axis=1)
    z = h_in + agg
    z1 = jnp.dot(z, w1_ref[...], preferred_element_type=jnp.float32) + b1_ref[...]
    z1 = jnp.maximum(z1, 0.0)
    h = jnp.dot(z1, w2_ref[...], preferred_element_type=jnp.float32) + b2_ref[...]
    out_ref[0] = h[:, :ch]
    out_ref[1] = h[:, ch:]


def _mlp_kernel(p_ref, w1_ref, b1_ref, w2_ref, b2_ref, w3_ref, b3_ref, out_ref):
    p = jnp.concatenate([p_ref[0], p_ref[1]], axis=1)
    z1 = jnp.dot(p, w1_ref[...], preferred_element_type=jnp.float32) + b1_ref[...]
    z1 = jnp.maximum(z1, 0.0)
    z2 = jnp.dot(z1, w2_ref[...], preferred_element_type=jnp.float32) + b2_ref[...]
    z2 = jnp.maximum(z2, 0.0)
    out_ref[...] = (jnp.dot(z2, w3_ref[...], preferred_element_type=jnp.float32)
                    + b3_ref[...])


def kernel(x, edge_index, edge_attr, batch, node_emb, edge_emb,
           conv_w1, conv_b1, conv_w2, conv_b2,
           mlp_w1, mlp_b1, mlp_w2, mlp_b2, mlp_w3, mlp_b3):
    N = x.shape[0]
    E = edge_index.shape[1]
    C = node_emb.shape[1]
    L = conv_w1.shape[0]
    G = 512
    Ch = C // 2
    R = 2048

    src = edge_index[0]
    dst = edge_index[1]
    gsrc = jnp.concatenate([src, src + N])
    zeros_g = jnp.zeros((G, Ch), jnp.float32)
    zeros_r = jnp.zeros((200, Ch), jnp.float32)

    grid = pl.cdiv(N, R)
    h = pl.pallas_call(
        _embed_kernel,
        grid=(grid,),
        in_specs=[
            pl.BlockSpec((R,), lambda i: (i,)),
            pl.BlockSpec((node_emb.shape[0], C), lambda i: (0, 0)),
        ],
        out_specs=pl.BlockSpec((2, R, Ch), lambda i: (0, i, 0)),
        out_shape=jax.ShapeDtypeStruct((2, N, Ch), jnp.float32),
    )(jnp.squeeze(x, -1), node_emb).reshape(2 * N, Ch)

    sc_scatter = _make_sc_scatter(N, E, Ch)
    dense = functools.partial(
        pl.pallas_call,
        _dense_kernel,
        grid=(grid,),
        in_specs=[
            pl.BlockSpec((2, R, Ch), lambda i: (0, i, 0)),
            pl.BlockSpec((2, R, Ch), lambda i: (0, i, 0)),
            pl.BlockSpec((C, C), lambda i: (0, 0)),
            pl.BlockSpec((1, C), lambda i: (0, 0)),
            pl.BlockSpec((C, C), lambda i: (0, 0)),
            pl.BlockSpec((1, C), lambda i: (0, 0)),
        ],
        out_specs=pl.BlockSpec((2, R, Ch), lambda i: (0, i, 0)),
        out_shape=jax.ShapeDtypeStruct((2, N, Ch), jnp.float32),
    )()

    for l in range(L):
        agg = sc_scatter(h, gsrc, dst, zeros_r)
        h = dense(h.reshape(2, N, Ch), agg.reshape(2, N, Ch),
                  conv_w1[l], conv_b1[l][None, :],
                  conv_w2[l], conv_b2[l][None, :]).reshape(2 * N, Ch)

    sc_pool = _make_sc_pool(N, G, Ch)
    pooled = sc_pool(h, batch, zeros_g)

    out = pl.pallas_call(
        _mlp_kernel,
        in_specs=[
            pl.BlockSpec((2, G, Ch), lambda: (0, 0, 0)),
            pl.BlockSpec(mlp_w1.shape, lambda: (0, 0)),
            pl.BlockSpec((1, mlp_b1.shape[0]), lambda: (0, 0)),
            pl.BlockSpec(mlp_w2.shape, lambda: (0, 0)),
            pl.BlockSpec((1, mlp_b2.shape[0]), lambda: (0, 0)),
            pl.BlockSpec(mlp_w3.shape, lambda: (0, 0)),
            pl.BlockSpec((1, 1), lambda: (0, 0)),
        ],
        out_specs=pl.BlockSpec((G, 1), lambda: (0, 0)),
        out_shape=jax.ShapeDtypeStruct((G, 1), jnp.float32),
    )(pooled.reshape(2, G, Ch), mlp_w1, mlp_b1[None, :], mlp_w2,
      mlp_b2[None, :], mlp_w3, mlp_b3[None, :])
    return out

# --- scband reference (transcript-rebuilt; emitter-appended) ---
"""Pipeline reference for scband-gine-60988535604051 (READ-ONLY COPY).

The authoritative reference and input builder live on the scoring server;
editing this copy changes nothing except your own understanding.
"""

import jax, jax.numpy as jnp
import numpy as np

N = 50000
E = 800000
C = 64
L = 4
G = 512


def setup_inputs(seed: int = 0) -> dict:
    key = jax.random.key(seed)
    ks = jax.random.split(key, 16)
    x = jax.random.randint(ks[0], (N, 1), 0, 28)
    edge_index = jax.random.randint(ks[1], (2, E), 0, N)
    edge_attr = jax.random.randint(ks[2], (E,), 0, 4)
    batch = jnp.sort(jax.random.randint(ks[3], (N,), 0, G))
    node_emb = jax.random.normal(ks[4], (28, C), dtype=jnp.float32) * 0.1
    edge_emb = jax.random.normal(ks[5], (4, C), dtype=jnp.float32) * 0.1
    s = 1.0 / np.sqrt(C)
    conv_w1 = jax.random.normal(ks[6], (L, C, C), dtype=jnp.float32) * s
    conv_b1 = jnp.zeros((L, C), dtype=jnp.float32)
    conv_w2 = jax.random.normal(ks[7], (L, C, C), dtype=jnp.float32) * s
    conv_b2 = jnp.zeros((L, C), dtype=jnp.float32)
    mlp_w1 = jax.random.normal(ks[8], (C, C // 2), dtype=jnp.float32) * s
    mlp_b1 = jnp.zeros((C // 2,), dtype=jnp.float32)
    mlp_w2 = jax.random.normal(ks[9], (C // 2, C // 4), dtype=jnp.float32) * (1.0 / np.sqrt(C // 2))
    mlp_b2 = jnp.zeros((C // 4,), dtype=jnp.float32)
    mlp_w3 = jax.random.normal(ks[10], (C // 4, 1), dtype=jnp.float32) * (1.0 / np.sqrt(C // 4))
    mlp_b3 = jnp.zeros((1,), dtype=jnp.float32)
    return {
        "x": x, "edge_index": edge_index, "edge_attr": edge_attr, "batch": batch,
        "node_emb": node_emb, "edge_emb": edge_emb,
        "conv_w1": conv_w1, "conv_b1": conv_b1, "conv_w2": conv_w2, "conv_b2": conv_b2,
        "mlp_w1": mlp_w1, "mlp_b1": mlp_b1, "mlp_w2": mlp_w2, "mlp_b2": mlp_b2,
        "mlp_w3": mlp_w3, "mlp_b3": mlp_b3,
    }


def reference(x, edge_index, edge_attr, batch, node_emb, edge_emb,
              conv_w1, conv_b1, conv_w2, conv_b2,
              mlp_w1, mlp_b1, mlp_w2, mlp_b2, mlp_w3, mlp_b3):
    h = jnp.take(node_emb, jnp.squeeze(x, -1), axis=0)
    # edge_attr embedding is computed in the original forward but never consumed
    attr = jnp.take(edge_emb, edge_attr, axis=0)
    _ = attr
    src = edge_index[0]
    dst = edge_index[1]
    for l in range(L):
        msgs = jnp.take(h, src, axis=0)
        agg = jax.ops.segment_sum(msgs, dst, num_segments=N)
        z = h + agg  # GIN: (1 + eps) * x + sum, eps = 0
        z = jnp.maximum(jnp.dot(z, conv_w1[l]) + conv_b1[l], 0.0)
        h = jnp.dot(z, conv_w2[l]) + conv_b2[l]
    pooled = jax.ops.segment_sum(h, batch, num_segments=G)
    z = jnp.maximum(jnp.dot(pooled, mlp_w1) + mlp_b1, 0.0)
    z = jnp.maximum(jnp.dot(z, mlp_w2) + mlp_b2, 0.0)
    out = jnp.dot(z, mlp_w3) + mlp_b3
    return out

if __name__ == "__main__":
    import jax
    _d = setup_inputs()
    print(jax.jit(kernel)(*tuple(_d.values())))

</pallas_src>

<mosaic_0001>
#map = affine_map<(d0, d1) -> (0, 0)>
#map1 = affine_map<(d0, d1) -> (0)>
module attributes {stable_mosaic.version = 14 : i64} {
  func.func @sc_scatter(%arg0: i32, %arg1: i32, %arg2: memref<100000x32xf32, #tpu.memory_space<hbm>>, %arg3: memref<1600000xi32, #tpu.memory_space<hbm>>, %arg4: memref<800000xi32, #tpu.memory_space<hbm>>, %arg5: memref<200x32xf32, #tpu.memory_space<hbm>>, %arg6: memref<100000x32xf32, #tpu.memory_space<hbm>>, %arg7: memref<128xi32, #tpu.memory_space<vmem>>, %arg8: memref<128xi32, #tpu.memory_space<vmem>>, %arg9: memref<128x32xf32, #tpu.memory_space<vmem>>, %arg10: memref<200x32xf32, #tpu.memory_space<vmem>>, %arg11: memref<50000x32xf32, #tpu.memory_space<vmem_shared>>, %arg12: memref<!tpu.dma_semaphore, #tpu.memory_space<semaphore_mem>>) attributes {dimension_semantics = [#tpu.dimension_semantics<core_parallel>, #tpu.dimension_semantics<subcore_parallel>], iteration_bounds = array<i64: 2, 16>, scalar_prefetch = 0 : i64, scratch_operands = 6 : i64, tpu.core_type = #tpu.core_type<sc_vector_subcore>, window_params = [{transform_indices = #map}, {transform_indices = #map1}, {transform_indices = #map1}, {transform_indices = #map}, {transform_indices = #map}]} {
    "tpu.region"() ({
      %run_scoped3A = tpu.sem_alloc : memref<!tpu.dma_semaphore, #tpu.memory_space<semaphore_mem>>
      tpu.enqueue_dma source(%arg5 : memref<200x32xf32, #tpu.memory_space<hbm>>) target(%arg10 : memref<200x32xf32, #tpu.memory_space<vmem>>) target_semaphore(%run_scoped3A : memref<!tpu.dma_semaphore, #tpu.memory_space<semaphore_mem>>)
      tpu.wait_dma2 semaphore(%run_scoped3A : memref<!tpu.dma_semaphore, #tpu.memory_space<semaphore_mem>>) src(%arg5 : memref<200x32xf32, #tpu.memory_space<hbm>>) dst(%arg10 : memref<200x32xf32, #tpu.memory_space<vmem>>)
      tpu.yield
    }) : () -> ()
    %scan3A = arith.constant 0 : i32
    %scan3A_0 = arith.constant 0 : i32
    %scan3A_1 = arith.constant 16 : i32
    %scan3A_2 = arith.addi %scan3A_0, %scan3A_1 : i32
    %scan3A_3 = arith.constant 1 : i32
    scf.for %scan3A_18 = %scan3A_0 to %scan3A_2 step %scan3A_3  : i32 {
      %mul3A = arith.constant 16 : i32
      %mul3A_19 = arith.muli %scan3A_18, %mul3A : i32
      %add3A = arith.addi %arg1, %mul3A_19 : i32
      %lt3A = arith.constant 250 : i32
      %lt3A_20 = arith.cmpi slt, %add3A, %lt3A : i32
      %convert_element_type3A = arith.extui %lt3A_20 : i1 to i32
      %cond3A = arith.constant 0 : i32
      %cond3A_21 = arith.cmpi ne, %convert_element_type3A, %cond3A : i32
      scf.if %cond3A_21 {
        %mul3A_22 = arith.constant 200 : i32
        %mul3A_23 = arith.muli %add3A, %mul3A_22 : i32
        "tpu.region"() ({
          %run_scoped3A = tpu.sem_alloc : memref<!tpu.dma_semaphore, #tpu.memory_space<semaphore_mem>>
          %dma_start3A = arith.constant 0 : i32
          %dma_start3A_24 = tpu.memref_slice %arg11[%mul3A_23, %dma_start3A] : memref<50000x32xf32, #tpu.memory_space<vmem_shared>> -> memref<200x32xf32, #tpu.memory_space<vmem_shared>>
          %dma_start3A_25 = arith.constant 0 : i32
          %dma_start3A_26 = tpu.memref_slice %arg11[%mul3A_23, %dma_start3A_25] : memref<50000x32xf32, #tpu.memory_space<vmem_shared>> -> memref<200x32xf32, #tpu.memory_space<vmem_shared>>
          tpu.enqueue_dma source(%arg10 : memref<200x32xf32, #tpu.memory_space<vmem>>) target(%dma_start3A_26 : memref<200x32xf32, #tpu.memory_space<vmem_shared>>) target_semaphore(%run_scoped3A : memref<!tpu.dma_semaphore, #tpu.memory_space<semaphore_mem>>)
          %dma_wait3A = arith.constant 0 : i32
          %dma_wait3A_27 = tpu.memref_slice %arg11[%mul3A_23, %dma_wait3A] : memref<50000x32xf32, #tpu.memory_space<vmem_shared>> -> memref<200x32xf32, #tpu.memory_space<vmem_shared>>
          %dma_wait3A_28 = arith.constant 0 : i32
          %dma_wait3A_29 = tpu.memref_slice %arg11[%mul3A_23, %dma_wait3A_28] : memref<50000x32xf32, #tpu.memory_space<vmem_shared>> -> memref<200x32xf32, #tpu.memory_space<vmem_shared>>
          tpu.wait_dma2 semaphore(%run_scoped3A : memref<!tpu.dma_semaphore, #tpu.memory_space<semaphore_mem>>) src(%arg10 : memref<200x32xf32, #tpu.memory_space<vmem>>) dst(%dma_wait3A_29 : memref<200x32xf32, #tpu.memory_space<vmem_shared>>)
          tpu.yield
        }) : () -> ()
      } else {
      }
    }
    %scan3A_4 = arith.constant 16 : i32
    %barrier3A = arith.constant 0 : index
    tpu.barrier barrier_id(%barrier3A)
    %scan3A_5 = arith.constant 0 : i32
    %scan3A_6 = arith.constant 0 : i32
    %scan3A_7 = arith.constant 391 : i32
    %scan3A_8 = arith.addi %scan3A_6, %scan3A_7 : i32
    %scan3A_9 = arith.constant 1 : i32
    scf.for %scan3A_18 = %scan3A_6 to %scan3A_8 step %scan3A_9  : i32 {
      %mul3A = arith.constant 16 : i32
      %mul3A_19 = arith.muli %scan3A_18, %mul3A : i32
      %add3A = arith.addi %arg1, %mul3A_19 : i32
      %lt3A = arith.constant 6250 : i32
      %lt3A_20 = arith.cmpi slt, %add3A, %lt3A : i32
      %convert_element_type3A = arith.extui %lt3A_20 : i1 to i32
      %cond3A = arith.constant 0 : i32
      %cond3A_21 = arith.cmpi ne, %convert_element_type3A, %cond3A : i32
      scf.if %cond3A_21 {
        %mul3A_22 = arith.constant 128 : i32
        %mul3A_23 = arith.muli %add3A, %mul3A_22 : i32
        %mul3A_24 = arith.constant 800000 : i32
        %mul3A_25 = arith.muli %arg0, %mul3A_24 : i32
        %add3A_26 = arith.addi %mul3A_25, %mul3A_23 : i32
        "tpu.region"() ({
          %run_scoped3A = tpu.sem_alloc : memref<!tpu.dma_semaphore, #tpu.memory_space<semaphore_mem>>
          %dma_start3A_31 = tpu.memref_slice %arg3[%add3A_26] : memref<1600000xi32, #tpu.memory_space<hbm>> -> memref<128xi32, #tpu.memory_space<hbm>>
          %dma_start3A_32 = tpu.memref_slice %arg3[%add3A_26] : memref<1600000xi32, #tpu.memory_space<hbm>> -> memref<128xi32, #tpu.memory_space<hbm>>
          tpu.enqueue_dma source(%dma_start3A_32 : memref<128xi32, #tpu.memory_space<hbm>>) target(%arg7 : memref<128xi32, #tpu.memory_space<vmem>>) target_semaphore(%run_scoped3A : memref<!tpu.dma_semaphore, #tpu.memory_space<semaphore_mem>>)
          %dma_wait3A_33 = tpu.memref_slice %arg3[%add3A_26] : memref<1600000xi32, #tpu.memory_space<hbm>> -> memref<128xi32, #tpu.memory_space<hbm>>
          %dma_wait3A_34 = tpu.memref_slice %arg3[%add3A_26] : memref<1600000xi32, #tpu.memory_space<hbm>> -> memref<128xi32, #tpu.memory_space<hbm>>
          tpu.wait_dma2 semaphore(%run_scoped3A : memref<!tpu.dma_semaphore, #tpu.memory_space<semaphore_mem>>) src(%dma_wait3A_34 : memref<128xi32, #tpu.memory_space<hbm>>) dst(%arg7 : memref<128xi32, #tpu.memory_space<vmem>>)
          tpu.yield
        }) : () -> ()
        "tpu.region"() ({
          %run_scoped3A = tpu.sem_alloc : memref<!tpu.dma_semaphore, #tpu.memory_space<semaphore_mem>>
          %dma_start3A_31 = tpu.memref_slice %arg4[%mul3A_23] : memref<800000xi32, #tpu.memory_space<hbm>> -> memref<128xi32, #tpu.memory_space<hbm>>
          %dma_start3A_32 = tpu.memref_slice %arg4[%mul3A_23] : memref<800000xi32, #tpu.memory_space<hbm>> -> memref<128xi32, #tpu.memory_space<hbm>>
          tpu.enqueue_dma source(%dma_start3A_32 : memref<128xi32, #tpu.memory_space<hbm>>) target(%arg8 : memref<128xi32, #tpu.memory_space<vmem>>) target_semaphore(%run_scoped3A : memref<!tpu.dma_semaphore, #tpu.memory_space<semaphore_mem>>)
          %dma_wait3A_33 = tpu.memref_slice %arg4[%mul3A_23] : memref<800000xi32, #tpu.memory_space<hbm>> -> memref<128xi32, #tpu.memory_space<hbm>>
          %dma_wait3A_34 = tpu.memref_slice %arg4[%mul3A_23] : memref<800000xi32, #tpu.memory_space<hbm>> -> memref<128xi32, #tpu.memory_space<hbm>>
          tpu.wait_dma2 semaphore(%run_scoped3A : memref<!tpu.dma_semaphore, #tpu.memory_space<semaphore_mem>>) src(%dma_wait3A_34 : memref<128xi32, #tpu.memory_space<hbm>>) dst(%arg8 : memref<128xi32, #tpu.memory_space<vmem>>)
          tpu.yield
        }) : () -> ()
        %dma_start3A = arith.constant 0 : i32
        %dma_start3A_27 = arith.constant 0 : i32
        %dma_start3A_28 = tpu.memref_slice %arg2[%dma_start3A, %dma_start3A_27] : memref<100000x32xf32, #tpu.memory_space<hbm>> -> memref<100000x32xf32, #tpu.memory_space<hbm>>
        tpu.enqueue_indirect_dma source(%dma_start3A_28 : memref<100000x32xf32, #tpu.memory_space<hbm>>) target(%arg9 : memref<128x32xf32, #tpu.memory_space<vmem>>) offsets(%arg7 : memref<128xi32, #tpu.memory_space<vmem>>) semaphore(%arg12 : memref<!tpu.dma_semaphore, #tpu.memory_space<semaphore_mem>>)
        %dma_wait3A = arith.constant 0 : i32
        %dma_wait3A_29 = arith.constant 0 : i32
        %dma_wait3A_30 = tpu.memref_slice %arg2[%dma_wait3A, %dma_wait3A_29] : memref<100000x32xf32, #tpu.memory_space<hbm>> -> memref<100000x32xf32, #tpu.memory_space<hbm>>
        tpu.wait_indirect_dma semaphore(%arg12 : memref<!tpu.dma_semaphore, #tpu.memory_space<semaphore_mem>>) src(%dma_wait3A_30 : memref<100000x32xf32, #tpu.memory_space<hbm>>) dst(%arg9 : memref<128x32xf32, #tpu.memory_space<vmem>>)
        "tpu.region"() ({
          %run_scoped3A = tpu.sem_alloc : memref<!tpu.dma_semaphore, #tpu.memory_space<semaphore_mem>>
          %dma_start3A_31 = arith.constant 0 : i32
          %dma_start3A_32 = arith.constant 0 : i32
          %dma_start3A_33 = tpu.memref_slice %arg11[%dma_start3A_31, %dma_start3A_32] : memref<50000x32xf32, #tpu.memory_space<vmem_shared>> -> memref<50000x32xf32, #tpu.memory_space<vmem_shared>>
          tpu.enqueue_indirect_dma source(%arg9 : memref<128x32xf32, #tpu.memory_space<vmem>>) target(%dma_start3A_33 : memref<50000x32xf32, #tpu.memory_space<vmem_shared>>) offsets(%arg8 : memref<128xi32, #tpu.memory_space<vmem>>) semaphore(%run_scoped3A : memref<!tpu.dma_semaphore, #tpu.memory_space<semaphore_mem>>) {add = true}
          %dma_wait3A_34 = arith.constant 0 : i32
          %dma_wait3A_35 = arith.constant 0 : i32
          %dma_wait3A_36 = tpu.memref_slice %arg11[%dma_wait3A_34, %dma_wait3A_35] : memref<50000x32xf32, #tpu.memory_space<vmem_shared>> -> memref<50000x32xf32, #tpu.memory_space<vmem_shared>>
          tpu.wait_indirect_dma semaphore(%run_scoped3A : memref<!tpu.dma_semaphore, #tpu.memory_space<semaphore_mem>>) src(%arg9 : memref<128x32xf32, #tpu.memory_space<vmem>>) dst(%dma_wait3A_36 : memref<50000x32xf32, #tpu.memory_space<vmem_shared>>)
          tpu.yield
        }) : () -> ()
      } else {
      }
    }
    %scan3A_10 = arith.constant 391 : i32
    %barrier3A_11 = arith.constant 0 : index
    tpu.barrier barrier_id(%barrier3A_11)
    %scan3A_12 = arith.constant 0 : i32
    %scan3A_13 = arith.constant 0 : i32
    %scan3A_14 = arith.constant 16 : i32
    %scan3A_15 = arith.addi %scan3A_13, %scan3A_14 : i32
    %scan3A_16 = arith.constant 1 : i32
    scf.for %scan3A_18 = %scan3A_13 to %scan3A_15 step %scan3A_16  : i32 {
      %mul3A = arith.constant 16 : i32
      %mul3A_19 = arith.muli %scan3A_18, %mul3A : i32
      %add3A = arith.addi %arg1, %mul3A_19 : i32
      %lt3A = arith.constant 250 : i32
      %lt3A_20 = arith.cmpi slt, %add3A, %lt3A : i32
      %convert_element_type3A = arith.extui %lt3A_20 : i1 to i32
      %cond3A = arith.constant 0 : i32
      %cond3A_21 = arith.cmpi ne, %convert_element_type3A, %cond3A : i32
      scf.if %cond3A_21 {
        %mul3A_22 = arith.constant 200 : i32
        %mul3A_23 = arith.muli %add3A, %mul3A_22 : i32
        "tpu.region"() ({
          %run_scoped3A = tpu.sem_alloc : memref<!tpu.dma_semaphore, #tpu.memory_space<semaphore_mem>>
          %dma_start3A = arith.constant 0 : i32
          %dma_start3A_29 = tpu.memref_slice %arg11[%mul3A_23, %dma_start3A] : memref<50000x32xf32, #tpu.memory_space<vmem_shared>> -> memref<200x32xf32, #tpu.memory_space<vmem_shared>>
          %dma_start3A_30 = arith.constant 0 : i32
          %dma_start3A_31 = tpu.memref_slice %arg11[%mul3A_23, %dma_start3A_30] : memref<50000x32xf32, #tpu.memory_space<vmem_shared>> -> memref<200x32xf32, #tpu.memory_space<vmem_shared>>
          tpu.enqueue_dma source(%dma_start3A_31 : memref<200x32xf32, #tpu.memory_space<vmem_shared>>) target(%arg10 : memref<200x32xf32, #tpu.memory_space<vmem>>) target_semaphore(%run_scoped3A : memref<!tpu.dma_semaphore, #tpu.memory_space<semaphore_mem>>)
          %dma_wait3A = arith.constant 0 : i32
          %dma_wait3A_32 = tpu.memref_slice %arg11[%mul3A_23, %dma_wait3A] : memref<50000x32xf32, #tpu.memory_space<vmem_shared>> -> memref<200x32xf32, #tpu.memory_space<vmem_shared>>
          %dma_wait3A_33 = arith.constant 0 : i32
          %dma_wait3A_34 = tpu.memref_slice %arg11[%mul3A_23, %dma_wait3A_33] : memref<50000x32xf32, #tpu.memory_space<vmem_shared>> -> memref<200x32xf32, #tpu.memory_space<vmem_shared>>
          tpu.wait_dma2 semaphore(%run_scoped3A : memref<!tpu.dma_semaphore, #tpu.memory_space<semaphore_mem>>) src(%dma_wait3A_34 : memref<200x32xf32, #tpu.memory_space<vmem_shared>>) dst(%arg10 : memref<200x32xf32, #tpu.memory_space<vmem>>)
          tpu.yield
        }) : () -> ()
        %mul3A_24 = arith.constant 50000 : i32
        %mul3A_25 = arith.muli %arg0, %mul3A_24 : i32
        %mul3A_26 = arith.constant 200 : i32
        %mul3A_27 = arith.muli %add3A, %mul3A_26 : i32
        %add3A_28 = arith.addi %mul3A_25, %mul3A_27 : i32
        "tpu.region"() ({
          %run_scoped3A = tpu.sem_alloc : memref<!tpu.dma_semaphore, #tpu.memory_space<semaphore_mem>>
          %dma_start3A = arith.constant 0 : i32
          %dma_start3A_29 = tpu.memref_slice %arg6[%add3A_28, %dma_start3A] : memref<100000x32xf32, #tpu.memory_space<hbm>> -> memref<200x32xf32, #tpu.memory_space<hbm>>
          %dma_start3A_30 = arith.constant 0 : i32
          %dma_start3A_31 = tpu.memref_slice %arg6[%add3A_28, %dma_start3A_30] : memref<100000x32xf32, #tpu.memory_space<hbm>> -> memref<200x32xf32, #tpu.memory_space<hbm>>
          tpu.enqueue_dma source(%arg10 : memref<200x32xf32, #tpu.memory_space<vmem>>) target(%dma_start3A_31 : memref<200x32xf32, #tpu.memory_space<hbm>>) target_semaphore(%run_scoped3A : memref<!tpu.dma_semaphore, #tpu.memory_space<semaphore_mem>>)
          %dma_wait3A = arith.constant 0 : i32
          %dma_wait3A_32 = tpu.memref_slice %arg6[%add3A_28, %dma_wait3A] : memref<100000x32xf32, #tpu.memory_space<hbm>> -> memref<200x32xf32, #tpu.memory_space<hbm>>
          %dma_wait3A_33 = arith.constant 0 : i32
          %dma_wait3A_34 = tpu.memref_slice %arg6[%add3A_28, %dma_wait3A_33] : memref<100000x32xf32, #tpu.memory_space<hbm>> -> memref<200x32xf32, #tpu.memory_space<hbm>>
          tpu.wait_dma2 semaphore(%run_scoped3A : memref<!tpu.dma_semaphore, #tpu.memory_space<semaphore_mem>>) src(%arg10 : memref<200x32xf32, #tpu.memory_space<vmem>>) dst(%dma_wait3A_34 : memref<200x32xf32, #tpu.memory_space<hbm>>)
          tpu.yield
        }) : () -> ()
      } else {
      }
    }
    %scan3A_17 = arith.constant 16 : i32
    return
  }
}

#map = affine_map<(d0, d1) -> (0, 0)>
#map1 = affine_map<(d0, d1) -> (0)>
module attributes {stable_mosaic.version = 14 : i64} {
  func.func @sc_scatter(%arg0: i32, %arg1: i32, %arg2: memref<100000x32xf32, #tpu.memory_space<hbm>>, %arg3: memref<1600000xi32, #tpu.memory_space<hbm>>, %arg4: memref<800000xi32, #tpu.memory_space<hbm>>, %arg5: memref<200x32xf32, #tpu.memory_space<hbm>>, %arg6: memref<100000x32xf32, #tpu.memory_space<hbm>>, %arg7: memref<128xi32, #tpu.memory_space<vmem>>, %arg8: memref<128xi32, #tpu.memory_space<vmem>>, %arg9: memref<128x32xf32, #tpu.memory_space<vmem>>, %arg10: memref<200x32xf32, #tpu.memory_space<vmem>>, %arg11: memref<50000x32xf32, #tpu.memory_space<vmem_shared>>, %arg12: memref<!tpu.dma_semaphore, #tpu.memory_space<semaphore_mem>>) attributes {dimension_semantics = [#tpu.dimension_semantics<core_parallel>, #tpu.dimension_semantics<subcore_parallel>], iteration_bounds = array<i64: 2, 16>, scalar_prefetch = 0 : i64, scratch_operands = 6 : i64, tpu.core_type = #tpu.core_type<sc_vector_subcore>, window_params = [{transform_indices = #map}, {transform_indices = #map1}, {transform_indices = #map1}, {transform_indices = #map}, {transform_indices = #map}]} {
    "tpu.region"() ({
      %run_scoped3A = tpu.sem_alloc : memref<!tpu.dma_semaphore, #tpu.memory_space<semaphore_mem>>
      tpu.enqueue_dma source(%arg5 : memref<200x32xf32, #tpu.memory_space<hbm>>) target(%arg10 : memref<200x32xf32, #tpu.memory_space<vmem>>) target_semaphore(%run_scoped3A : memref<!tpu.dma_semaphore, #tpu.memory_space<semaphore_mem>>)
      tpu.wait_dma2 semaphore(%run_scoped3A : memref<!tpu.dma_semaphore, #tpu.memory_space<semaphore_mem>>) src(%arg5 : memref<200x32xf32, #tpu.memory_space<hbm>>) dst(%arg10 : memref<200x32xf32, #tpu.memory_space<vmem>>)
      tpu.yield
    }) : () -> ()
    %scan3A = arith.constant 0 : i32
    %scan3A_0 = arith.constant 0 : i32
    %scan3A_1 = arith.constant 16 : i32
    %scan3A_2 = arith.addi %scan3A_0, %scan3A_1 : i32
    %scan3A_3 = arith.constant 1 : i32
    scf.for %scan3A_18 = %scan3A_0 to %scan3A_2 step %scan3A_3  : i32 {
      %mul3A = arith.constant 16 : i32
      %mul3A_19 = arith.muli %scan3A_18, %mul3A : i32
      %add3A = arith.addi %arg1, %mul3A_19 : i32
      %lt3A = arith.constant 250 : i32
      %lt3A_20 = arith.cmpi slt, %add3A, %lt3A : i32
      %convert_element_type3A = arith.extui %lt3A_20 : i1 to i32
      %cond3A = arith.constant 0 : i32
      %cond3A_21 = arith.cmpi ne, %convert_element_type3A, %cond3A : i32
      scf.if %cond3A_21 {
        %mul3A_22 = arith.constant 200 : i32
        %mul3A_23 = arith.muli %add3A, %mul3A_22 : i32
        "tpu.region"() ({
          %run_scoped3A = tpu.sem_alloc : memref<!tpu.dma_semaphore, #tpu.memory_space<semaphore_mem>>
          %dma_start3A = arith.constant 0 : i32
          %dma_start3A_24 = tpu.memref_slice %arg11[%mul3A_23, %dma_start3A] : memref<50000x32xf32, #tpu.memory_space<vmem_shared>> -> memref<200x32xf32, #tpu.memory_space<vmem_shared>>
          %dma_start3A_25 = arith.constant 0 : i32
          %dma_start3A_26 = tpu.memref_slice %arg11[%mul3A_23, %dma_start3A_25] : memref<50000x32xf32, #tpu.memory_space<vmem_shared>> -> memref<200x32xf32, #tpu.memory_space<vmem_shared>>
          tpu.enqueue_dma source(%arg10 : memref<200x32xf32, #tpu.memory_space<vmem>>) target(%dma_start3A_26 : memref<200x32xf32, #tpu.memory_space<vmem_shared>>) target_semaphore(%run_scoped3A : memref<!tpu.dma_semaphore, #tpu.memory_space<semaphore_mem>>)
          %dma_wait3A = arith.constant 0 : i32
          %dma_wait3A_27 = tpu.memref_slice %arg11[%mul3A_23, %dma_wait3A] : memref<50000x32xf32, #tpu.memory_space<vmem_shared>> -> memref<200x32xf32, #tpu.memory_space<vmem_shared>>
          %dma_wait3A_28 = arith.constant 0 : i32
          %dma_wait3A_29 = tpu.memref_slice %arg11[%mul3A_23, %dma_wait3A_28] : memref<50000x32xf32, #tpu.memory_space<vmem_shared>> -> memref<200x32xf32, #tpu.memory_space<vmem_shared>>
          tpu.wait_dma2 semaphore(%run_scoped3A : memref<!tpu.dma_semaphore, #tpu.memory_space<semaphore_mem>>) src(%arg10 : memref<200x32xf32, #tpu.memory_space<vmem>>) dst(%dma_wait3A_29 : memref<200x32xf32, #tpu.memory_space<vmem_shared>>)
          tpu.yield
        }) : () -> ()
      } else {
      }
    }
    %scan3A_4 = arith.constant 16 : i32
    %barrier3A = arith.constant 0 : index
    tpu.barrier barrier_id(%barrier3A)
    %scan3A_5 = arith.constant 0 : i32
    %scan3A_6 = arith.constant 0 : i32
    %scan3A_7 = arith.constant 391 : i32
    %scan3A_8 = arith.addi %scan3A_6, %scan3A_7 : i32
    %scan3A_9 = arith.constant 1 : i32
    scf.for %scan3A_18 = %scan3A_6 to %scan3A_8 step %scan3A_9  : i32 {
      %mul3A = arith.constant 16 : i32
      %mul3A_19 = arith.muli %scan3A_18, %mul3A : i32
      %add3A = arith.addi %arg1, %mul3A_19 : i32
      %lt3A = arith.constant 6250 : i32
      %lt3A_20 = arith.cmpi slt, %add3A, %lt3A : i32
      %convert_element_type3A = arith.extui %lt3A_20 : i1 to i32
      %cond3A = arith.constant 0 : i32
      %cond3A_21 = arith.cmpi ne, %convert_element_type3A, %cond3A : i32
      scf.if %cond3A_21 {
        %mul3A_22 = arith.constant 128 : i32
        %mul3A_23 = arith.muli %add3A, %mul3A_22 : i32
        %mul3A_24 = arith.constant 800000 : i32
        %mul3A_25 = arith.muli %arg0, %mul3A_24 : i32
        %add3A_26 = arith.addi %mul3A_25, %mul3A_23 : i32
        "tpu.region"() ({
          %run_scoped3A = tpu.sem_alloc : memref<!tpu.dma_semaphore, #tpu.memory_space<semaphore_mem>>
          %dma_start3A_31 = tpu.memref_slice %arg3[%add3A_26] : memref<1600000xi32, #tpu.memory_space<hbm>> -> memref<128xi32, #tpu.memory_space<hbm>>
          %dma_start3A_32 = tpu.memref_slice %arg3[%add3A_26] : memref<1600000xi32, #tpu.memory_space<hbm>> -> memref<128xi32, #tpu.memory_space<hbm>>
          tpu.enqueue_dma source(%dma_start3A_32 : memref<128xi32, #tpu.memory_space<hbm>>) target(%arg7 : memref<128xi32, #tpu.memory_space<vmem>>) target_semaphore(%run_scoped3A : memref<!tpu.dma_semaphore, #tpu.memory_space<semaphore_mem>>)
          %dma_wait3A_33 = tpu.memref_slice %arg3[%add3A_26] : memref<1600000xi32, #tpu.memory_space<hbm>> -> memref<128xi32, #tpu.memory_space<hbm>>
          %dma_wait3A_34 = tpu.memref_slice %arg3[%add3A_26] : memref<1600000xi32, #tpu.memory_space<hbm>> -> memref<128xi32, #tpu.memory_space<hbm>>
          tpu.wait_dma2 semaphore(%run_scoped3A : memref<!tpu.dma_semaphore, #tpu.memory_space<semaphore_mem>>) src(%dma_wait3A_34 : memref<128xi32, #tpu.memory_space<hbm>>) dst(%arg7 : memref<128xi32, #tpu.memory_space<vmem>>)
          tpu.yield
        }) : () -> ()
        "tpu.region"() ({
          %run_scoped3A = tpu.sem_alloc : memref<!tpu.dma_semaphore, #tpu.memory_space<semaphore_mem>>
          %dma_start3A_31 = tpu.memref_slice %arg4[%mul3A_23] : memref<800000xi32, #tpu.memory_space<hbm>> -> memref<128xi32, #tpu.memory_space<hbm>>
          %dma_start3A_32 = tpu.memref_slice %arg4[%mul3A_23] : memref<800000xi32, #tpu.memory_space<hbm>> -> memref<128xi32, #tpu.memory_space<hbm>>
          tpu.enqueue_dma source(%dma_start3A_32 : memref<128xi32, #tpu.memory_space<hbm>>) target(%arg8 : memref<128xi32, #tpu.memory_space<vmem>>) target_semaphore(%run_scoped3A : memref<!tpu.dma_semaphore, #tpu.memory_space<semaphore_mem>>)
          %dma_wait3A_33 = tpu.memref_slice %arg4[%mul3A_23] : memref<800000xi32, #tpu.memory_space<hbm>> -> memref<128xi32, #tpu.memory_space<hbm>>
          %dma_wait3A_34 = tpu.memref_slice %arg4[%mul3A_23] : memref<800000xi32, #tpu.memory_space<hbm>> -> memref<128xi32, #tpu.memory_space<hbm>>
          tpu.wait_dma2 semaphore(%run_scoped3A : memref<!tpu.dma_semaphore, #tpu.memory_space<semaphore_mem>>) src(%dma_wait3A_34 : memref<128xi32, #tpu.memory_space<hbm>>) dst(%arg8 : memref<128xi32, #tpu.memory_space<vmem>>)
          tpu.yield
        }) : () -> ()
        %dma_start3A = arith.constant 0 : i32
        %dma_start3A_27 = arith.constant 0 : i32
        %dma_start3A_28 = tpu.memref_slice %arg2[%dma_start3A, %dma_start3A_27] : memref<100000x32xf32, #tpu.memory_space<hbm>> -> memref<100000x32xf32, #tpu.memory_space<hbm>>
        tpu.enqueue_indirect_dma source(%dma_start3A_28 : memref<100000x32xf32, #tpu.memory_space<hbm>>) target(%arg9 : memref<128x32xf32, #tpu.memory_space<vmem>>) offsets(%arg7 : memref<128xi32, #tpu.memory_space<vmem>>) semaphore(%arg12 : memref<!tpu.dma_semaphore, #tpu.memory_space<semaphore_mem>>)
        %dma_wait3A = arith.constant 0 : i32
        %dma_wait3A_29 = arith.constant 0 : i32
        %dma_wait3A_30 = tpu.memref_slice %arg2[%dma_wait3A, %dma_wait3A_29] : memref<100000x32xf32, #tpu.memory_space<hbm>> -> memref<100000x32xf32, #tpu.memory_space<hbm>>
        tpu.wait_indirect_dma semaphore(%arg12 : memref<!tpu.dma_semaphore, #tpu.memory_space<semaphore_mem>>) src(%dma_wait3A_30 : memref<100000x32xf32, #tpu.memory_space<hbm>>) dst(%arg9 : memref<128x32xf32, #tpu.memory_space<vmem>>)
        "tpu.region"() ({
          %run_scoped3A = tpu.sem_alloc : memref<!tpu.dma_semaphore, #tpu.memory_space<semaphore_mem>>
          %dma_start3A_31 = arith.constant 0 : i32
          %dma_start3A_32 = arith.constant 0 : i32
          %dma_start3A_33 = tpu.memref_slice %arg11[%dma_start3A_31, %dma_start3A_32] : memref<50000x32xf32, #tpu.memory_space<vmem_shared>> -> memref<50000x32xf32, #tpu.memory_space<vmem_shared>>
          tpu.enqueue_indirect_dma source(%arg9 : memref<128x32xf32, #tpu.memory_space<vmem>>) target(%dma_start3A_33 : memref<50000x32xf32, #tpu.memory_space<vmem_shared>>) offsets(%arg8 : memref<128xi32, #tpu.memory_space<vmem>>) semaphore(%run_scoped3A : memref<!tpu.dma_semaphore, #tpu.memory_space<semaphore_mem>>) {add = true}
          %dma_wait3A_34 = arith.constant 0 : i32
          %dma_wait3A_35 = arith.constant 0 : i32
          %dma_wait3A_36 = tpu.memref_slice %arg11[%dma_wait3A_34, %dma_wait3A_35] : memref<50000x32xf32, #tpu.memory_space<vmem_shared>> -> memref<50000x32xf32, #tpu.memory_space<vmem_shared>>
          tpu.wait_indirect_dma semaphore(%run_scoped3A : memref<!tpu.dma_semaphore, #tpu.memory_space<semaphore_mem>>) src(%arg9 : memref<128x32xf32, #tpu.memory_space<vmem>>) dst(%dma_wait3A_36 : memref<50000x32xf32, #tpu.memory_space<vmem_shared>>)
          tpu.yield
        }) : () -> ()
      } else {
      }
    }
    %scan3A_10 = arith.constant 391 : i32
    %barrier3A_11 = arith.constant 0 : index
    tpu.barrier barrier_id(%barrier3A_11)
    %scan3A_12 = arith.constant 0 : i32
    %scan3A_13 = arith.constant 0 : i32
    %scan3A_14 = arith.constant 16 : i32
    %scan3A_15 = arith.addi %scan3A_13, %scan3A_14 : i32
    %scan3A_16 = arith.constant 1 : i32
    scf.for %scan3A_18 = %scan3A_13 to %scan3A_15 step %scan3A_16  : i32 {
      %mul3A = arith.constant 16 : i32
      %mul3A_19 = arith.muli %scan3A_18, %mul3A : i32
      %add3A = arith.addi %arg1, %mul3A_19 : i32
      %lt3A = arith.constant 250 : i32
      %lt3A_20 = arith.cmpi slt, %add3A, %lt3A : i32
      %convert_element_type3A = arith.extui %lt3A_20 : i1 to i32
      %cond3A = arith.constant 0 : i32
      %cond3A_21 = arith.cmpi ne, %convert_element_type3A, %cond3A : i32
      scf.if %cond3A_21 {
        %mul3A_22 = arith.constant 200 : i32
        %mul3A_23 = arith.muli %add3A, %mul3A_22 : i32
        "tpu.region"() ({
          %run_scoped3A = tpu.sem_alloc : memref<!tpu.dma_semaphore, #tpu.memory_space<semaphore_mem>>
          %dma_start3A = arith.constant 0 : i32
          %dma_start3A_29 = tpu.memref_slice %arg11[%mul3A_23, %dma_start3A] : memref<50000x32xf32, #tpu.memory_space<vmem_shared>> -> memref<200x32xf32, #tpu.memory_space<vmem_shared>>
          %dma_start3A_30 = arith.constant 0 : i32
          %dma_start3A_31 = tpu.memref_slice %arg11[%mul3A_23, %dma_start3A_30] : memref<50000x32xf32, #tpu.memory_space<vmem_shared>> -> memref<200x32xf32, #tpu.memory_space<vmem_shared>>
          tpu.enqueue_dma source(%dma_start3A_31 : memref<200x32xf32, #tpu.memory_space<vmem_shared>>) target(%arg10 : memref<200x32xf32, #tpu.memory_space<vmem>>) target_semaphore(%run_scoped3A : memref<!tpu.dma_semaphore, #tpu.memory_space<semaphore_mem>>)
          %dma_wait3A = arith.constant 0 : i32
          %dma_wait3A_32 = tpu.memref_slice %arg11[%mul3A_23, %dma_wait3A] : memref<50000x32xf32, #tpu.memory_space<vmem_shared>> -> memref<200x32xf32, #tpu.memory_space<vmem_shared>>
          %dma_wait3A_33 = arith.constant 0 : i32
          %dma_wait3A_34 = tpu.memref_slice %arg11[%mul3A_23, %dma_wait3A_33] : memref<50000x32xf32, #tpu.memory_space<vmem_shared>> -> memref<200x32xf32, #tpu.memory_space<vmem_shared>>
          tpu.wait_dma2 semaphore(%run_scoped3A : memref<!tpu.dma_semaphore, #tpu.memory_space<semaphore_mem>>) src(%dma_wait3A_34 : memref<200x32xf32, #tpu.memory_space<vmem_shared>>) dst(%arg10 : memref<200x32xf32, #tpu.memory_space<vmem>>)
          tpu.yield
        }) : () -> ()
        %mul3A_24 = arith.constant 50000 : i32
        %mul3A_25 = arith.muli %arg0, %mul3A_24 : i32
        %mul3A_26 = arith.constant 200 : i32
        %mul3A_27 = arith.muli %add3A, %mul3A_26 : i32
        %add3A_28 = arith.addi %mul3A_25, %mul3A_27 : i32
        "tpu.region"() ({
          %run_scoped3A = tpu.sem_alloc : memref<!tpu.dma_semaphore, #tpu.memory_space<semaphore_mem>>
          %dma_start3A = arith.constant 0 : i32
          %dma_start3A_29 = tpu.memref_slice %arg6[%add3A_28, %dma_start3A] : memref<100000x32xf32, #tpu.memory_space<hbm>> -> memref<200x32xf32, #tpu.memory_space<hbm>>
          %dma_start3A_30 = arith.constant 0 : i32
          %dma_start3A_31 = tpu.memref_slice %arg6[%add3A_28, %dma_start3A_30] : memref<100000x32xf32, #tpu.memory_space<hbm>> -> memref<200x32xf32, #tpu.memory_space<hbm>>
          tpu.enqueue_dma source(%arg10 : memref<200x32xf32, #tpu.memory_space<vmem>>) target(%dma_start3A_31 : memref<200x32xf32, #tpu.memory_space<hbm>>) target_semaphore(%run_scoped3A : memref<!tpu.dma_semaphore, #tpu.memory_space<semaphore_mem>>)
          %dma_wait3A = arith.constant 0 : i32
          %dma_wait3A_32 = tpu.memref_slice %arg6[%add3A_28, %dma_wait3A] : memref<100000x32xf32, #tpu.memory_space<hbm>> -> memref<200x32xf32, #tpu.memory_space<hbm>>
          %dma_wait3A_33 = arith.constant 0 : i32
          %dma_wait3A_34 = tpu.memref_slice %arg6[%add3A_28, %dma_wait3A_33] : memref<100000x32xf32, #tpu.memory_space<hbm>> -> memref<200x32xf32, #tpu.memory_space<hbm>>
          tpu.wait_dma2 semaphore(%run_scoped3A : memref<!tpu.dma_semaphore, #tpu.memory_space<semaphore_mem>>) src(%arg10 : memref<200x32xf32, #tpu.memory_space<vmem>>) dst(%dma_wait3A_34 : memref<200x32xf32, #tpu.memory_space<hbm>>)
          tpu.yield
        }) : () -> ()
      } else {
      }
    }
    %scan3A_17 = arith.constant 16 : i32
    return
  }
}

#map = affine_map<(d0, d1) -> (0, 0)>
#map1 = affine_map<(d0, d1) -> (0)>
module attributes {stable_mosaic.version = 14 : i64} {
  func.func @sc_scatter(%arg0: i32, %arg1: i32, %arg2: memref<100000x32xf32, #tpu.memory_space<hbm>>, %arg3: memref<1600000xi32, #tpu.memory_space<hbm>>, %arg4: memref<800000xi32, #tpu.memory_space<hbm>>, %arg5: memref<200x32xf32, #tpu.memory_space<hbm>>, %arg6: memref<100000x32xf32, #tpu.memory_space<hbm>>, %arg7: memref<128xi32, #tpu.memory_space<vmem>>, %arg8: memref<128xi32, #tpu.memory_space<vmem>>, %arg9: memref<128x32xf32, #tpu.memory_space<vmem>>, %arg10: memref<200x32xf32, #tpu.memory_space<vmem>>, %arg11: memref<50000x32xf32, #tpu.memory_space<vmem_shared>>, %arg12: memref<!tpu.dma_semaphore, #tpu.memory_space<semaphore_mem>>) attributes {dimension_semantics = [#tpu.dimension_semantics<core_parallel>, #tpu.dimension_semantics<subcore_parallel>], iteration_bounds = array<i64: 2, 16>, scalar_prefetch = 0 : i64, scratch_operands = 6 : i64, tpu.core_type = #tpu.core_type<sc_vector_subcore>, window_params = [{transform_indices = #map}, {transform_indices = #map1}, {transform_indices = #map1}, {transform_indices = #map}, {transform_indices = #map}]} {
    "tpu.region"() ({
      %run_scoped3A = tpu.sem_alloc : memref<!tpu.dma_semaphore, #tpu.memory_space<semaphore_mem>>
      tpu.enqueue_dma source(%arg5 : memref<200x32xf32, #tpu.memory_space<hbm>>) target(%arg10 : memref<200x32xf32, #tpu.memory_space<vmem>>) target_semaphore(%run_scoped3A : memref<!tpu.dma_semaphore, #tpu.memory_space<semaphore_mem>>)
      tpu.wait_dma2 semaphore(%run_scoped3A : memref<!tpu.dma_semaphore, #tpu.memory_space<semaphore_mem>>) src(%arg5 : memref<200x32xf32, #tpu.memory_space<hbm>>) dst(%arg10 : memref<200x32xf32, #tpu.memory_space<vmem>>)
      tpu.yield
    }) : () -> ()
    %scan3A = arith.constant 0 : i32
    %scan3A_0 = arith.constant 0 : i32
    %scan3A_1 = arith.constant 16 : i32
    %scan3A_2 = arith.addi %scan3A_0, %scan3A_1 : i32
    %scan3A_3 = arith.constant 1 : i32
    scf.for %scan3A_18 = %scan3A_0 to %scan3A_2 step %scan3A_3  : i32 {
      %mul3A = arith.constant 16 : i32
      %mul3A_19 = arith.muli %scan3A_18, %mul3A : i32
      %add3A = arith.addi %arg1, %mul3A_19 : i32
      %lt3A = arith.constant 250 : i32
      %lt3A_20 = arith.cmpi slt, %add3A, %lt3A : i32
      %convert_element_type3A = arith.extui %lt3A_20 : i1 to i32
      %cond3A = arith.constant 0 : i32
      %cond3A_21 = arith.cmpi ne, %convert_element_type3A, %cond3A : i32
      scf.if %cond3A_21 {
        %mul3A_22 = arith.constant 200 : i32
        %mul3A_23 = arith.muli %add3A, %mul3A_22 : i32
        "tpu.region"() ({
          %run_scoped3A = tpu.sem_alloc : memref<!tpu.dma_semaphore, #tpu.memory_space<semaphore_mem>>
          %dma_start3A = arith.constant 0 : i32
          %dma_start3A_24 = tpu.memref_slice %arg11[%mul3A_23, %dma_start3A] : memref<50000x32xf32, #tpu.memory_space<vmem_shared>> -> memref<200x32xf32, #tpu.memory_space<vmem_shared>>
          %dma_start3A_25 = arith.constant 0 : i32
          %dma_start3A_26 = tpu.memref_slice %arg11[%mul3A_23, %dma_start3A_25] : memref<50000x32xf32, #tpu.memory_space<vmem_shared>> -> memref<200x32xf32, #tpu.memory_space<vmem_shared>>
          tpu.enqueue_dma source(%arg10 : memref<200x32xf32, #tpu.memory_space<vmem>>) target(%dma_start3A_26 : memref<200x32xf32, #tpu.memory_space<vmem_shared>>) target_semaphore(%run_scoped3A : memref<!tpu.dma_semaphore, #tpu.memory_space<semaphore_mem>>)
          %dma_wait3A = arith.constant 0 : i32
          %dma_wait3A_27 = tpu.memref_slice %arg11[%mul3A_23, %dma_wait3A] : memref<50000x32xf32, #tpu.memory_space<vmem_shared>> -> memref<200x32xf32, #tpu.memory_space<vmem_shared>>
          %dma_wait3A_28 = arith.constant 0 : i32
          %dma_wait3A_29 = tpu.memref_slice %arg11[%mul3A_23, %dma_wait3A_28] : memref<50000x32xf32, #tpu.memory_space<vmem_shared>> -> memref<200x32xf32, #tpu.memory_space<vmem_shared>>
          tpu.wait_dma2 semaphore(%run_scoped3A : memref<!tpu.dma_semaphore, #tpu.memory_space<semaphore_mem>>) src(%arg10 : memref<200x32xf32, #tpu.memory_space<vmem>>) dst(%dma_wait3A_29 : memref<200x32xf32, #tpu.memory_space<vmem_shared>>)
          tpu.yield
        }) : () -> ()
      } else {
      }
    }
    %scan3A_4 = arith.constant 16 : i32
    %barrier3A = arith.constant 0 : index
    tpu.barrier barrier_id(%barrier3A)
    %scan3A_5 = arith.constant 0 : i32
    %scan3A_6 = arith.constant 0 : i32
    %scan3A_7 = arith.constant 391 : i32
    %scan3A_8 = arith.addi %scan3A_6, %scan3A_7 : i32
    %scan3A_9 = arith.constant 1 : i32
    scf.for %scan3A_18 = %scan3A_6 to %scan3A_8 step %scan3A_9  : i32 {
      %mul3A = arith.constant 16 : i32
      %mul3A_19 = arith.muli %scan3A_18, %mul3A : i32
      %add3A = arith.addi %arg1, %mul3A_19 : i32
      %lt3A = arith.constant 6250 : i32
      %lt3A_20 = arith.cmpi slt, %add3A, %lt3A : i32
      %convert_element_type3A = arith.extui %lt3A_20 : i1 to i32
      %cond3A = arith.constant 0 : i32
      %cond3A_21 = arith.cmpi ne, %convert_element_type3A, %cond3A : i32
      scf.if %cond3A_21 {
        %mul3A_22 = arith.constant 128 : i32
        %mul3A_23 = arith.muli %add3A, %mul3A_22 : i32
        %mul3A_24 = arith.constant 800000 : i32
        %mul3A_25 = arith.muli %arg0, %mul3A_24 : i32
        %add3A_26 = arith.addi %mul3A_25, %mul3A_23 : i32
        "tpu.region"() ({
          %run_scoped3A = tpu.sem_alloc : memref<!tpu.dma_semaphore, #tpu.memory_space<semaphore_mem>>
          %dma_start3A_31 = tpu.memref_slice %arg3[%add3A_26] : memref<1600000xi32, #tpu.memory_space<hbm>> -> memref<128xi32, #tpu.memory_space<hbm>>
          %dma_start3A_32 = tpu.memref_slice %arg3[%add3A_26] : memref<1600000xi32, #tpu.memory_space<hbm>> -> memref<128xi32, #tpu.memory_space<hbm>>
          tpu.enqueue_dma source(%dma_start3A_32 : memref<128xi32, #tpu.memory_space<hbm>>) target(%arg7 : memref<128xi32, #tpu.memory_space<vmem>>) target_semaphore(%run_scoped3A : memref<!tpu.dma_semaphore, #tpu.memory_space<semaphore_mem>>)
          %dma_wait3A_33 = tpu.memref_slice %arg3[%add3A_26] : memref<1600000xi32, #tpu.memory_space<hbm>> -> memref<128xi32, #tpu.memory_space<hbm>>
          %dma_wait3A_34 = tpu.memref_slice %arg3[%add3A_26] : memref<1600000xi32, #tpu.memory_space<hbm>> -> memref<128xi32, #tpu.memory_space<hbm>>
          tpu.wait_dma2 semaphore(%run_scoped3A : memref<!tpu.dma_semaphore, #tpu.memory_space<semaphore_mem>>) src(%dma_wait3A_34 : memref<128xi32, #tpu.memory_space<hbm>>) dst(%arg7 : memref<128xi32, #tpu.memory_space<vmem>>)
          tpu.yield
        }) : () -> ()
        "tpu.region"() ({
          %run_scoped3A = tpu.sem_alloc : memref<!tpu.dma_semaphore, #tpu.memory_space<semaphore_mem>>
          %dma_start3A_31 = tpu.memref_slice %arg4[%mul3A_23] : memref<800000xi32, #tpu.memory_space<hbm>> -> memref<128xi32, #tpu.memory_space<hbm>>
          %dma_start3A_32 = tpu.memref_slice %arg4[%mul3A_23] : memref<800000xi32, #tpu.memory_space<hbm>> -> memref<128xi32, #tpu.memory_space<hbm>>
          tpu.enqueue_dma source(%dma_start3A_32 : memref<128xi32, #tpu.memory_space<hbm>>) target(%arg8 : memref<128xi32, #tpu.memory_space<vmem>>) target_semaphore(%run_scoped3A : memref<!tpu.dma_semaphore, #tpu.memory_space<semaphore_mem>>)
          %dma_wait3A_33 = tpu.memref_slice %arg4[%mul3A_23] : memref<800000xi32, #tpu.memory_space<hbm>> -> memref<128xi32, #tpu.memory_space<hbm>>
          %dma_wait3A_34 = tpu.memref_slice %arg4[%mul3A_23] : memref<800000xi32, #tpu.memory_space<hbm>> -> memref<128xi32, #tpu.memory_space<hbm>>
          tpu.wait_dma2 semaphore(%run_scoped3A : memref<!tpu.dma_semaphore, #tpu.memory_space<semaphore_mem>>) src(%dma_wait3A_34 : memref<128xi32, #tpu.memory_space<hbm>>) dst(%arg8 : memref<128xi32, #tpu.memory_space<vmem>>)
          tpu.yield
        }) : () -> ()
        %dma_start3A = arith.constant 0 : i32
        %dma_start3A_27 = arith.constant 0 : i32
        %dma_start3A_28 = tpu.memref_slice %arg2[%dma_start3A, %dma_start3A_27] : memref<100000x32xf32, #tpu.memory_space<hbm>> -> memref<100000x32xf32, #tpu.memory_space<hbm>>
        tpu.enqueue_indirect_dma source(%dma_start3A_28 : memref<100000x32xf32, #tpu.memory_space<hbm>>) target(%arg9 : memref<128x32xf32, #tpu.memory_space<vmem>>) offsets(%arg7 : memref<128xi32, #tpu.memory_space<vmem>>) semaphore(%arg12 : memref<!tpu.dma_semaphore, #tpu.memory_space<semaphore_mem>>)
        %dma_wait3A = arith.constant 0 : i32
        %dma_wait3A_29 = arith.constant 0 : i32
        %dma_wait3A_30 = tpu.memref_slice %arg2[%dma_wait3A, %dma_wait3A_29] : memref<100000x32xf32, #tpu.memory_space<hbm>> -> memref<100000x32xf32, #tpu.memory_space<hbm>>
        tpu.wait_indirect_dma semaphore(%arg12 : memref<!tpu.dma_semaphore, #tpu.memory_space<semaphore_mem>>) src(%dma_wait3A_30 : memref<100000x32xf32, #tpu.memory_space<hbm>>) dst(%arg9 : memref<128x32xf32, #tpu.memory_space<vmem>>)
        "tpu.region"() ({
          %run_scoped3A = tpu.sem_alloc : memref<!tpu.dma_semaphore, #tpu.memory_space<semaphore_mem>>
          %dma_start3A_31 = arith.constant 0 : i32
          %dma_start3A_32 = arith.constant 0 : i32
          %dma_start3A_33 = tpu.memref_slice %arg11[%dma_start3A_31, %dma_start3A_32] : memref<50000x32xf32, #tpu.memory_space<vmem_shared>> -> memref<50000x32xf32, #tpu.memory_space<vmem_shared>>
          tpu.enqueue_indirect_dma source(%arg9 : memref<128x32xf32, #tpu.memory_space<vmem>>) target(%dma_start3A_33 : memref<50000x32xf32, #tpu.memory_space<vmem_shared>>) offsets(%arg8 : memref<128xi32, #tpu.memory_space<vmem>>) semaphore(%run_scoped3A : memref<!tpu.dma_semaphore, #tpu.memory_space<semaphore_mem>>) {add = true}
          %dma_wait3A_34 = arith.constant 0 : i32
          %dma_wait3A_35 = arith.constant 0 : i32
          %dma_wait3A_36 = tpu.memref_slice %arg11[%dma_wait3A_34, %dma_wait3A_35] : memref<50000x32xf32, #tpu.memory_space<vmem_shared>> -> memref<50000x32xf32, #tpu.memory_space<vmem_shared>>
          tpu.wait_indirect_dma semaphore(%run_scoped3A : memref<!tpu.dma_semaphore, #tpu.memory_space<semaphore_mem>>) src(%arg9 : memref<128x32xf32, #tpu.memory_space<vmem>>) dst(%dma_wait3A_36 : memref<50000x32xf32, #tpu.memory_space<vmem_shared>>)
          tpu.yield
        }) : () -> ()
      } else {
      }
    }
    %scan3A_10 = arith.constant 391 : i32
    %barrier3A_11 = arith.constant 0 : index
    tpu.barrier barrier_id(%barrier3A_11)
    %scan3A_12 = arith.constant 0 : i32
    %scan3A_13 = arith.constant 0 : i32
    %scan3A_14 = arith.constant 16 : i32
    %scan3A_15 = arith.addi %scan3A_13, %scan3A_14 : i32
    %scan3A_16 = arith.constant 1 : i32
    scf.for %scan3A_18 = %scan3A_13 to %scan3A_15 step %scan3A_16  : i32 {
      %mul3A = arith.constant 16 : i32
      %mul3A_19 = arith.muli %scan3A_18, %mul3A : i32
      %add3A = arith.addi %arg1, %mul3A_19 : i32
      %lt3A = arith.constant 250 : i32
      %lt3A_20 = arith.cmpi slt, %add3A, %lt3A : i32
      %convert_element_type3A = arith.extui %lt3A_20 : i1 to i32
      %cond3A = arith.constant 0 : i32
      %cond3A_21 = arith.cmpi ne, %convert_element_type3A, %cond3A : i32
      scf.if %cond3A_21 {
        %mul3A_22 = arith.constant 200 : i32
        %mul3A_23 = arith.muli %add3A, %mul3A_22 : i32
        "tpu.region"() ({
          %run_scoped3A = tpu.sem_alloc : memref<!tpu.dma_semaphore, #tpu.memory_space<semaphore_mem>>
          %dma_start3A = arith.constant 0 : i32
          %dma_start3A_29 = tpu.memref_slice %arg11[%mul3A_23, %dma_start3A] : memref<50000x32xf32, #tpu.memory_space<vmem_shared>> -> memref<200x32xf32, #tpu.memory_space<vmem_shared>>
          %dma_start3A_30 = arith.constant 0 : i32
          %dma_start3A_31 = tpu.memref_slice %arg11[%mul3A_23, %dma_start3A_30] : memref<50000x32xf32, #tpu.memory_space<vmem_shared>> -> memref<200x32xf32, #tpu.memory_space<vmem_shared>>
          tpu.enqueue_dma source(%dma_start3A_31 : memref<200x32xf32, #tpu.memory_space<vmem_shared>>) target(%arg10 : memref<200x32xf32, #tpu.memory_space<vmem>>) target_semaphore(%run_scoped3A : memref<!tpu.dma_semaphore, #tpu.memory_space<semaphore_mem>>)
          %dma_wait3A = arith.constant 0 : i32
          %dma_wait3A_32 = tpu.memref_slice %arg11[%mul3A_23, %dma_wait3A] : memref<50000x32xf32, #tpu.memory_space<vmem_shared>> -> memref<200x32xf32, #tpu.memory_space<vmem_shared>>
          %dma_wait3A_33 = arith.constant 0 : i32
          %dma_wait3A_34 = tpu.memref_slice %arg11[%mul3A_23, %dma_wait3A_33] : memref<50000x32xf32, #tpu.memory_space<vmem_shared>> -> memref<200x32xf32, #tpu.memory_space<vmem_shared>>
          tpu.wait_dma2 semaphore(%run_scoped3A : memref<!tpu.dma_semaphore, #tpu.memory_space<semaphore_mem>>) src(%dma_wait3A_34 : memref<200x32xf32, #tpu.memory_space<vmem_shared>>) dst(%arg10 : memref<200x32xf32, #tpu.memory_space<vmem>>)
          tpu.yield
        }) : () -> ()
        %mul3A_24 = arith.constant 50000 : i32
        %mul3A_25 = arith.muli %arg0, %mul3A_24 : i32
        %mul3A_26 = arith.constant 200 : i32
        %mul3A_27 = arith.muli %add3A, %mul3A_26 : i32
        %add3A_28 = arith.addi %mul3A_25, %mul3A_27 : i32
        "tpu.region"() ({
          %run_scoped3A = tpu.sem_alloc : memref<!tpu.dma_semaphore, #tpu.memory_space<semaphore_mem>>
          %dma_start3A = arith.constant 0 : i32
          %dma_start3A_29 = tpu.memref_slice %arg6[%add3A_28, %dma_start3A] : memref<100000x32xf32, #tpu.memory_space<hbm>> -> memref<200x32xf32, #tpu.memory_space<hbm>>
          %dma_start3A_30 = arith.constant 0 : i32
          %dma_start3A_31 = tpu.memref_slice %arg6[%add3A_28, %dma_start3A_30] : memref<100000x32xf32, #tpu.memory_space<hbm>> -> memref<200x32xf32, #tpu.memory_space<hbm>>
          tpu.enqueue_dma source(%arg10 : memref<200x32xf32, #tpu.memory_space<vmem>>) target(%dma_start3A_31 : memref<200x32xf32, #tpu.memory_space<hbm>>) target_semaphore(%run_scoped3A : memref<!tpu.dma_semaphore, #tpu.memory_space<semaphore_mem>>)
          %dma_wait3A = arith.constant 0 : i32
          %dma_wait3A_32 = tpu.memref_slice %arg6[%add3A_28, %dma_wait3A] : memref<100000x32xf32, #tpu.memory_space<hbm>> -> memref<200x32xf32, #tpu.memory_space<hbm>>
          %dma_wait3A_33 = arith.constant 0 : i32
          %dma_wait3A_34 = tpu.memref_slice %arg6[%add3A_28, %dma_wait3A_33] : memref<100000x32xf32, #tpu.memory_space<hbm>> -> memref<200x32xf32, #tpu.memory_space<hbm>>
          tpu.wait_dma2 semaphore(%run_scoped3A : memref<!tpu.dma_semaphore, #tpu.memory_space<semaphore_mem>>) src(%arg10 : memref<200x32xf32, #tpu.memory_space<vmem>>) dst(%dma_wait3A_34 : memref<200x32xf32, #tpu.memory_space<hbm>>)
          tpu.yield
        }) : () -> ()
      } else {
      }
    }
    %scan3A_17 = arith.constant 16 : i32
    return
  }
}

#map = affine_map<(d0, d1) -> (0, 0)>
#map1 = affine_map<(d0, d1) -> (0)>
module attributes {stable_mosaic.version = 14 : i64} {
  func.func @sc_scatter(%arg0: i32, %arg1: i32, %arg2: memref<100000x32xf32, #tpu.memory_space<hbm>>, %arg3: memref<1600000xi32, #tpu.memory_space<hbm>>, %arg4: memref<800000xi32, #tpu.memory_space<hbm>>, %arg5: memref<200x32xf32, #tpu.memory_space<hbm>>, %arg6: memref<100000x32xf32, #tpu.memory_space<hbm>>, %arg7: memref<128xi32, #tpu.memory_space<vmem>>, %arg8: memref<128xi32, #tpu.memory_space<vmem>>, %arg9: memref<128x32xf32, #tpu.memory_space<vmem>>, %arg10: memref<200x32xf32, #tpu.memory_space<vmem>>, %arg11: memref<50000x32xf32, #tpu.memory_space<vmem_shared>>, %arg12: memref<!tpu.dma_semaphore, #tpu.memory_space<semaphore_mem>>) attributes {dimension_semantics = [#tpu.dimension_semantics<core_parallel>, #tpu.dimension_semantics<subcore_parallel>], iteration_bounds = array<i64: 2, 16>, scalar_prefetch = 0 : i64, scratch_operands = 6 : i64, tpu.core_type = #tpu.core_type<sc_vector_subcore>, window_params = [{transform_indices = #map}, {transform_indices = #map1}, {transform_indices = #map1}, {transform_indices = #map}, {transform_indices = #map}]} {
    "tpu.region"() ({
      %run_scoped3A = tpu.sem_alloc : memref<!tpu.dma_semaphore, #tpu.memory_space<semaphore_mem>>
      tpu.enqueue_dma source(%arg5 : memref<200x32xf32, #tpu.memory_space<hbm>>) target(%arg10 : memref<200x32xf32, #tpu.memory_space<vmem>>) target_semaphore(%run_scoped3A : memref<!tpu.dma_semaphore, #tpu.memory_space<semaphore_mem>>)
      tpu.wait_dma2 semaphore(%run_scoped3A : memref<!tpu.dma_semaphore, #tpu.memory_space<semaphore_mem>>) src(%arg5 : memref<200x32xf32, #tpu.memory_space<hbm>>) dst(%arg10 : memref<200x32xf32, #tpu.memory_space<vmem>>)
      tpu.yield
    }) : () -> ()
    %scan3A = arith.constant 0 : i32
    %scan3A_0 = arith.constant 0 : i32
    %scan3A_1 = arith.constant 16 : i32
    %scan3A_2 = arith.addi %scan3A_0, %scan3A_1 : i32
    %scan3A_3 = arith.constant 1 : i32
    scf.for %scan3A_18 = %scan3A_0 to %scan3A_2 step %scan3A_3  : i32 {
      %mul3A = arith.constant 16 : i32
      %mul3A_19 = arith.muli %scan3A_18, %mul3A : i32
      %add3A = arith.addi %arg1, %mul3A_19 : i32
      %lt3A = arith.constant 250 : i32
      %lt3A_20 = arith.cmpi slt, %add3A, %lt3A : i32
      %convert_element_type3A = arith.extui %lt3A_20 : i1 to i32
      %cond3A = arith.constant 0 : i32
      %cond3A_21 = arith.cmpi ne, %convert_element_type3A, %cond3A : i32
      scf.if %cond3A_21 {
        %mul3A_22 = arith.constant 200 : i32
        %mul3A_23 = arith.muli %add3A, %mul3A_22 : i32
        "tpu.region"() ({
          %run_scoped3A = tpu.sem_alloc : memref<!tpu.dma_semaphore, #tpu.memory_space<semaphore_mem>>
          %dma_start3A = arith.constant 0 : i32
          %dma_start3A_24 = tpu.memref_slice %arg11[%mul3A_23, %dma_start3A] : memref<50000x32xf32, #tpu.memory_space<vmem_shared>> -> memref<200x32xf32, #tpu.memory_space<vmem_shared>>
          %dma_start3A_25 = arith.constant 0 : i32
          %dma_start3A_26 = tpu.memref_slice %arg11[%mul3A_23, %dma_start3A_25] : memref<50000x32xf32, #tpu.memory_space<vmem_shared>> -> memref<200x32xf32, #tpu.memory_space<vmem_shared>>
          tpu.enqueue_dma source(%arg10 : memref<200x32xf32, #tpu.memory_space<vmem>>) target(%dma_start3A_26 : memref<200x32xf32, #tpu.memory_space<vmem_shared>>) target_semaphore(%run_scoped3A : memref<!tpu.dma_semaphore, #tpu.memory_space<semaphore_mem>>)
          %dma_wait3A = arith.constant 0 : i32
          %dma_wait3A_27 = tpu.memref_slice %arg11[%mul3A_23, %dma_wait3A] : memref<50000x32xf32, #tpu.memory_space<vmem_shared>> -> memref<200x32xf32, #tpu.memory_space<vmem_shared>>
          %dma_wait3A_28 = arith.constant 0 : i32
          %dma_wait3A_29 = tpu.memref_slice %arg11[%mul3A_23, %dma_wait3A_28] : memref<50000x32xf32, #tpu.memory_space<vmem_shared>> -> memref<200x32xf32, #tpu.memory_space<vmem_shared>>
          tpu.wait_dma2 semaphore(%run_scoped3A : memref<!tpu.dma_semaphore, #tpu.memory_space<semaphore_mem>>) src(%arg10 : memref<200x32xf32, #tpu.memory_space<vmem>>) dst(%dma_wait3A_29 : memref<200x32xf32, #tpu.memory_space<vmem_shared>>)
          tpu.yield
        }) : () -> ()
      } else {
      }
    }
    %scan3A_4 = arith.constant 16 : i32
    %barrier3A = arith.constant 0 : index
    tpu.barrier barrier_id(%barrier3A)
    %scan3A_5 = arith.constant 0 : i32
    %scan3A_6 = arith.constant 0 : i32
    %scan3A_7 = arith.constant 391 : i32
    %scan3A_8 = arith.addi %scan3A_6, %scan3A_7 : i32
    %scan3A_9 = arith.constant 1 : i32
    scf.for %scan3A_18 = %scan3A_6 to %scan3A_8 step %scan3A_9  : i32 {
      %mul3A = arith.constant 16 : i32
      %mul3A_19 = arith.muli %scan3A_18, %mul3A : i32
      %add3A = arith.addi %arg1, %mul3A_19 : i32
      %lt3A = arith.constant 6250 : i32
      %lt3A_20 = arith.cmpi slt, %add3A, %lt3A : i32
      %convert_element_type3A = arith.extui %lt3A_20 : i1 to i32
      %cond3A = arith.constant 0 : i32
      %cond3A_21 = arith.cmpi ne, %convert_element_type3A, %cond3A : i32
      scf.if %cond3A_21 {
        %mul3A_22 = arith.constant 128 : i32
        %mul3A_23 = arith.muli %add3A, %mul3A_22 : i32
        %mul3A_24 = arith.constant 800000 : i32
        %mul3A_25 = arith.muli %arg0, %mul3A_24 : i32
        %add3A_26 = arith.addi %mul3A_25, %mul3A_23 : i32
        "tpu.region"() ({
          %run_scoped3A = tpu.sem_alloc : memref<!tpu.dma_semaphore, #tpu.memory_space<semaphore_mem>>
          %dma_start3A_31 = tpu.memref_slice %arg3[%add3A_26] : memref<1600000xi32, #tpu.memory_space<hbm>> -> memref<128xi32, #tpu.memory_space<hbm>>
          %dma_start3A_32 = tpu.memref_slice %arg3[%add3A_26] : memref<1600000xi32, #tpu.memory_space<hbm>> -> memref<128xi32, #tpu.memory_space<hbm>>
          tpu.enqueue_dma source(%dma_start3A_32 : memref<128xi32, #tpu.memory_space<hbm>>) target(%arg7 : memref<128xi32, #tpu.memory_space<vmem>>) target_semaphore(%run_scoped3A : memref<!tpu.dma_semaphore, #tpu.memory_space<semaphore_mem>>)
          %dma_wait3A_33 = tpu.memref_slice %arg3[%add3A_26] : memref<1600000xi32, #tpu.memory_space<hbm>> -> memref<128xi32, #tpu.memory_space<hbm>>
          %dma_wait3A_34 = tpu.memref_slice %arg3[%add3A_26] : memref<1600000xi32, #tpu.memory_space<hbm>> -> memref<128xi32, #tpu.memory_space<hbm>>
          tpu.wait_dma2 semaphore(%run_scoped3A : memref<!tpu.dma_semaphore, #tpu.memory_space<semaphore_mem>>) src(%dma_wait3A_34 : memref<128xi32, #tpu.memory_space<hbm>>) dst(%arg7 : memref<128xi32, #tpu.memory_space<vmem>>)
          tpu.yield
        }) : () -> ()
        "tpu.region"() ({
          %run_scoped3A = tpu.sem_alloc : memref<!tpu.dma_semaphore, #tpu.memory_space<semaphore_mem>>
          %dma_start3A_31 = tpu.memref_slice %arg4[%mul3A_23] : memref<800000xi32, #tpu.memory_space<hbm>> -> memref<128xi32, #tpu.memory_space<hbm>>
          %dma_start3A_32 = tpu.memref_slice %arg4[%mul3A_23] : memref<800000xi32, #tpu.memory_space<hbm>> -> memref<128xi32, #tpu.memory_space<hbm>>
          tpu.enqueue_dma source(%dma_start3A_32 : memref<128xi32, #tpu.memory_space<hbm>>) target(%arg8 : memref<128xi32, #tpu.memory_space<vmem>>) target_semaphore(%run_scoped3A : memref<!tpu.dma_semaphore, #tpu.memory_space<semaphore_mem>>)
          %dma_wait3A_33 = tpu.memref_slice %arg4[%mul3A_23] : memref<800000xi32, #tpu.memory_space<hbm>> -> memref<128xi32, #tpu.memory_space<hbm>>
          %dma_wait3A_34 = tpu.memref_slice %arg4[%mul3A_23] : memref<800000xi32, #tpu.memory_space<hbm>> -> memref<128xi32, #tpu.memory_space<hbm>>
          tpu.wait_dma2 semaphore(%run_scoped3A : memref<!tpu.dma_semaphore, #tpu.memory_space<semaphore_mem>>) src(%dma_wait3A_34 : memref<128xi32, #tpu.memory_space<hbm>>) dst(%arg8 : memref<128xi32, #tpu.memory_space<vmem>>)
          tpu.yield
        }) : () -> ()
        %dma_start3A = arith.constant 0 : i32
        %dma_start3A_27 = arith.constant 0 : i32
        %dma_start3A_28 = tpu.memref_slice %arg2[%dma_start3A, %dma_start3A_27] : memref<100000x32xf32, #tpu.memory_space<hbm>> -> memref<100000x32xf32, #tpu.memory_space<hbm>>
        tpu.enqueue_indirect_dma source(%dma_start3A_28 : memref<100000x32xf32, #tpu.memory_space<hbm>>) target(%arg9 : memref<128x32xf32, #tpu.memory_space<vmem>>) offsets(%arg7 : memref<128xi32, #tpu.memory_space<vmem>>) semaphore(%arg12 : memref<!tpu.dma_semaphore, #tpu.memory_space<semaphore_mem>>)
        %dma_wait3A = arith.constant 0 : i32
        %dma_wait3A_29 = arith.constant 0 : i32
        %dma_wait3A_30 = tpu.memref_slice %arg2[%dma_wait3A, %dma_wait3A_29] : memref<100000x32xf32, #tpu.memory_space<hbm>> -> memref<100000x32xf32, #tpu.memory_space<hbm>>
        tpu.wait_indirect_dma semaphore(%arg12 : memref<!tpu.dma_semaphore, #tpu.memory_space<semaphore_mem>>) src(%dma_wait3A_30 : memref<100000x32xf32, #tpu.memory_space<hbm>>) dst(%arg9 : memref<128x32xf32, #tpu.memory_space<vmem>>)
        "tpu.region"() ({
          %run_scoped3A = tpu.sem_alloc : memref<!tpu.dma_semaphore, #tpu.memory_space<semaphore_mem>>
          %dma_start3A_31 = arith.constant 0 : i32
          %dma_start3A_32 = arith.constant 0 : i32
          %dma_start3A_33 = tpu.memref_slice %arg11[%dma_start3A_31, %dma_start3A_32] : memref<50000x32xf32, #tpu.memory_space<vmem_shared>> -> memref<50000x32xf32, #tpu.memory_space<vmem_shared>>
          tpu.enqueue_indirect_dma source(%arg9 : memref<128x32xf32, #tpu.memory_space<vmem>>) target(%dma_start3A_33 : memref<50000x32xf32, #tpu.memory_space<vmem_shared>>) offsets(%arg8 : memref<128xi32, #tpu.memory_space<vmem>>) semaphore(%run_scoped3A : memref<!tpu.dma_semaphore, #tpu.memory_space<semaphore_mem>>) {add = true}
          %dma_wait3A_34 = arith.constant 0 : i32
          %dma_wait3A_35 = arith.constant 0 : i32
          %dma_wait3A_36 = tpu.memref_slice %arg11[%dma_wait3A_34, %dma_wait3A_35] : memref<50000x32xf32, #tpu.memory_space<vmem_shared>> -> memref<50000x32xf32, #tpu.memory_space<vmem_shared>>
          tpu.wait_indirect_dma semaphore(%run_scoped3A : memref<!tpu.dma_semaphore, #tpu.memory_space<semaphore_mem>>) src(%arg9 : memref<128x32xf32, #tpu.memory_space<vmem>>) dst(%dma_wait3A_36 : memref<50000x32xf32, #tpu.memory_space<vmem_shared>>)
          tpu.yield
        }) : () -> ()
      } else {
      }
    }
    %scan3A_10 = arith.constant 391 : i32
    %barrier3A_11 = arith.constant 0 : index
    tpu.barrier barrier_id(%barrier3A_11)
    %scan3A_12 = arith.constant 0 : i32
    %scan3A_13 = arith.constant 0 : i32
    %scan3A_14 = arith.constant 16 : i32
    %scan3A_15 = arith.addi %scan3A_13, %scan3A_14 : i32
    %scan3A_16 = arith.constant 1 : i32
    scf.for %scan3A_18 = %scan3A_13 to %scan3A_15 step %scan3A_16  : i32 {
      %mul3A = arith.constant 16 : i32
      %mul3A_19 = arith.muli %scan3A_18, %mul3A : i32
      %add3A = arith.addi %arg1, %mul3A_19 : i32
      %lt3A = arith.constant 250 : i32
      %lt3A_20 = arith.cmpi slt, %add3A, %lt3A : i32
      %convert_element_type3A = arith.extui %lt3A_20 : i1 to i32
      %cond3A = arith.constant 0 : i32
      %cond3A_21 = arith.cmpi ne, %convert_element_type3A, %cond3A : i32
      scf.if %cond3A_21 {
        %mul3A_22 = arith.constant 200 : i32
        %mul3A_23 = arith.muli %add3A, %mul3A_22 : i32
        "tpu.region"() ({
          %run_scoped3A = tpu.sem_alloc : memref<!tpu.dma_semaphore, #tpu.memory_space<semaphore_mem>>
          %dma_start3A = arith.constant 0 : i32
          %dma_start3A_29 = tpu.memref_slice %arg11[%mul3A_23, %dma_start3A] : memref<50000x32xf32, #tpu.memory_space<vmem_shared>> -> memref<200x32xf32, #tpu.memory_space<vmem_shared>>
          %dma_start3A_30 = arith.constant 0 : i32
          %dma_start3A_31 = tpu.memref_slice %arg11[%mul3A_23, %dma_start3A_30] : memref<50000x32xf32, #tpu.memory_space<vmem_shared>> -> memref<200x32xf32, #tpu.memory_space<vmem_shared>>
          tpu.enqueue_dma source(%dma_start3A_31 : memref<200x32xf32, #tpu.memory_space<vmem_shared>>) target(%arg10 : memref<200x32xf32, #tpu.memory_space<vmem>>) target_semaphore(%run_scoped3A : memref<!tpu.dma_semaphore, #tpu.memory_space<semaphore_mem>>)
          %dma_wait3A = arith.constant 0 : i32
          %dma_wait3A_32 = tpu.memref_slice %arg11[%mul3A_23, %dma_wait3A] : memref<50000x32xf32, #tpu.memory_space<vmem_shared>> -> memref<200x32xf32, #tpu.memory_space<vmem_shared>>
          %dma_wait3A_33 = arith.constant 0 : i32
          %dma_wait3A_34 = tpu.memref_slice %arg11[%mul3A_23, %dma_wait3A_33] : memref<50000x32xf32, #tpu.memory_space<vmem_shared>> -> memref<200x32xf32, #tpu.memory_space<vmem_shared>>
          tpu.wait_dma2 semaphore(%run_scoped3A : memref<!tpu.dma_semaphore, #tpu.memory_space<semaphore_mem>>) src(%dma_wait3A_34 : memref<200x32xf32, #tpu.memory_space<vmem_shared>>) dst(%arg10 : memref<200x32xf32, #tpu.memory_space<vmem>>)
          tpu.yield
        }) : () -> ()
        %mul3A_24 = arith.constant 50000 : i32
        %mul3A_25 = arith.muli %arg0, %mul3A_24 : i32
        %mul3A_26 = arith.constant 200 : i32
        %mul3A_27 = arith.muli %add3A, %mul3A_26 : i32
        %add3A_28 = arith.addi %mul3A_25, %mul3A_27 : i32
        "tpu.region"() ({
          %run_scoped3A = tpu.sem_alloc : memref<!tpu.dma_semaphore, #tpu.memory_space<semaphore_mem>>
          %dma_start3A = arith.constant 0 : i32
          %dma_start3A_29 = tpu.memref_slice %arg6[%add3A_28, %dma_start3A] : memref<100000x32xf32, #tpu.memory_space<hbm>> -> memref<200x32xf32, #tpu.memory_space<hbm>>
          %dma_start3A_30 = arith.constant 0 : i32
          %dma_start3A_31 = tpu.memref_slice %arg6[%add3A_28, %dma_start3A_30] : memref<100000x32xf32, #tpu.memory_space<hbm>> -> memref<200x32xf32, #tpu.memory_space<hbm>>
          tpu.enqueue_dma source(%arg10 : memref<200x32xf32, #tpu.memory_space<vmem>>) target(%dma_start3A_31 : memref<200x32xf32, #tpu.memory_space<hbm>>) target_semaphore(%run_scoped3A : memref<!tpu.dma_semaphore, #tpu.memory_space<semaphore_mem>>)
          %dma_wait3A = arith.constant 0 : i32
          %dma_wait3A_32 = tpu.memref_slice %arg6[%add3A_28, %dma_wait3A] : memref<100000x32xf32, #tpu.memory_space<hbm>> -> memref<200x32xf32, #tpu.memory_space<hbm>>
          %dma_wait3A_33 = arith.constant 0 : i32
          %dma_wait3A_34 = tpu.memref_slice %arg6[%add3A_28, %dma_wait3A_33] : memref<100000x32xf32, #tpu.memory_space<hbm>> -> memref<200x32xf32, #tpu.memory_space<hbm>>
          tpu.wait_dma2 semaphore(%run_scoped3A : memref<!tpu.dma_semaphore, #tpu.memory_space<semaphore_mem>>) src(%arg10 : memref<200x32xf32, #tpu.memory_space<vmem>>) dst(%dma_wait3A_34 : memref<200x32xf32, #tpu.memory_space<hbm>>)
          tpu.yield
        }) : () -> ()
      } else {
      }
    }
    %scan3A_17 = arith.constant 16 : i32
    return
  }
}

#map = affine_map<(d0, d1) -> (0, 0)>
#map1 = affine_map<(d0, d1) -> (0)>
module attributes {stable_mosaic.version = 14 : i64} {
  func.func @sc_pool(%arg0: i32, %arg1: i32, %arg2: memref<100000x32xf32, #tpu.memory_space<hbm>>, %arg3: memref<50000xi32, #tpu.memory_space<hbm>>, %arg4: memref<512x32xf32, #tpu.memory_space<hbm>>, %arg5: memref<1024x32xf32, #tpu.memory_space<hbm>>, %arg6: memref<80xi32, #tpu.memory_space<vmem>>, %arg7: memref<80x32xf32, #tpu.memory_space<vmem>>, %arg8: memref<128x32xf32, #tpu.memory_space<vmem>>, %arg9: memref<512x32xf32, #tpu.memory_space<vmem_shared>>) attributes {dimension_semantics = [#tpu.dimension_semantics<core_parallel>, #tpu.dimension_semantics<subcore_parallel>], iteration_bounds = array<i64: 2, 16>, scalar_prefetch = 0 : i64, scratch_operands = 4 : i64, tpu.core_type = #tpu.core_type<sc_vector_subcore>, window_params = [{transform_indices = #map}, {transform_indices = #map1}, {transform_indices = #map}, {transform_indices = #map}]} {
    %lt3A = arith.constant 4 : i32
    %lt3A_0 = arith.cmpi slt, %arg1, %lt3A : i32
    %convert_element_type3A = arith.extui %lt3A_0 : i1 to i32
    %cond3A = arith.constant 0 : i32
    %cond3A_1 = arith.cmpi ne, %convert_element_type3A, %cond3A : i32
    scf.if %cond3A_1 {
      %mul3A_13 = arith.constant 128 : i32
      %mul3A_14 = arith.muli %arg1, %mul3A_13 : i32
      "tpu.region"() ({
        %run_scoped3A = tpu.sem_alloc : memref<!tpu.dma_semaphore, #tpu.memory_space<semaphore_mem>>
        %dma_start3A = arith.constant 0 : i32
        %dma_start3A_17 = tpu.memref_slice %arg4[%mul3A_14, %dma_start3A] : memref<512x32xf32, #tpu.memory_space<hbm>> -> memref<128x32xf32, #tpu.memory_space<hbm>>
        %dma_start3A_18 = arith.constant 0 : i32
        %dma_start3A_19 = tpu.memref_slice %arg4[%mul3A_14, %dma_start3A_18] : memref<512x32xf32, #tpu.memory_space<hbm>> -> memref<128x32xf32, #tpu.memory_space<hbm>>
        tpu.enqueue_dma source(%dma_start3A_19 : memref<128x32xf32, #tpu.memory_space<hbm>>) target(%arg8 : memref<128x32xf32, #tpu.memory_space<vmem>>) target_semaphore(%run_scoped3A : memref<!tpu.dma_semaphore, #tpu.memory_space<semaphore_mem>>)
        %dma_wait3A = arith.constant 0 : i32
        %dma_wait3A_20 = tpu.memref_slice %arg4[%mul3A_14, %dma_wait3A] : memref<512x32xf32, #tpu.memory_space<hbm>> -> memref<128x32xf32, #tpu.memory_space<hbm>>
        %dma_wait3A_21 = arith.constant 0 : i32
        %dma_wait3A_22 = tpu.memref_slice %arg4[%mul3A_14, %dma_wait3A_21] : memref<512x32xf32, #tpu.memory_space<hbm>> -> memref<128x32xf32, #tpu.memory_space<hbm>>
        tpu.wait_dma2 semaphore(%run_scoped3A : memref<!tpu.dma_semaphore, #tpu.memory_space<semaphore_mem>>) src(%dma_wait3A_22 : memref<128x32xf32, #tpu.memory_space<hbm>>) dst(%arg8 : memref<128x32xf32, #tpu.memory_space<vmem>>)
        tpu.yield
      }) : () -> ()
      %mul3A_15 = arith.constant 128 : i32
      %mul3A_16 = arith.muli %arg1, %mul3A_15 : i32
      "tpu.region"() ({
        %run_scoped3A = tpu.sem_alloc : memref<!tpu.dma_semaphore, #tpu.memory_space<semaphore_mem>>
        %dma_start3A = arith.constant 0 : i32
        %dma_start3A_17 = tpu.memref_slice %arg9[%mul3A_16, %dma_start3A] : memref<512x32xf32, #tpu.memory_space<vmem_shared>> -> memref<128x32xf32, #tpu.memory_space<vmem_shared>>
        %dma_start3A_18 = arith.constant 0 : i32
        %dma_start3A_19 = tpu.memref_slice %arg9[%mul3A_16, %dma_start3A_18] : memref<512x32xf32, #tpu.memory_space<vmem_shared>> -> memref<128x32xf32, #tpu.memory_space<vmem_shared>>
        tpu.enqueue_dma source(%arg8 : memref<128x32xf32, #tpu.memory_space<vmem>>) target(%dma_start3A_19 : memref<128x32xf32, #tpu.memory_space<vmem_shared>>) target_semaphore(%run_scoped3A : memref<!tpu.dma_semaphore, #tpu.memory_space<semaphore_mem>>)
        %dma_wait3A = arith.constant 0 : i32
        %dma_wait3A_20 = tpu.memref_slice %arg9[%mul3A_16, %dma_wait3A] : memref<512x32xf32, #tpu.memory_space<vmem_shared>> -> memref<128x32xf32, #tpu.memory_space<vmem_shared>>
        %dma_wait3A_21 = arith.constant 0 : i32
        %dma_wait3A_22 = tpu.memref_slice %arg9[%mul3A_16, %dma_wait3A_21] : memref<512x32xf32, #tpu.memory_space<vmem_shared>> -> memref<128x32xf32, #tpu.memory_space<vmem_shared>>
        tpu.wait_dma2 semaphore(%run_scoped3A : memref<!tpu.dma_semaphore, #tpu.memory_space<semaphore_mem>>) src(%arg8 : memref<128x32xf32, #tpu.memory_space<vmem>>) dst(%dma_wait3A_22 : memref<128x32xf32, #tpu.memory_space<vmem_shared>>)
        tpu.yield
      }) : () -> ()
    } else {
    }
    %barrier3A = arith.constant 0 : index
    tpu.barrier barrier_id(%barrier3A)
    %scan3A = arith.constant 0 : i32
    %scan3A_2 = arith.constant 0 : i32
    %scan3A_3 = arith.constant 40 : i32
    %scan3A_4 = arith.addi %scan3A_2, %scan3A_3 : i32
    %scan3A_5 = arith.constant 1 : i32
    scf.for %scan3A_13 = %scan3A_2 to %scan3A_4 step %scan3A_5  : i32 {
      %mul3A_14 = arith.constant 16 : i32
      %mul3A_15 = arith.muli %scan3A_13, %mul3A_14 : i32
      %add3A_16 = arith.addi %arg1, %mul3A_15 : i32
      %lt3A_17 = arith.constant 625 : i32
      %lt3A_18 = arith.cmpi slt, %add3A_16, %lt3A_17 : i32
      %convert_element_type3A_19 = arith.extui %lt3A_18 : i1 to i32
      %cond3A_20 = arith.constant 0 : i32
      %cond3A_21 = arith.cmpi ne, %convert_element_type3A_19, %cond3A_20 : i32
      scf.if %cond3A_21 {
        %mul3A_22 = arith.constant 50000 : i32
        %mul3A_23 = arith.muli %arg0, %mul3A_22 : i32
        %mul3A_24 = arith.constant 80 : i32
        %mul3A_25 = arith.muli %add3A_16, %mul3A_24 : i32
        %add3A_26 = arith.addi %mul3A_23, %mul3A_25 : i32
        "tpu.region"() ({
          %run_scoped3A = tpu.sem_alloc : memref<!tpu.dma_semaphore, #tpu.memory_space<semaphore_mem>>
          %dma_start3A = arith.constant 0 : i32
          %dma_start3A_29 = tpu.memref_slice %arg2[%add3A_26, %dma_start3A] : memref<100000x32xf32, #tpu.memory_space<hbm>> -> memref<80x32xf32, #tpu.memory_space<hbm>>
          %dma_start3A_30 = arith.constant 0 : i32
          %dma_start3A_31 = tpu.memref_slice %arg2[%add3A_26, %dma_start3A_30] : memref<100000x32xf32, #tpu.memory_space<hbm>> -> memref<80x32xf32, #tpu.memory_space<hbm>>
          tpu.enqueue_dma source(%dma_start3A_31 : memref<80x32xf32, #tpu.memory_space<hbm>>) target(%arg7 : memref<80x32xf32, #tpu.memory_space<vmem>>) target_semaphore(%run_scoped3A : memref<!tpu.dma_semaphore, #tpu.memory_space<semaphore_mem>>)
          %dma_wait3A = arith.constant 0 : i32
          %dma_wait3A_32 = tpu.memref_slice %arg2[%add3A_26, %dma_wait3A] : memref<100000x32xf32, #tpu.memory_space<hbm>> -> memref<80x32xf32, #tpu.memory_space<hbm>>
          %dma_wait3A_33 = arith.constant 0 : i32
          %dma_wait3A_34 = tpu.memref_slice %arg2[%add3A_26, %dma_wait3A_33] : memref<100000x32xf32, #tpu.memory_space<hbm>> -> memref<80x32xf32, #tpu.memory_space<hbm>>
          tpu.wait_dma2 semaphore(%run_scoped3A : memref<!tpu.dma_semaphore, #tpu.memory_space<semaphore_mem>>) src(%dma_wait3A_34 : memref<80x32xf32, #tpu.memory_space<hbm>>) dst(%arg7 : memref<80x32xf32, #tpu.memory_space<vmem>>)
          tpu.yield
        }) : () -> ()
        %mul3A_27 = arith.constant 80 : i32
        %mul3A_28 = arith.muli %add3A_16, %mul3A_27 : i32
        "tpu.region"() ({
          %run_scoped3A = tpu.sem_alloc : memref<!tpu.dma_semaphore, #tpu.memory_space<semaphore_mem>>
          %dma_start3A = tpu.memref_slice %arg3[%mul3A_28] : memref<50000xi32, #tpu.memory_space<hbm>> -> memref<80xi32, #tpu.memory_space<hbm>>
          %dma_start3A_29 = tpu.memref_slice %arg3[%mul3A_28] : memref<50000xi32, #tpu.memory_space<hbm>> -> memref<80xi32, #tpu.memory_space<hbm>>
          tpu.enqueue_dma source(%dma_start3A_29 : memref<80xi32, #tpu.memory_space<hbm>>) target(%arg6 : memref<80xi32, #tpu.memory_space<vmem>>) target_semaphore(%run_scoped3A : memref<!tpu.dma_semaphore, #tpu.memory_space<semaphore_mem>>)
          %dma_wait3A = tpu.memref_slice %arg3[%mul3A_28] : memref<50000xi32, #tpu.memory_space<hbm>> -> memref<80xi32, #tpu.memory_space<hbm>>
          %dma_wait3A_30 = tpu.memref_slice %arg3[%mul3A_28] : memref<50000xi32, #tpu.memory_space<hbm>> -> memref<80xi32, #tpu.memory_space<hbm>>
          tpu.wait_dma2 semaphore(%run_scoped3A : memref<!tpu.dma_semaphore, #tpu.memory_space<semaphore_mem>>) src(%dma_wait3A_30 : memref<80xi32, #tpu.memory_space<hbm>>) dst(%arg6 : memref<80xi32, #tpu.memory_space<vmem>>)
          tpu.yield
        }) : () -> ()
        "tpu.region"() ({
          %run_scoped3A = tpu.sem_alloc : memref<!tpu.dma_semaphore, #tpu.memory_space<semaphore_mem>>
          %dma_start3A = arith.constant 0 : i32
          %dma_start3A_29 = arith.constant 0 : i32
          %dma_start3A_30 = tpu.memref_slice %arg9[%dma_start3A, %dma_start3A_29] : memref<512x32xf32, #tpu.memory_space<vmem_shared>> -> memref<512x32xf32, #tpu.memory_space<vmem_shared>>
          tpu.enqueue_indirect_dma source(%arg7 : memref<80x32xf32, #tpu.memory_space<vmem>>) target(%dma_start3A_30 : memref<512x32xf32, #tpu.memory_space<vmem_shared>>) offsets(%arg6 : memref<80xi32, #tpu.memory_space<vmem>>) semaphore(%run_scoped3A : memref<!tpu.dma_semaphore, #tpu.memory_space<semaphore_mem>>) {add = true}
          %dma_wait3A = arith.constant 0 : i32
          %dma_wait3A_31 = arith.constant 0 : i32
          %dma_wait3A_32 = tpu.memref_slice %arg9[%dma_wait3A, %dma_wait3A_31] : memref<512x32xf32, #tpu.memory_space<vmem_shared>> -> memref<512x32xf32, #tpu.memory_space<vmem_shared>>
          tpu.wait_indirect_dma semaphore(%run_scoped3A : memref<!tpu.dma_semaphore, #tpu.memory_space<semaphore_mem>>) src(%arg7 : memref<80x32xf32, #tpu.memory_space<vmem>>) dst(%dma_wait3A_32 : memref<512x32xf32, #tpu.memory_space<vmem_shared>>)
          tpu.yield
        }) : () -> ()
      } else {
      }
    }
    %scan3A_6 = arith.constant 40 : i32
    %barrier3A_7 = arith.constant 0 : index
    tpu.barrier barrier_id(%barrier3A_7)
    %mul3A = arith.constant 32 : i32
    %mul3A_8 = arith.muli %arg1, %mul3A : i32
    "tpu.region"() ({
      %run_scoped3A = tpu.sem_alloc : memref<!tpu.dma_semaphore, #tpu.memory_space<semaphore_mem>>
      %dma_start3A = arith.constant 0 : i32
      %dma_start3A_13 = arith.constant 0 : i32
      %dma_start3A_14 = tpu.memref_slice %arg8[%dma_start3A, %dma_start3A_13] : memref<128x32xf32, #tpu.memory_space<vmem>> -> memref<32x32xf32, #tpu.memory_space<vmem>>
      %dma_start3A_15 = arith.constant 0 : i32
      %dma_start3A_16 = tpu.memref_slice %arg9[%mul3A_8, %dma_start3A_15] : memref<512x32xf32, #tpu.memory_space<vmem_shared>> -> memref<32x32xf32, #tpu.memory_space<vmem_shared>>
      %dma_start3A_17 = arith.constant 0 : i32
      %dma_start3A_18 = arith.constant 0 : i32
      %dma_start3A_19 = tpu.memref_slice %arg8[%dma_start3A_17, %dma_start3A_18] : memref<128x32xf32, #tpu.memory_space<vmem>> -> memref<32x32xf32, #tpu.memory_space<vmem>>
      %dma_start3A_20 = arith.constant 0 : i32
      %dma_start3A_21 = tpu.memref_slice %arg9[%mul3A_8, %dma_start3A_20] : memref<512x32xf32, #tpu.memory_space<vmem_shared>> -> memref<32x32xf32, #tpu.memory_space<vmem_shared>>
      tpu.enqueue_dma source(%dma_start3A_21 : memref<32x32xf32, #tpu.memory_space<vmem_shared>>) target(%dma_start3A_19 : memref<32x32xf32, #tpu.memory_space<vmem>>) target_semaphore(%run_scoped3A : memref<!tpu.dma_semaphore, #tpu.memory_space<semaphore_mem>>)
      %dma_wait3A = arith.constant 0 : i32
      %dma_wait3A_22 = arith.constant 0 : i32
      %dma_wait3A_23 = tpu.memref_slice %arg8[%dma_wait3A, %dma_wait3A_22] : memref<128x32xf32, #tpu.memory_space<vmem>> -> memref<32x32xf32, #tpu.memory_space<vmem>>
      %dma_wait3A_24 = arith.constant 0 : i32
      %dma_wait3A_25 = tpu.memref_slice %arg9[%mul3A_8, %dma_wait3A_24] : memref<512x32xf32, #tpu.memory_space<vmem_shared>> -> memref<32x32xf32, #tpu.memory_space<vmem_shared>>
      %dma_wait3A_26 = arith.constant 0 : i32
      %dma_wait3A_27 = arith.constant 0 : i32
      %dma_wait3A_28 = tpu.memref_slice %arg8[%dma_wait3A_26, %dma_wait3A_27] : memref<128x32xf32, #tpu.memory_space<vmem>> -> memref<32x32xf32, #tpu.memory_space<vmem>>
      %dma_wait3A_29 = arith.constant 0 : i32
      %dma_wait3A_30 = tpu.memref_slice %arg9[%mul3A_8, %dma_wait3A_29] : memref<512x32xf32, #tpu.memory_space<vmem_shared>> -> memref<32x32xf32, #tpu.memory_space<vmem_shared>>
      tpu.wait_dma2 semaphore(%run_scoped3A : memref<!tpu.dma_semaphore, #tpu.memory_space<semaphore_mem>>) src(%dma_wait3A_30 : memref<32x32xf32, #tpu.memory_space<vmem_shared>>) dst(%dma_wait3A_28 : memref<32x32xf32, #tpu.memory_space<vmem>>)
      tpu.yield
    }) : () -> ()
    %mul3A_9 = arith.constant 512 : i32
    %mul3A_10 = arith.muli %arg0, %mul3A_9 : i32
    %mul3A_11 = arith.constant 32 : i32
    %mul3A_12 = arith.muli %arg1, %mul3A_11 : i32
    %add3A = arith.addi %mul3A_10, %mul3A_12 : i32
    "tpu.region"() ({
      %run_scoped3A = tpu.sem_alloc : memref<!tpu.dma_semaphore, #tpu.memory_space<semaphore_mem>>
      %dma_start3A = arith.constant 0 : i32
      %dma_start3A_13 = arith.constant 0 : i32
      %dma_start3A_14 = tpu.memref_slice %arg8[%dma_start3A, %dma_start3A_13] : memref<128x32xf32, #tpu.memory_space<vmem>> -> memref<32x32xf32, #tpu.memory_space<vmem>>
      %dma_start3A_15 = arith.constant 0 : i32
      %dma_start3A_16 = tpu.memref_slice %arg5[%add3A, %dma_start3A_15] : memref<1024x32xf32, #tpu.memory_space<hbm>> -> memref<32x32xf32, #tpu.memory_space<hbm>>
      %dma_start3A_17 = arith.constant 0 : i32
      %dma_start3A_18 = tpu.memref_slice %arg5[%add3A, %dma_start3A_17] : memref<1024x32xf32, #tpu.memory_space<hbm>> -> memref<32x32xf32, #tpu.memory_space<hbm>>
      %dma_start3A_19 = arith.constant 0 : i32
      %dma_start3A_20 = arith.constant 0 : i32
      %dma_start3A_21 = tpu.memref_slice %arg8[%dma_start3A_19, %dma_start3A_20] : memref<128x32xf32, #tpu.memory_space<vmem>> -> memref<32x32xf32, #tpu.memory_space<vmem>>
      tpu.enqueue_dma source(%dma_start3A_21 : memref<32x32xf32, #tpu.memory_space<vmem>>) target(%dma_start3A_18 : memref<32x32xf32, #tpu.memory_space<hbm>>) target_semaphore(%run_scoped3A : memref<!tpu.dma_semaphore, #tpu.memory_space<semaphore_mem>>)
      %dma_wait3A = arith.constant 0 : i32
      %dma_wait3A_22 = arith.constant 0 : i32
      %dma_wait3A_23 = tpu.memref_slice %arg8[%dma_wait3A, %dma_wait3A_22] : memref<128x32xf32, #tpu.memory_space<vmem>> -> memref<32x32xf32, #tpu.memory_space<vmem>>
      %dma_wait3A_24 = arith.constant 0 : i32
      %dma_wait3A_25 = tpu.memref_slice %arg5[%add3A, %dma_wait3A_24] : memref<1024x32xf32, #tpu.memory_space<hbm>> -> memref<32x32xf32, #tpu.memory_space<hbm>>
      %dma_wait3A_26 = arith.constant 0 : i32
      %dma_wait3A_27 = tpu.memref_slice %arg5[%add3A, %dma_wait3A_26] : memref<1024x32xf32, #tpu.memory_space<hbm>> -> memref<32x32xf32, #tpu.memory_space<hbm>>
      %dma_wait3A_28 = arith.constant 0 : i32
      %dma_wait3A_29 = arith.constant 0 : i32
      %dma_wait3A_30 = tpu.memref_slice %arg8[%dma_wait3A_28, %dma_wait3A_29] : memref<128x32xf32, #tpu.memory_space<vmem>> -> memref<32x32xf32, #tpu.memory_space<vmem>>
      tpu.wait_dma2 semaphore(%run_scoped3A : memref<!tpu.dma_semaphore, #tpu.memory_space<semaphore_mem>>) src(%dma_wait3A_30 : memref<32x32xf32, #tpu.memory_space<vmem>>) dst(%dma_wait3A_27 : memref<32x32xf32, #tpu.memory_space<hbm>>)
      tpu.yield
    }) : () -> ()
    return
  }
}

module attributes {stable_mosaic.version = 14 : i64} {
  func.func @_embed_kernel(%arg0: i32, %arg1: memref<2048xi32, #tpu.memory_space<vmem>>, %arg2: memref<28x64xf32, #tpu.memory_space<vmem>>, %arg3: memref<2x2048x32xf32, #tpu.memory_space<vmem>>) attributes {dimension_semantics = [#tpu.dimension_semantics<arbitrary>], iteration_bounds = array<i64: 25>, scalar_prefetch = 0 : i64, scratch_operands = 0 : i64, tpu.core_type = #tpu.core_type<tc>, window_params = [{transform_indices = @transform_0, window_bounds = array<i64: 2048>}, {pipeline_mode = #tpu.pipeline_mode<synchronous>, transform_indices = @transform_1, window_bounds = array<i64: 28, 64>}, {transform_indices = @transform_2, window_bounds = array<i64: 2, 2048, 32>}]} {
    %get3A = arith.constant 0 : index
    %get3A_0 = vector.load %arg1[%get3A] : memref<2048xi32, #tpu.memory_space<vmem>>, vector<2048xi32>
    %broadcast_in_dim3A = vector.shape_cast %get3A_0 : vector<2048xi32> to vector<2048x1xi32>
    %iota3A = tpu.iota {dimensions = array<i32: 1>} : vector<2048x28xi32>
    %eq3A = vector.broadcast %broadcast_in_dim3A : vector<2048x1xi32> to vector<2048x28xi32>
    %eq3A_1 = arith.cmpi eq, %eq3A, %iota3A : vector<2048x28xi32>
    %convert_element_type3A = arith.extui %eq3A_1 : vector<2048x28xi1> to vector<2048x28xi32>
    %convert_element_type3A_2 = arith.sitofp %convert_element_type3A : vector<2048x28xi32> to vector<2048x28xf32>
    %get3A_3 = arith.constant 0 : index
    %get3A_4 = arith.constant 0 : index
    %get3A_5 = vector.load %arg2[%get3A_3, %get3A_4] : memref<28x64xf32, #tpu.memory_space<vmem>>, vector<28x64xf32>
    %dot_general3A = arith.constant dense<0.000000e+00> : vector<2048x64xf32>
    %dot_general3A_6 = tpu.matmul %convert_element_type3A_2, %get3A_5, %dot_general3A {dimension_numbers = #tpu.dot_dimension_numbers<[1], [0], [0], [1], [0, 0, 1, 1], [], []>, precision = #tpu.contract_precision<fp32>, transpose_lhs_hint = false} : vector<2048x28xf32>, vector<28x64xf32>, vector<2048x64xf32> -> vector<2048x64xf32>
    %slice3A = vector.extract_strided_slice %dot_general3A_6 {offsets = [0, 0], sizes = [2048, 32], strides = [1, 1]} : vector<2048x64xf32> to vector<2048x32xf32>
    %swap3A = arith.constant 0 : index
    %swap3A_7 = arith.constant 0 : index
    %swap3A_8 = arith.constant 0 : index
    %swap3A_9 = vector.load %arg3[%swap3A, %swap3A_7, %swap3A_8] : memref<2x2048x32xf32, #tpu.memory_space<vmem>>, vector<1x2048x32xf32>
    %swap3A_10 = vector.shape_cast %swap3A_9 : vector<1x2048x32xf32> to vector<2048x32xf32>
    %swap3A_11 = vector.shape_cast %slice3A : vector<2048x32xf32> to vector<1x2048x32xf32>
    tpu.vector_store %arg3[%swap3A, %swap3A_7, %swap3A_8], %swap3A_11 {strides = array<i32>} : memref<2x2048x32xf32, #tpu.memory_space<vmem>>, vector<1x2048x32xf32>,
    %slice3A_12 = vector.extract_strided_slice %dot_general3A_6 {offsets = [0, 32], sizes = [2048, 32], strides = [1, 1]} : vector<2048x64xf32> to vector<2048x32xf32>
    %swap3A_13 = arith.constant 1 : index
    %swap3A_14 = arith.constant 0 : index
    %swap3A_15 = arith.constant 0 : index
    %swap3A_16 = vector.load %arg3[%swap3A_13, %swap3A_14, %swap3A_15] : memref<2x2048x32xf32, #tpu.memory_space<vmem>>, vector<1x2048x32xf32>
    %swap3A_17 = vector.shape_cast %swap3A_16 : vector<1x2048x32xf32> to vector<2048x32xf32>
    %swap3A_18 = vector.shape_cast %slice3A_12 : vector<2048x32xf32> to vector<1x2048x32xf32>
    tpu.vector_store %arg3[%swap3A_13, %swap3A_14, %swap3A_15], %swap3A_18 {strides = array<i32>} : memref<2x2048x32xf32, #tpu.memory_space<vmem>>, vector<1x2048x32xf32>,
    return
  }
  func.func @transform_0(%arg0: i32) -> i32 {
    %c0_i32 = arith.constant 0 : i32
    return %arg0 : i32
  }
  func.func @transform_1(%arg0: i32) -> (i32, i32) {
    %c0_i32 = arith.constant 0 : i32
    %c0_i32_0 = arith.constant 0 : i32
    %c0_i32_1 = arith.constant 0 : i32
    return %c0_i32, %c0_i32_0 : i32, i32
  }
  func.func @transform_2(%arg0: i32) -> (i32, i32, i32) {
    %c0_i32 = arith.constant 0 : i32
    %c0_i32_0 = arith.constant 0 : i32
    %c0_i32_1 = arith.constant 0 : i32
    return %c0_i32, %arg0, %c0_i32_0 : i32, i32, i32
  }
}

module attributes {stable_mosaic.version = 14 : i64} {
  func.func @_dense_kernel(%arg0: i32, %arg1: memref<2x2048x32xf32, #tpu.memory_space<vmem>>, %arg2: memref<2x2048x32xf32, #tpu.memory_space<vmem>>, %arg3: memref<64x64xf32, #tpu.memory_space<vmem>>, %arg4: memref<1x64xf32, #tpu.memory_space<vmem>>, %arg5: memref<64x64xf32, #tpu.memory_space<vmem>>, %arg6: memref<1x64xf32, #tpu.memory_space<vmem>>, %arg7: memref<2x2048x32xf32, #tpu.memory_space<vmem>>) attributes {dimension_semantics = [#tpu.dimension_semantics<arbitrary>], iteration_bounds = array<i64: 25>, scalar_prefetch = 0 : i64, scratch_operands = 0 : i64, tpu.core_type = #tpu.core_type<tc>, window_params = [{transform_indices = @transform_0, window_bounds = array<i64: 2, 2048, 32>}, {transform_indices = @transform_1, window_bounds = array<i64: 2, 2048, 32>}, {pipeline_mode = #tpu.pipeline_mode<synchronous>, transform_indices = @transform_2, window_bounds = array<i64: 64, 64>}, {pipeline_mode = #tpu.pipeline_mode<synchronous>, transform_indices = @transform_3, window_bounds = array<i64: 1, 64>}, {pipeline_mode = #tpu.pipeline_mode<synchronous>, transform_indices = @transform_4, window_bounds = array<i64: 64, 64>}, {pipeline_mode = #tpu.pipeline_mode<synchronous>, transform_indices = @transform_5, window_bounds = array<i64: 1, 64>}, {transform_indices = @transform_6, window_bounds = array<i64: 2, 2048, 32>}]} {
    %get3A = arith.constant 0 : index
    %get3A_0 = arith.constant 0 : index
    %get3A_1 = arith.constant 0 : index
    %get3A_2 = vector.load %arg1[%get3A, %get3A_0, %get3A_1] : memref<2x2048x32xf32, #tpu.memory_space<vmem>>, vector<1x2048x32xf32>
    %get3A_3 = vector.shape_cast %get3A_2 : vector<1x2048x32xf32> to vector<2048x32xf32>
    %get3A_4 = arith.constant 1 : index
    %get3A_5 = arith.constant 0 : index
    %get3A_6 = arith.constant 0 : index
    %get3A_7 = vector.load %arg1[%get3A_4, %get3A_5, %get3A_6] : memref<2x2048x32xf32, #tpu.memory_space<vmem>>, vector<1x2048x32xf32>
    %get3A_8 = vector.shape_cast %get3A_7 : vector<1x2048x32xf32> to vector<2048x32xf32>
    %concatenate3A = tpu.concatenate %get3A_3, %get3A_8 in 1 : vector<2048x32xf32>, vector<2048x32xf32> -> vector<2048x64xf32>
    %get3A_9 = arith.constant 0 : index
    %get3A_10 = arith.constant 0 : index
    %get3A_11 = arith.constant 0 : index
    %get3A_12 = vector.load %arg2[%get3A_9, %get3A_10, %get3A_11] : memref<2x2048x32xf32, #tpu.memory_space<vmem>>, vector<1x2048x32xf32>
    %get3A_13 = vector.shape_cast %get3A_12 : vector<1x2048x32xf32> to vector<2048x32xf32>
    %get3A_14 = arith.constant 1 : index
    %get3A_15 = arith.constant 0 : index
    %get3A_16 = arith.constant 0 : index
    %get3A_17 = vector.load %arg2[%get3A_14, %get3A_15, %get3A_16] : memref<2x2048x32xf32, #tpu.memory_space<vmem>>, vector<1x2048x32xf32>
    %get3A_18 = vector.shape_cast %get3A_17 : vector<1x2048x32xf32> to vector<2048x32xf32>
    %concatenate3A_19 = tpu.concatenate %get3A_13, %get3A_18 in 1 : vector<2048x32xf32>, vector<2048x32xf32> -> vector<2048x64xf32>
    %add3A = arith.addf %concatenate3A, %concatenate3A_19 : vector<2048x64xf32>
    %get3A_20 = arith.constant 0 : index
    %get3A_21 = arith.constant 0 : index
    %get3A_22 = vector.load %arg3[%get3A_20, %get3A_21] : memref<64x64xf32, #tpu.memory_space<vmem>>, vector<64x64xf32>
    %dot_general3A = arith.constant dense<0.000000e+00> : vector<2048x64xf32>
    %dot_general3A_23 = tpu.matmul %add3A, %get3A_22, %dot_general3A {dimension_numbers = #tpu.dot_dimension_numbers<[1], [0], [0], [1], [0, 0, 1, 1], [], []>, transpose_lhs_hint = false} : vector<2048x64xf32>, vector<64x64xf32>, vector<2048x64xf32> -> vector<2048x64xf32>
    %get3A_24 = arith.constant 0 : index
    %get3A_25 = arith.constant 0 : index
    %get3A_26 = vector.load %arg4[%get3A_24, %get3A_25] : memref<1x64xf32, #tpu.memory_space<vmem>>, vector<1x64xf32>
    %add3A_27 = vector.broadcast %get3A_26 : vector<1x64xf32> to vector<2048x64xf32>
    %add3A_28 = arith.addf %dot_general3A_23, %add3A_27 : vector<2048x64xf32>
    %max3A = arith.constant 0.000000e+00 : f32
    %max3A_29 = vector.broadcast %max3A : f32 to vector<2048x64xf32>
    %max3A_30 = arith.maximumf %add3A_28, %max3A_29 : vector<2048x64xf32>
    %get3A_31 = arith.constant 0 : index
    %get3A_32 = arith.constant 0 : index
    %get3A_33 = vector.load %arg5[%get3A_31, %get3A_32] : memref<64x64xf32, #tpu.memory_space<vmem>>, vector<64x64xf32>
    %dot_general3A_34 = arith.constant dense<0.000000e+00> : vector<2048x64xf32>
    %dot_general3A_35 = tpu.matmul %max3A_30, %get3A_33, %dot_general3A_34 {dimension_numbers = #tpu.dot_dimension_numbers<[1], [0], [0], [1], [0, 0, 1, 1], [], []>, transpose_lhs_hint = false} : vector<2048x64xf32>, vector<64x64xf32>, vector<2048x64xf32> -> vector<2048x64xf32>
    %get3A_36 = arith.constant 0 : index
    %get3A_37 = arith.constant 0 : index
    %get3A_38 = vector.load %arg6[%get3A_36, %get3A_37] : memref<1x64xf32, #tpu.memory_space<vmem>>, vector<1x64xf32>
    %add3A_39 = vector.broadcast %get3A_38 : vector<1x64xf32> to vector<2048x64xf32>
    %add3A_40 = arith.addf %dot_general3A_35, %add3A_39 : vector<2048x64xf32>
    %slice3A = vector.extract_strided_slice %add3A_40 {offsets = [0, 0], sizes = [2048, 32], strides = [1, 1]} : vector<2048x64xf32> to vector<2048x32xf32>
    %swap3A = arith.constant 0 : index
    %swap3A_41 = arith.constant 0 : index
    %swap3A_42 = arith.constant 0 : index
    %swap3A_43 = vector.load %arg7[%swap3A, %swap3A_41, %swap3A_42] : memref<2x2048x32xf32, #tpu.memory_space<vmem>>, vector<1x2048x32xf32>
    %swap3A_44 = vector.shape_cast %swap3A_43 : vector<1x2048x32xf32> to vector<2048x32xf32>
    %swap3A_45 = vector.shape_cast %slice3A : vector<2048x32xf32> to vector<1x2048x32xf32>
    tpu.vector_store %arg7[%swap3A, %swap3A_41, %swap3A_42], %swap3A_45 {strides = array<i32>} : memref<2x2048x32xf32, #tpu.memory_space<vmem>>, vector<1x2048x32xf32>,
    %slice3A_46 = vector.extract_strided_slice %add3A_40 {offsets = [0, 32], sizes = [2048, 32], strides = [1, 1]} : vector<2048x64xf32> to vector<2048x32xf32>
    %swap3A_47 = arith.constant 1 : index
    %swap3A_48 = arith.constant 0 : index
    %swap3A_49 = arith.constant 0 : index
    %swap3A_50 = vector.load %arg7[%swap3A_47, %swap3A_48, %swap3A_49] : memref<2x2048x32xf32, #tpu.memory_space<vmem>>, vector<1x2048x32xf32>
    %swap3A_51 = vector.shape_cast %swap3A_50 : vector<1x2048x32xf32> to vector<2048x32xf32>
    %swap3A_52 = vector.shape_cast %slice3A_46 : vector<2048x32xf32> to vector<1x2048x32xf32>
    tpu.vector_store %arg7[%swap3A_47, %swap3A_48, %swap3A_49], %swap3A_52 {strides = array<i32>} : memref<2x2048x32xf32, #tpu.memory_space<vmem>>, vector<1x2048x32xf32>,
    return
  }
  func.func @transform_0(%arg0: i32) -> (i32, i32, i32) {
    %c0_i32 = arith.constant 0 : i32
    %c0_i32_0 = arith.constant 0 : i32
    %c0_i32_1 = arith.constant 0 : i32
    return %c0_i32, %arg0, %c0_i32_0 : i32, i32, i32
  }
  func.func @transform_1(%arg0: i32) -> (i32, i32, i32) {
    %c0_i32 = arith.constant 0 : i32
    %c0_i32_0 = arith.constant 0 : i32
    %c0_i32_1 = arith.constant 0 : i32
    return %c0_i32, %arg0, %c0_i32_0 : i32, i32, i32
  }
  func.func @transform_2(%arg0: i32) -> (i32, i32) {
    %c0_i32 = arith.constant 0 : i32
    %c0_i32_0 = arith.constant 0 : i32
    %c0_i32_1 = arith.constant 0 : i32
    return %c0_i32, %c0_i32_0 : i32, i32
  }
  func.func @transform_3(%arg0: i32) -> (i32, i32) {
    %c0_i32 = arith.constant 0 : i32
    %c0_i32_0 = arith.constant 0 : i32
    %c0_i32_1 = arith.constant 0 : i32
    return %c0_i32, %c0_i32_0 : i32, i32
  }
  func.func @transform_4(%arg0: i32) -> (i32, i32) {
    %c0_i32 = arith.constant 0 : i32
    %c0_i32_0 = arith.constant 0 : i32
    %c0_i32_1 = arith.constant 0 : i32
    return %c0_i32, %c0_i32_0 : i32, i32
  }
  func.func @transform_5(%arg0: i32) -> (i32, i32) {
    %c0_i32 = arith.constant 0 : i32
    %c0_i32_0 = arith.constant 0 : i32
    %c0_i32_1 = arith.constant 0 : i32
    return %c0_i32, %c0_i32_0 : i32, i32
  }
  func.func @transform_6(%arg0: i32) -> (i32, i32, i32) {
    %c0_i32 = arith.constant 0 : i32
    %c0_i32_0 = arith.constant 0 : i32
    %c0_i32_1 = arith.constant 0 : i32
    return %c0_i32, %arg0, %c0_i32_0 : i32, i32, i32
  }
}

module attributes {stable_mosaic.version = 14 : i64} {
  func.func @_mlp_kernel(%arg0: memref<2x512x32xf32, #tpu.memory_space<vmem>>, %arg1: memref<64x32xf32, #tpu.memory_space<vmem>>, %arg2: memref<1x32xf32, #tpu.memory_space<vmem>>, %arg3: memref<32x16xf32, #tpu.memory_space<vmem>>, %arg4: memref<1x16xf32, #tpu.memory_space<vmem>>, %arg5: memref<16x1xf32, #tpu.memory_space<vmem>>, %arg6: memref<1x1xf32, #tpu.memory_space<vmem>>, %arg7: memref<512x1xf32, #tpu.memory_space<vmem>>) attributes {dimension_semantics = [], scalar_prefetch = 0 : i64, scratch_operands = 0 : i64, tpu.core_type = #tpu.core_type<tc>} {
    %get3A = arith.constant 0 : index
    %get3A_0 = arith.constant 0 : index
    %get3A_1 = arith.constant 0 : index
    %get3A_2 = vector.load %arg0[%get3A, %get3A_0, %get3A_1] : memref<2x512x32xf32, #tpu.memory_space<vmem>>, vector<1x512x32xf32>
    %get3A_3 = vector.shape_cast %get3A_2 : vector<1x512x32xf32> to vector<512x32xf32>
    %get3A_4 = arith.constant 1 : index
    %get3A_5 = arith.constant 0 : index
    %get3A_6 = arith.constant 0 : index
    %get3A_7 = vector.load %arg0[%get3A_4, %get3A_5, %get3A_6] : memref<2x512x32xf32, #tpu.memory_space<vmem>>, vector<1x512x32xf32>
    %get3A_8 = vector.shape_cast %get3A_7 : vector<1x512x32xf32> to vector<512x32xf32>
    %concatenate3A = tpu.concatenate %get3A_3, %get3A_8 in 1 : vector<512x32xf32>, vector<512x32xf32> -> vector<512x64xf32>
    %get3A_9 = arith.constant 0 : index
    %get3A_10 = arith.constant 0 : index
    %get3A_11 = vector.load %arg1[%get3A_9, %get3A_10] : memref<64x32xf32, #tpu.memory_space<vmem>>, vector<64x32xf32>
    %dot_general3A = arith.constant dense<0.000000e+00> : vector<512x32xf32>
    %dot_general3A_12 = tpu.matmul %concatenate3A, %get3A_11, %dot_general3A {dimension_numbers = #tpu.dot_dimension_numbers<[1], [0], [0], [1], [0, 0, 1, 1], [], []>, transpose_lhs_hint = false} : vector<512x64xf32>, vector<64x32xf32>, vector<512x32xf32> -> vector<512x32xf32>
    %get3A_13 = arith.constant 0 : index
    %get3A_14 = arith.constant 0 : index
    %get3A_15 = vector.load %arg2[%get3A_13, %get3A_14] : memref<1x32xf32, #tpu.memory_space<vmem>>, vector<1x32xf32>
    %add3A = vector.broadcast %get3A_15 : vector<1x32xf32> to vector<512x32xf32>
    %add3A_16 = arith.addf %dot_general3A_12, %add3A : vector<512x32xf32>
    %max3A = arith.constant 0.000000e+00 : f32
    %max3A_17 = vector.broadcast %max3A : f32 to vector<512x32xf32>
    %max3A_18 = arith.maximumf %add3A_16, %max3A_17 : vector<512x32xf32>
    %get3A_19 = arith.constant 0 : index
    %get3A_20 = arith.constant 0 : index
    %get3A_21 = vector.load %arg3[%get3A_19, %get3A_20] : memref<32x16xf32, #tpu.memory_space<vmem>>, vector<32x16xf32>
    %dot_general3A_22 = arith.constant dense<0.000000e+00> : vector<512x16xf32>
    %dot_general3A_23 = tpu.matmul %max3A_18, %get3A_21, %dot_general3A_22 {dimension_numbers = #tpu.dot_dimension_numbers<[1], [0], [0], [1], [0, 0, 1, 1], [], []>, transpose_lhs_hint = false} : vector<512x32xf32>, vector<32x16xf32>, vector<512x16xf32> -> vector<512x16xf32>
    %get3A_24 = arith.constant 0 : index
    %get3A_25 = arith.constant 0 : index
    %get3A_26 = vector.load %arg4[%get3A_24, %get3A_25] : memref<1x16xf32, #tpu.memory_space<vmem>>, vector<1x16xf32>
    %add3A_27 = vector.broadcast %get3A_26 : vector<1x16xf32> to vector<512x16xf32>
    %add3A_28 = arith.addf %dot_general3A_23, %add3A_27 : vector<512x16xf32>
    %max3A_29 = arith.constant 0.000000e+00 : f32
    %max3A_30 = vector.broadcast %max3A_29 : f32 to vector<512x16xf32>
    %max3A_31 = arith.maximumf %add3A_28, %max3A_30 : vector<512x16xf32>
    %get3A_32 = arith.constant 0 : index
    %get3A_33 = arith.constant 0 : index
    %get3A_34 = vector.load %arg5[%get3A_32, %get3A_33] : memref<16x1xf32, #tpu.memory_space<vmem>>, vector<16x1xf32>
    %dot_general3A_35 = arith.constant dense<0.000000e+00> : vector<512x1xf32>
    %dot_general3A_36 = tpu.matmul %max3A_31, %get3A_34, %dot_general3A_35 {dimension_numbers = #tpu.dot_dimension_numbers<[1], [0], [0], [1], [0, 0, 1, 1], [], []>, transpose_lhs_hint = false} : vector<512x16xf32>, vector<16x1xf32>, vector<512x1xf32> -> vector<512x1xf32>
    %get3A_37 = arith.constant 0 : index
    %get3A_38 = arith.constant 0 : index
    %get3A_39 = vector.load %arg6[%get3A_37, %get3A_38] : memref<1x1xf32, #tpu.memory_space<vmem>>, vector<1x1xf32>
    %add3A_40 = vector.broadcast %get3A_39 : vector<1x1xf32> to vector<512x1xf32>
    %add3A_41 = arith.addf %dot_general3A_36, %add3A_40 : vector<512x1xf32>
    %swap3A = arith.constant 0 : index
    %swap3A_42 = arith.constant 0 : index
    %swap3A_43 = vector.load %arg7[%swap3A, %swap3A_42] : memref<512x1xf32, #tpu.memory_space<vmem>>, vector<512x1xf32>
    tpu.vector_store %arg7[%swap3A, %swap3A_42], %add3A_41 {strides = array<i32>} : memref<512x1xf32, #tpu.memory_space<vmem>>, vector<512x1xf32>,
    return
  }
}

</mosaic_0001>

<sc_bundles>
// kernel: kernel.13.cloned.1.call-start
scs
__scs_entry_jumppad:
0x0: {  	(pc) =	sbr.rel $0x88, $3  }
0x1: {  	(tag) =	ssettag $0x0;
	lr =	simm.s32 $0x1  }
0x2: {  	[smem:$0x3F93] =	sst lr;
	_ =	strace $0xD0000000  }
0x3: {  	_ = 	snop  }
0x4: {  	_ = 	snop  }
0x5: {  	_ = 	snop  }
0x6: {  	_ = 	snop  }
0x7: {  	_ = 	snop  }
__scs_overlays_trampoline_lowered:
0x8: {  	[smem:$0x3FA2] =	sst s0  }
0x9: {  	[smem:$0x3FA3] =	sst s1  }
0xa: {  	[smem:$0x3FA4] =	sst s2  }
0xb: {  	[smem:$0x3FA5] =	sst s3  }
0xc: {  	[smem:$0x3FA6] =	sst s4  }
0xd: {  	[smem:$0x3FA7] =	sst s5  }
0xe: {  	[smem:$0x3FA8] =	sst s6  }
0xf: {  	[smem:$0x3FA9] =	sst s7  }
0x10: {  	[smem:$0x3FAA] =	sst s8  }
0x11: {  	[smem:$0x3FAB] =	sst s9;
	s0 =	simm.s32 @!p0 $0x0  }
0x12: {  	s1 =	sld [smem:$0x3F91];
	s0 =	simm.s32 @p0 $0x1  }
0x13: {  	[smem:$0x3FAC] =	sst s0;
	s0 =	simm.s32 @!p1 $0x0  }
0x14: {  	s2 =	sld [smem:$0x3F90];
	s0 =	simm.s32 @p1 $0x1  }
0x15: {  	[smem:$0x3FAD] =	sst s0;
	s0 =	simm.s32 @!p2 $0x0  }
0x16: {  	s3 =	sld [smem:$0x3FDB];
	s0 =	simm.s32 @p2 $0x1  }
0x17: {  	s4 =	simm.s32 $0x1BF5;
	[smem:$0x3FAF] =	sst s0  }
0x18: {  	s0 =	sld [smem:$0x3F92];
	_ =	swait.ge [sflag:s4], $0x0  }
0x19: {  	s7 =	sld [smem:$0x3F93]  }
0x1a: {  	s8 =	sadd.s32 $0xFFFFE003, lr  }
0x1b: {  	s9 =	sadd.s32 $0xFFFFFEF7, lr;
	s5 =	simm.s32 $0xFFFFFFFF;
	p2 =	slt.u32 s8, $0xFFFFF086  }
0x1c: {  	p1 =	slt.u32 s9, $0xF7A;
	s5 =	simm.s32 @!p2 $0x0  }
0x1d: {  	s5 =	simm.s32 @p1 $0x1;
	p0 =	seq.s32 s7, s2  }
0x1e: {  	s7 =	smul.u32 @!p0 $0xF7A, s2;
	p2 =	seq.s32 @!p0 s5, $0x0  }
0x1f: {  	s9 =	smul.u32 $0xF7A, s1;
	s8 =	simm.s32 @!p0 $0x1BF5;
	p2 =	por !p2, p0  }
0x20: {  	[sflag:s8] =	ssyncset.s32 @!p0 $0xFFFFF086;
	s6 =	sadd.s32 @!p0 s3, s7;
	s7 =	simm.s32 @!p0 $0x108  }
0x21: {  	s3 =	sadd.s32 s3, s9;
	s6 =	sadd.s32 @!p0 $0x88, s6;
	s7 =	simm.s32 @p2 $0x1082  }
0x22: {  	[simem:s7], [sflag:s8] =	dma.local @!p0 [hbm:s6], $0xF7A  }
0x23: {  	s9 =	sor.u32 $0xD0000000, s2;
	s6 =	simm.s32 $0x108;
	_ =	swait.ge @!p0 [sflag:s8], $0x0  }
0x24: {  	s3 =	sadd.s32 $0x88, s3;
	s6 =	simm.s32 @!p1 $0x1082;
	[sflag:s4] =	ssyncset.s32 $0xFFFFF086  }
0x25: {  	[simem:s6], [sflag:s4] =	dma.local [hbm:s3], $0xF7A  }
0x26: {  	[smem:$0x3F93] =	sst s1;
	(tag) =	ssettag s2;
	_ =	strace s9  }
0x27: {  	s1 =	sld [smem:$0x3FA3]  }
0x28: {  	s2 =	sld [smem:$0x3FA4]  }
0x29: {  	s4 =	sld [smem:$0x3FA6]  }
0x2a: {  	p0 =	seq.s32 s5, $0x0;
	s5 =	sld [smem:$0x3FA7]  }
0x2b: {  	s6 =	sld [smem:$0x3FA8]  }
0x2c: {  	s7 =	sld [smem:$0x3FA9]  }
0x2d: {  	s3 =	simm.s32 $0x108;
	s8 =	sld [smem:$0x3FAA]  }
0x2e: {  	s3 =	simm.s32 @!p0 $0x1082;
	s9 =	sld [smem:$0x3FAB]  }
0x2f: {  	lr =	sadd.s32 s0, s3;
	s0 =	sld [smem:$0x3FA2]  }
0x30: {  	s3 =	sld [smem:$0x3FA5]  }
0x31: {  	[smem:$0x3FAE] =	sst s10  }
0x32: {  	s10 =	sld [smem:$0x3FAC];
	_ =	sdelay $0x3  }
0x33: {  	p0 =	seq.s32 s10, $0x1;
	s10 =	sld [smem:$0x3FAE];
	_ =	sdelay $0x3  }
0x34: {  	[smem:$0x3FAE] =	sst s10  }
0x35: {  	s10 =	sld [smem:$0x3FAD];
	_ =	sdelay $0x3  }
0x36: {  	p1 =	seq.s32 s10, $0x1;
	s10 =	sld [smem:$0x3FAE];
	_ =	sdelay $0x3  }
0x37: {  	[smem:$0x3FAE] =	sst s10  }
0x38: {  	s10 =	sld [smem:$0x3FAF]  }
0x39: {  	_ = 	snop;
	(pc) =	sbr.ind lr, $3  }
0x3a: {  	_ = 	snop  }
0x3b: {  	_ = 	snop  }
0x3c: {  	p2 =	seq.s32 s10, $0x1;
	s10 =	sld [smem:$0x3FAE]  }
0x3d: {  	_ =	shalt  }
0x3e: {  	_ =	shalt  }
0x3f: {  	_ =	shalt  }
0x40: {  	_ =	shalt  }
0x41: {  	_ =	shalt  }
0x42: {  	_ =	shalt  }
0x43: {  	_ =	shalt  }
0x44: {  	_ =	shalt  }
0x45: {  	_ =	shalt  }
0x46: {  	_ =	shalt  }
0x47: {  	_ =	shalt  }
0x48: {  	_ =	shalt  }
0x49: {  	_ =	shalt  }
0x4a: {  	_ =	shalt  }
0x4b: {  	_ =	shalt  }
0x4c: {  	_ =	shalt  }
0x4d: {  	_ =	shalt  }
0x4e: {  	_ =	shalt  }
0x4f: {  	_ =	shalt  }
0x50: {  	_ =	shalt  }
0x51: {  	_ =	shalt  }
0x52: {  	_ =	shalt  }
0x53: {  	_ =	shalt  }
0x54: {  	_ =	shalt  }
0x55: {  	_ =	shalt  }
0x56: {  	_ =	shalt  }
0x57: {  	_ =	shalt  }
0x58: {  	_ =	shalt  }
0x59: {  	_ =	shalt  }
0x5a: {  	_ =	shalt  }
0x5b: {  	_ =	shalt  }
0x5c: {  	_ =	shalt  }
0x5d: {  	_ =	shalt  }
0x5e: {  	_ =	shalt  }
0x5f: {  	_ =	shalt  }
0x60: {  	_ =	shalt  }
0x61: {  	_ =	shalt  }
0x62: {  	_ =	shalt  }
0x63: {  	_ =	shalt  }
0x64: {  	_ =	shalt  }
0x65: {  	_ =	shalt  }
0x66: {  	_ =	shalt  }
0x67: {  	_ =	shalt  }
0x68: {  	_ =	shalt  }
0x69: {  	_ =	shalt  }
0x6a: {  	_ =	shalt  }
0x6b: {  	_ =	shalt  }
0x6c: {  	_ =	shalt  }
0x6d: {  	_ =	shalt  }
0x6e: {  	_ =	shalt  }
0x6f: {  	_ =	shalt  }
0x70: {  	_ =	shalt  }
0x71: {  	_ =	shalt  }
0x72: {  	_ =	shalt  }
0x73: {  	_ =	shalt  }
0x74: {  	_ =	shalt  }
0x75: {  	_ =	shalt  }
0x76: {  	_ =	shalt  }
0x77: {  	_ =	shalt  }
0x78: {  	_ =	shalt  }
0x79: {  	_ =	shalt  }
0x7a: {  	_ =	shalt  }
0x7b: {  	_ =	shalt  }
0x7c: {  	_ =	shalt  }
0x7d: {  	_ =	shalt  }
0x7e: {  	_ =	shalt  }
0x7f: {  	_ =	shalt  }
0x80: {  	_ =	shalt  }
0x81: {  	_ =	shalt  }
0x82: {  	_ =	shalt  }
0x83: {  	_ =	shalt  }
0x84: {  	_ =	shalt  }
0x85: {  	_ =	shalt  }
0x86: {  	_ =	shalt  }
0x87: {  	_ =	shalt  }
.Lfunc_end0:
.L_simem_size_0:
called_computation_lowered:
.L_overlay_start_0:
0x88: {  	s2 =	sld [smem:$0x3FD9]  }
0x89: {  	s3 =	sld [smem:$0x3FFE];
	_ =	sdelay $0x1  }
0x8a: {  	s1 =	srdreg.scid  }
0x8b: {  	s0 =	sand.u32 $0x1, s1  }
0x8c: {  	s16 =	sshll.u32 s0, $0xA;
	s2 =	sadd.s32 s3, s2  }
0x8d: {  	s2 =	sadd.s32 s2, s16  }
0x8e: {  	[smem:$0x3FBA] =	sst s2  }
0x8f: {  	_ = 	snop  }
0x90: {  	(tm) =	ssettm $0x1  }
0x91: {  	s17 =	sld [smem:$0x3FFB];
	_ =	sdelay $0x3  }
0x92: {  	_ =	strace s17  }
0x93: {  	s2 =	sld [smem:$0x3FFC];
	_ =	sdelay $0x3  }
0x94: {  	_ =	strace s2  }
0x95: {  	s2 =	sld [smem:$0x3FFD];
	_ =	sdelay $0x3  }
0x96: {  	_ =	strace s2  }
0x97: {  	_ =	strace $0x8FFFFFFF  }
0x98: {  	s18 =	sld [smem:$0x3FDB];
	_ =	sdelay $0x1  }
0x99: {  	s19 =	simm.s32 $_scs_section_size  }
0x9a: {  	s4 =	simm.s32 $_size__tile_overlayer_lowered;
	s5 =	simm.s32 $_tile_overlayer_lowered  }
0x9b: {  	s22 =	simm.s32 $0x1BFF;
	s21 =	sshll.u32 s5, $0x1;
	s2 =	sadd.s32 s19, s18  }
0x9c: {  	s6 =	simm.s32 $0x0;
	s20 =	sshll.u32 s4, $0x1;
	s4 =	sadd.s32 s21, s2  }
0x9d: {  	[timem:s6], [sflag:s22] =	dma.local [hbm:s4], s20  }
0x9e: {  	_ =	swait.ge [sflag:s22], s20  }
0x9f: {  	s3 =	ssub.s32 $0x0, s20;
	[sflag:s22] =	ssyncset.done $0x0  }
0xa0: {  	[sflag:s22] =	ssyncadd.s32 s3;
	_ =	sdelay $0x1  }
0xa1: {  	s23 =	simm.s32 $0x1B8B  }
0xa2: {  	_ =	swait.ge [sflag:s23], $0x1  }
0xa3: {  	[sflag:s23] =	ssyncset.done $0x0  }
0xa4: {  	s25 =	simm.s32 $0x1B8E;
	s24 =	sld [smem:$0x3FFE];
	[sflag:s23] =	ssyncadd.s32 $0xFFFFFFFF  }
0xa5: {  	s26 =	simm.s32 $execute0_lowered;
	[smem:$0x3FD2] =	sst s25  }
0xa6: {  	s4 =	sshll.u32 s26, $0x1;
	_ =	strace $0x80000046;
	[dreg:$0x1] =	wrdreg $0xFFFFFFFF  }
0xa7: {  	s28 =	simm.s32 $_size_execute0_lowered;
	s2 =	sadd.s32 s2, s4;
	[dreg:$0x0] =	wrdreg $0x0  }
0xa8: {  	s4 =	sshll.u32 s28, $0x1;
	[dreg:$0x2] =	wrdreg s2  }
0xa9: {  	[dreg:$0x3] =	wrdreg s4  }
0xaa: {  	[dreg:$0x4] =	wrdreg $0xC0  }
0xab: {  	_ =	task [dreg:s6], $0x5FFFF  }
0xac: {  	[dreg:$0x1] =	wrdreg $0xFFFFFFFF  }
0xad: {  	[dreg:$0x0] =	wrdreg $0x60  }
0xae: {  	[dreg:$0x2] =	wrdreg s24  }
0xaf: {  	[dreg:$0x3] =	wrdreg $0x2A000  }
0xb0: {  	[dreg:$0x4] =	wrdreg $0x9  }
0xb1: {  	_ =	task.clear_ibuf [dreg:s6], $0x5FFFF;
	_ =	strace $0x90000046  }
0xb2: {  	s29 =	simm.s32 $0x9;
	_ =	strace $0x80000048  }
0xb3: {  	_ =	swait.ge [sflag:s29], $0x1  }
0xb4: {  	[sflag:s29] =	ssyncadd.s32 $0xFFFFFFFF  }
0xb5: {  	_ =	strace $0x90000048  }
0xb6: {  	_ =	sfence  }
0xb7: {  	s30 =	sld [smem:$0x0];
	_ =	sdelay $0x2  }
0xb8: {  	s31 =	sshll.u32 s1, $0xD;
	s1 =	sshrl.u32 s1, $0x2  }
0xb9: {  	s3 =	sand.u32 $0x4000, s31;
	s1 =	sadd.s32 s1, s30  }
0xba: {  	s0 =	sor.u32 s3, s0;
	s1 =	sshll.u32 s1, $0x11  }
0xbb: {  	s0 =	sor.u32 s1, s0  }
0xbc: {  	s0 =	sadd.s32 $0x8F2B, s0  }
0xbd: {  	[sflag:s0] =	ssyncadd.remote.s32 $0x1  }
0xbe: {  	_ =	sfence.sel $0xFFFF  }
0xbf: {  	[dreg:$0x0] =	wrdreg $0xFFFFFFFF;
	(pc) =	sbr.abs _section_cstart, $3  }
0xc0: {  	[dreg:$0x1] =	wrdreg $0xFFFFFFFF  }
0xc1: {  	_ =	task.clear_ibuf [dreg:s6], $0x2FFFF;
	_ =	strace $0x9FFFFFFF  }
0xc2: {  	(tm) =	ssettm $0x7FFFFFFF  }
0xc3: {  	_ =	shalt  }
tec
execute0_lowered:
.L_overlay_start_1:
0x0: {  	(tag) =	ssettag $0x1  }
0x1: {  	s6 =	rddreg [dreg:$0x0];
	s0 =	srdreg.scid  }
0x2: {  	s2 =	rddreg [dreg:$0x1];
	s1 =	stileid.u32;
	s3 =	simm.s32 $0x0  }
0x3: {  	s5 =	sand.u32 $0x1, s0;
	s0 =	rddreg [dreg:$0x2];
	s11 =	smul.u32 $0x6400, s1  }
0x4: {  	s7 =	sshll.u32 s1, $0x7;
	[smem:$0x7FF] =	sst s3;
	s13 =	smul.u32 $0x320, s1  }
0x5: {  	s26 =	sshll.u32 s1, $0x4;
	s4 =	smul.u32 $0xC3500, s5;
	_ =	strace $0x80000047  }
0x6: {  	s9 =	smul.u32 $0x30D40, s5;
	s10 =	sadd.s32 s26, s6;
	s28 =	ssub.s32 $0x2, s5  }
0x7: {  	s5 =	sadd.s32 $0x234C00, s6;
	s12 =	sshrl.u32 s28, $0x1;
	s30 =	sshrl.u32 s11, $0x2  }
0x8: {  	s11 =	simm.s32 $0x1100;
	s7 =	sadd.s32 s7, s4;
	s4 =	sadd.s32 $0x1D3000, s6  }
0x9: {  	s9 =	sadd.s32 s9, s6;
	s29 =	ssub.s32 s28, s12;
	s12 =	simm.s32 $0x2  }
0xa: {  	s7 =	sshrl.u32 s7, $0x3;
	s31 =	sadd.s32 s13, s9;
	s9 =	sadd.s32 $0x3000, s10  }
0xb: {  	s13 =	simm.s32 $0x0;
	s8 =	sadd.s32 s7, s6;
	s6 =	smax.u32 s29, $0x1  }
0xc: {  	s7 =	sadd.s32 s30, s2;
	s10 =	sadd.s32 $0x235000, s31;
	s8 =	sadd.s32 $0x1B800, s8  }
.LBB2_1:
0xd: {  	[tilespmem:s11], [sflag:$0x2] =	stream.linear.gather [hbm4b:s5+s3], $0x1900, $0x38;
	[tilespmem:$0x1B0A0] =	vst v63  }
0xe: {  	s14 =	sadd.s32 $0x0, s1;
	_ =	swait.ge [sflag:s12], $0x1900  }
0xf: {  	p0 =	sgt.u32 s14, $0xF9;
	[sflag:s12] =	ssyncset.done $0x0  }
0x10: {  	s14 =	simm.s32 @!p0 $0x1100;
	s17 =	simm.s32 @!p0 $0x2;
	[sflag:s12] =	ssyncadd.s32 $0xFFFFE700  }
0x11: {  	[spmem:s7] =	stream.linear.scatter @!p0 [tilespmem:s14], [sflag:$0x2], $0x1900, $0x38;
	[tilespmem:$0x1B0A0] =	vst v63  }
0x12: {  	s15 =	simm.s32 $0x10;
	_ =	swait.ge @!p0 [sflag:s17], $0x1900  }
0x13: {  	s16 =	simm.s32 $0x20;
	s14 =	sadd.s32 $0x19000, s7;
	[sflag:s17] =	ssyncset.done @!p0 $0x0  }
.LBB2_2:
0x14: {  	s18 =	sadd.s32 s15, s1;
	s15 =	smov.u32 s16;
	s16 =	sadd.s32 $0x10, s16  }
0x15: {  	[sflag:s17] =	ssyncadd.s32 @!p0 $0xFFFFE700;
	p1 =	sne.s32 s16, $0x100  }
.Ltmp0:
0x16: {  	p0 =	sgt.u32 s18, $0xF9;
	(pc) =	sbr.rel @p1 .LBB2_2-.Ltmp0, $4  }
0x17: {  	s18 =	simm.s32 @!p0 $0x1100;
	s17 =	simm.s32 @!p0 $0x2  }
0x18: {  	[spmem:s14] =	stream.linear.scatter @!p0 [tilespmem:s18], [sflag:$0x2], $0x1900, $0x38;
	[tilespmem:$0x1B0A0] =	vst v63  }
0x19: {  	_ =	swait.ge @!p0 [sflag:s17], $0x1900  }
0x1a: {  	s14 =	sadd.s32 $0x19000, s14;
	[sflag:s17] =	ssyncset.done @!p0 $0x0  }
0x1b: {  	s15 =	sadd.s32 s15, s1  }
0x1c: {  	p1 =	sgt.u32 s15, $0xF9  }
0x1d: {  	[sflag:s17] =	ssyncadd.s32 @!p0 $0xFFFFE700;
	s15 =	simm.s32 @!p1 $0x1100;
	s16 =	simm.s32 @!p1 $0x2  }
0x1e: {  	[spmem:s14] =	stream.linear.scatter @!p1 [tilespmem:s15], [sflag:$0x2], $0x1900, $0x38;
	[tilespmem:$0x1B0A0] =	vst v63  }
0x1f: {  	_ =	swait.ge @!p1 [sflag:s16], $0x1900  }
0x20: {  	p0 =	sgt.u32 s1, $0x1869;
	[sflag:s16] =	ssyncset.done @!p1 $0x0  }
0x21: {  	s14 =	sadd.s32 @!p0 $0x0, s8;
	[sflag:s16] =	ssyncadd.s32 @!p1 $0xFFFFE700  }
0x22: {  	s15 =	simm.s32 @!p0 $0x0;
	s16 =	simm.s32 @!p0 $0x3;
	[bflag:$0x0] =	sbarrier.arrive $0xFFFF  }
0x23: {  	[tilespmem:s15], [sflag:$0x3] =	stream.linear.gather @!p0 [hbm4b:s14+s15], $0x80, $0x38;
	[tilespmem:$0x1B0A0] =	vst v63  }
0x24: {  	_ =	swait.ge @!p0 [sflag:s16], $0x80;
	p0 =	por p0, p0  }
0x25: {  	[sflag:s16] =	ssyncset.done @!p0 $0x0  }
0x26: {  	s14 =	sadd.s32 @!p0 $0x0, s9;
	s17 =	simm.s32 @!p0 $0x80;
	[sflag:s16] =	ssyncadd.s32 @!p0 $0xFFFFFF80  }
0x27: {  	[tilespmem:s17], [sflag:$0x3] =	stream.linear.gather @!p0 [hbm4b:s14+s15], $0x80, $0x38;
	[tilespmem:$0x1B0A0] =	vst v63  }
0x28: {  	_ =	swait.ge @!p0 [sflag:s16], $0x80  }
0x29: {  	[sflag:s16] =	ssyncset.done @!p0 $0x0  }
0x2a: {  	s14 =	simm.s32 @!p0 $0x100;
	[sflag:s16] =	ssyncadd.s32 @!p0 $0xFFFFFF80;
	s16 =	simm.s32 @!p0 $0x1  }
0x2b: {  	[tilespmem:s14], [sflag:$0x1] =	stream.indirect.gather @!p0 [hbm4b:s4+s17], $0x20, s15, s17, $0xb8;
	[tilespmem:$0x1B0A0] =	vst v63  }
0x2c: {  	_ =	swait.ge @!p0 [sflag:s16], $0x1000  }
0x2d: {  	[sflag:s16] =	ssyncset.done @!p0 $0x0  }
0x2e: {  	s15 =	sadd.s32 $0x10, s1;
	[sflag:s16] =	ssyncadd.s32 @!p0 $0xFFFFF000  }
0x2f: {  	[spmem:s2] =	stream.indirect.scatter.add.f32 @!p0 [tilespmem:s14], [sflag:$0x2], $0x20, s17, s17, $0xb8;
	[tilespmem:$0x1B0A0] =	vst v63  }
0x30: {  	p2 =	sgt.u32 s15, $0x1869;
	s17 =	simm.s32 @!p0 $0x2  }
0x31: {  	s16 =	simm.s32 $0x200;
	s14 =	simm.s32 $0x100;
	_ =	swait.ge @!p0 [sflag:s17], $0x1000  }
.LBB2_4:
0x32: {  	s18 =	sadd.s32 @!p2 s14, s8  }
0x33: {  	s19 =	simm.s32 @!p2 $0x0;
	[sflag:s17] =	ssyncset.done @!p0 $0x0;
	s20 =	smov.u32 s16  }
0x34: {  	s16 =	sadd.s32 $0x100, s16;
	s21 =	simm.s32 @!p2 $0x3;
	[sflag:s17] =	ssyncadd.s32 @!p0 $0xFFFFF000  }
0x35: {  	[tilespmem:s19], [sflag:$0x3] =	stream.linear.gather @!p2 [hbm4b:s18+s19], $0x80, $0x38;
	[tilespmem:$0x1B0A0] =	vst v63  }
0x36: {  	p1 =	sne.s32 s16, $0x18700;
	p0 =	por p2, p2;
	_ =	swait.ge @!p2 [sflag:s21], $0x80  }
0x37: {  	[sflag:s21] =	ssyncset.done @!p0 $0x0  }
0x38: {  	s14 =	sadd.s32 @!p0 s14, s9;
	s18 =	simm.s32 @!p0 $0x80;
	[sflag:s21] =	ssyncadd.s32 @!p0 $0xFFFFFF80  }
0x39: {  	[tilespmem:s18], [sflag:$0x3] =	stream.linear.gather @!p0 [hbm4b:s14+s19], $0x80, $0x38;
	[tilespmem:$0x1B0A0] =	vst v63  }
0x3a: {  	s14 =	smov.u32 s20;
	_ =	swait.ge @!p0 [sflag:s21], $0x80  }
0x3b: {  	[sflag:s21] =	ssyncset.done @!p0 $0x0  }
0x3c: {  	s17 =	simm.s32 @!p0 $0x1;
	s20 =	simm.s32 @!p0 $0x100;
	[sflag:s21] =	ssyncadd.s32 @!p0 $0xFFFFFF80  }
0x3d: {  	[tilespmem:s20], [sflag:$0x1] =	stream.indirect.gather @!p0 [hbm4b:s4+s18], $0x20, s19, s18, $0xb8;
	[tilespmem:$0x1B0A0] =	vst v63  }
.Ltmp1:
0x3e: {  	_ =	swait.ge @!p0 [sflag:s17], $0x1000;
	(pc) =	sbr.rel @p1 .LBB2_4-.Ltmp1, $4  }
0x3f: {  	[sflag:s17] =	ssyncset.done @!p0 $0x0  }
0x40: {  	s15 =	sadd.s32 $0x10, s15;
	[sflag:s17] =	ssyncadd.s32 @!p0 $0xFFFFF000;
	s17 =	simm.s32 @!p0 $0x2  }
0x41: {  	[spmem:s2] =	stream.indirect.scatter.add.f32 @!p0 [tilespmem:s20], [sflag:$0x2], $0x20, s18, s18, $0xb8;
	[tilespmem:$0x1B0A0] =	vst v63  }
0x42: {  	p2 =	sgt.u32 s15, $0x1869;
	_ =	swait.ge @!p0 [sflag:s17], $0x1000  }
0x43: {  	s15 =	sadd.s32 @!p2 s14, s8;
	[sflag:s17] =	ssyncset.done @!p0 $0x0  }
0x44: {  	s16 =	simm.s32 @!p2 $0x0;
	s18 =	simm.s32 @!p2 $0x3;
	[sflag:s17] =	ssyncadd.s32 @!p0 $0xFFFFF000  }
0x45: {  	[tilespmem:s16], [sflag:$0x3] =	stream.linear.gather @!p2 [hbm4b:s15+s16], $0x80, $0x38;
	[tilespmem:$0x1B0A0] =	vst v63  }
0x46: {  	p0 =	por p2, p2;
	_ =	swait.ge @!p2 [sflag:s18], $0x80  }
0x47: {  	[sflag:s18] =	ssyncset.done @!p0 $0x0  }
0x48: {  	s14 =	sadd.s32 @!p0 s14, s9;
	s15 =	simm.s32 @!p0 $0x80;
	[sflag:s18] =	ssyncadd.s32 @!p0 $0xFFFFFF80  }
0x49: {  	[tilespmem:s15], [sflag:$0x3] =	stream.linear.gather @!p0 [hbm4b:s14+s16], $0x80, $0x38;
	[tilespmem:$0x1B0A0] =	vst v63  }
0x4a: {  	_ =	swait.ge @!p0 [sflag:s18], $0x80  }
0x4b: {  	[sflag:s18] =	ssyncset.done @!p0 $0x0  }
0x4c: {  	s17 =	simm.s32 @!p0 $0x1;
	s14 =	simm.s32 @!p0 $0x100;
	[sflag:s18] =	ssyncadd.s32 @!p0 $0xFFFFFF80  }
0x4d: {  	[tilespmem:s14], [sflag:$0x1] =	stream.indirect.gather @!p0 [hbm4b:s4+s15], $0x20, s16, s15, $0xb8;
	[tilespmem:$0x1B0A0] =	vst v63  }
0x4e: {  	_ =	swait.ge @!p0 [sflag:s17], $0x1000  }
0x4f: {  	[sflag:s17] =	ssyncset.done @!p0 $0x0  }
0x50: {  	s16 =	simm.s32 @!p0 $0x2;
	[sflag:s17] =	ssyncadd.s32 @!p0 $0xFFFFF000  }
0x51: {  	[spmem:s2] =	stream.indirect.scatter.add.f32 @!p0 [tilespmem:s14], [sflag:$0x2], $0x20, s15, s15, $0xb8;
	[tilespmem:$0x1B0A0] =	vst v63  }
0x52: {  	_ =	swait.ge @!p0 [sflag:s16], $0x1000  }
0x53: {  	[sflag:s16] =	ssyncset.done @!p0 $0x0  }
0x54: {  	s30 =	sadd.s32 $0x0, s1;
	[sflag:s16] =	ssyncadd.s32 @!p0 $0xFFFFF000  }
0x55: {  	p0 =	sgt.u32 s30, $0xF9;
	[bflag:$0x0] =	sbarrier.arrive $0xFFFF  }
0x56: {  	s14 =	simm.s32 @!p0 $0x1100;
	s16 =	simm.s32 @!p0 $0x3;
	p0 =	por p0, p0  }
0x57: {  	[tilespmem:s14], [sflag:$0x3] =	stream.linear.gather @!p0 [spmem:s7], $0x1900, $0x38;
	[tilespmem:$0x1B0A0] =	vst v63  }
0x58: {  	_ =	swait.ge @!p0 [sflag:s16], $0x1900  }
0x59: {  	s31 =	sadd.s32 $0x10, s1;
	[sflag:s16] =	ssyncset.done @!p0 $0x0  }
0x5a: {  	s17 =	simm.s32 @!p0 $0x2;
	[sflag:s16] =	ssyncadd.s32 @!p0 $0xFFFFE700;
	s16 =	simm.s32 @!p0 $0x0  }
0x5b: {  	[hbm4b:s10+s16] =	stream.linear.scatter @!p0 [tilespmem:s14], [sflag:$0x2], $0x1900, $0x38;
	[tilespmem:$0x1B0A0] =	vst v63  }
0x5c: {  	p1 =	sgt.u32 s31, $0xF9;
	s15 =	simm.s32 $0x20;
	_ =	swait.ge @!p0 [sflag:s17], $0x1900  }
0x5d: {  	s14 =	sadd.s32 $0x3200, s10;
	s16 =	sadd.s32 $0x19000, s7;
	[sflag:s17] =	ssyncset.done @!p0 $0x0  }
.LBB2_6:
0x5e: {  	s18 =	simm.s32 @!p1 $0x1100;
	s19 =	simm.s32 @!p1 $0x3;
	[sflag:s17] =	ssyncadd.s32 @!p0 $0xFFFFE700  }
0x5f: {  	s20 =	smov.u32 s15;
	p0 =	por p1, p1;
	s15 =	sadd.s32 $0x10, s15  }
0x60: {  	[tilespmem:s18], [sflag:$0x3] =	stream.linear.gather @!p0 [spmem:s16], $0x1900, $0x38;
	[tilespmem:$0x1B0A0] =	vst v63  }
0x61: {  	p2 =	sne.s32 s15, $0x100;
	_ =	swait.ge @!p0 [sflag:s19], $0x1900  }
.Ltmp2:
0x62: {  	[sflag:s19] =	ssyncset.done @!p0 $0x0;
	(pc) =	sbr.rel @p2 .LBB2_6-.Ltmp2, $4  }
0x63: {  	s17 =	simm.s32 @!p0 $0x2;
	[sflag:s19] =	ssyncadd.s32 @!p0 $0xFFFFE700;
	s19 =	simm.s32 @!p0 $0x0  }
0x64: {  	[hbm4b:s14+s19] =	stream.linear.scatter @!p0 [tilespmem:s18], [sflag:$0x2], $0x1900, $0x38;
	[tilespmem:$0x1B0A0] =	vst v63  }
0x65: {  	s18 =	sadd.s32 s20, s1;
	s14 =	sadd.s32 $0x3200, s14;
	_ =	swait.ge @!p0 [sflag:s17], $0x1900  }
0x66: {  	s16 =	sadd.s32 $0x19000, s16;
	p1 =	sgt.u32 s18, $0xF9;
	[sflag:s17] =	ssyncset.done @!p0 $0x0  }
0x67: {  	s15 =	simm.s32 @!p1 $0x1100  }
0x68: {  	s18 =	simm.s32 @!p1 $0x3;
	[sflag:s17] =	ssyncadd.s32 @!p0 $0xFFFFE700;
	p0 =	por p1, p1  }
0x69: {  	[tilespmem:s15], [sflag:$0x3] =	stream.linear.gather @!p0 [spmem:s16], $0x1900, $0x38;
	[tilespmem:$0x1B0A0] =	vst v63  }
0x6a: {  	s13 =	sadd.s32 $0x1, s13;
	_ =	swait.ge @!p0 [sflag:s18], $0x1900  }
0x6b: {  	s16 =	simm.s32 @!p0 $0x0;
	p1 =	sne.s32 s13, s6;
	[sflag:s18] =	ssyncset.done @!p0 $0x0  }
.Ltmp3:
0x6c: {  	s17 =	simm.s32 @!p0 $0x2;
	[sflag:s18] =	ssyncadd.s32 @!p0 $0xFFFFE700;
	(pc) =	sbr.rel @p1 .LBB2_1-.Ltmp3, $4  }
0x6d: {  	[hbm4b:s14+s16] =	stream.linear.scatter @!p0 [tilespmem:s15], [sflag:$0x2], $0x1900, $0x38;
	[tilespmem:$0x1B0A0] =	vst v63  }
0x6e: {  	_ =	swait.ge @!p0 [sflag:s17], $0x1900  }
0x6f: {  	[sflag:s17] =	ssyncset.done @!p0 $0x0  }
0x70: {  	[sflag:s17] =	ssyncadd.s32 @!p0 $0xFFFFE700  }
0x71: {  	_ =	sfence.sel $0x180000  }
0x72: {  	[bflag:$0x0] =	sbarrier.arrive $0xFFFF  }
0x73: {  	p0 =	sne.s32 s1, $0x0;
	_ =	strace $0x90000047  }
0x74: {  	s0 =	sadd.s32 @!p0 $0x100000, s0;
	[bflag:$0x2] =	sbarrier.arrive $0xFFFF  }
0x75: {  	[sflag:s0] =	ssyncadd.tile.s32 @!p0 $0x1;
	_ =	shalt  }
.Lfunc_end2:
_tile_overlayer_lowered:
.L_overlay_start_2:
0x76: {  	(tag) =	ssettag $0x2  }
0x77: {  	s0 =	rddreg [dreg:$0x0];
	s2 =	stileid.u32  }
0x78: {  	s1 =	rddreg [dreg:$0x1];
	p0 =	sne.s32 s2, $0x0  }
0x79: {  	s3 =	rddreg [dreg:$0x2];
	[bflag:$0x3] =	sbarrier.arrive $0xFFFF;
	s2 =	simm.s32 @!p0 $0x1C02  }
0x7a: {  	[timem:s3], [sflag:s2] =	dma.local @!p0 [hbm:s0], s1  }
0x7b: {  	s0 =	simm.s32 @!p0 $0x2  }
0x7c: {  	_ =	swait.ge @!p0 [sflag:s0], s1  }
0x7d: {  	s1 =	ssub.s32 @!p0 $0x0, s1;
	[sflag:s0] =	ssyncset.done @!p0 $0x0  }
0x7e: {  	[sflag:s0] =	ssyncadd.s32 @!p0 s1  }
0x7f: {  	[bflag:$0x3] =	sbarrier.arrive $0xFFFF  }
0x80: {  	_ =	shalt  }

// kernel: kernel.16.cloned.1.call-start
scs
__scs_entry_jumppad:
0x0: {  	(pc) =	sbr.rel $0x88, $3  }
0x1: {  	(tag) =	ssettag $0x0;
	lr =	simm.s32 $0x1  }
0x2: {  	[smem:$0x3F93] =	sst lr;
	_ =	strace $0xD0000000  }
0x3: {  	_ = 	snop  }
0x4: {  	_ = 	snop  }
0x5: {  	_ = 	snop  }
0x6: {  	_ = 	snop  }
0x7: {  	_ = 	snop  }
__scs_overlays_trampoline_lowered:
0x8: {  	[smem:$0x3FA2] =	sst s0  }
0x9: {  	[smem:$0x3FA3] =	sst s1  }
0xa: {  	[smem:$0x3FA4] =	sst s2  }
0xb: {  	[smem:$0x3FA5] =	sst s3  }
0xc: {  	[smem:$0x3FA6] =	sst s4  }
0xd: {  	[smem:$0x3FA7] =	sst s5  }
0xe: {  	[smem:$0x3FA8] =	sst s6  }
0xf: {  	[smem:$0x3FA9] =	sst s7  }
0x10: {  	[smem:$0x3FAA] =	sst s8  }
0x11: {  	[smem:$0x3FAB] =	sst s9;
	s0 =	simm.s32 @!p0 $0x0  }
0x12: {  	s1 =	sld [smem:$0x3F91];
	s0 =	simm.s32 @p0 $0x1  }
0x13: {  	[smem:$0x3FAC] =	sst s0;
	s0 =	simm.s32 @!p1 $0x0  }
0x14: {  	s2 =	sld [smem:$0x3F90];
	s0 =	simm.s32 @p1 $0x1  }
0x15: {  	[smem:$0x3FAD] =	sst s0;
	s0 =	simm.s32 @!p2 $0x0  }
0x16: {  	s3 =	sld [smem:$0x3FDB];
	s0 =	simm.s32 @p2 $0x1  }
0x17: {  	s4 =	simm.s32 $0x1BF5;
	[smem:$0x3FAF] =	sst s0  }
0x18: {  	s0 =	sld [smem:$0x3F92];
	_ =	swait.ge [sflag:s4], $0x0  }
0x19: {  	s7 =	sld [smem:$0x3F93]  }
0x1a: {  	s8 =	sadd.s32 $0xFFFFE003, lr  }
0x1b: {  	s9 =	sadd.s32 $0xFFFFFEF7, lr;
	s5 =	simm.s32 $0xFFFFFFFF;
	p2 =	slt.u32 s8, $0xFFFFF086  }
0x1c: {  	p1 =	slt.u32 s9, $0xF7A;
	s5 =	simm.s32 @!p2 $0x0  }
0x1d: {  	s5 =	simm.s32 @p1 $0x1;
	p0 =	seq.s32 s7, s2  }
0x1e: {  	s7 =	smul.u32 @!p0 $0xF7A, s2;
	p2 =	seq.s32 @!p0 s5, $0x0  }
0x1f: {  	s9 =	smul.u32 $0xF7A, s1;
	s8 =	simm.s32 @!p0 $0x1BF5;
	p2 =	por !p2, p0  }
0x20: {  	[sflag:s8] =	ssyncset.s32 @!p0 $0xFFFFF086;
	s6 =	sadd.s32 @!p0 s3, s7;
	s7 =	simm.s32 @!p0 $0x108  }
0x21: {  	s3 =	sadd.s32 s3, s9;
	s6 =	sadd.s32 @!p0 $0x88, s6;
	s7 =	simm.s32 @p2 $0x1082  }
0x22: {  	[simem:s7], [sflag:s8] =	dma.local @!p0 [hbm:s6], $0xF7A  }
0x23: {  	s9 =	sor.u32 $0xD0000000, s2;
	s6 =	simm.s32 $0x108;
	_ =	swait.ge @!p0 [sflag:s8], $0x0  }
0x24: {  	s3 =	sadd.s32 $0x88, s3;
	s6 =	simm.s32 @!p1 $0x1082;
	[sflag:s4] =	ssyncset.s32 $0xFFFFF086  }
0x25: {  	[simem:s6], [sflag:s4] =	dma.local [hbm:s3], $0xF7A  }
0x26: {  	[smem:$0x3F93] =	sst s1;
	(tag) =	ssettag s2;
	_ =	strace s9  }
0x27: {  	s1 =	sld [smem:$0x3FA3]  }
0x28: {  	s2 =	sld [smem:$0x3FA4]  }
0x29: {  	s4 =	sld [smem:$0x3FA6]  }
0x2a: {  	p0 =	seq.s32 s5, $0x0;
	s5 =	sld [smem:$0x3FA7]  }
0x2b: {  	s6 =	sld [smem:$0x3FA8]  }
0x2c: {  	s7 =	sld [smem:$0x3FA9]  }
0x2d: {  	s3 =	simm.s32 $0x108;
	s8 =	sld [smem:$0x3FAA]  }
0x2e: {  	s3 =	simm.s32 @!p0 $0x1082;
	s9 =	sld [smem:$0x3FAB]  }
0x2f: {  	lr =	sadd.s32 s0, s3;
	s0 =	sld [smem:$0x3FA2]  }
0x30: {  	s3 =	sld [smem:$0x3FA5]  }
0x31: {  	[smem:$0x3FAE] =	sst s10  }
0x32: {  	s10 =	sld [smem:$0x3FAC];
	_ =	sdelay $0x3  }
0x33: {  	p0 =	seq.s32 s10, $0x1;
	s10 =	sld [smem:$0x3FAE];
	_ =	sdelay $0x3  }
0x34: {  	[smem:$0x3FAE] =	sst s10  }
0x35: {  	s10 =	sld [smem:$0x3FAD];
	_ =	sdelay $0x3  }
0x36: {  	p1 =	seq.s32 s10, $0x1;
	s10 =	sld [smem:$0x3FAE];
	_ =	sdelay $0x3  }
0x37: {  	[smem:$0x3FAE] =	sst s10  }
0x38: {  	s10 =	sld [smem:$0x3FAF]  }
0x39: {  	_ = 	snop;
	(pc) =	sbr.ind lr, $3  }
0x3a: {  	_ = 	snop  }
0x3b: {  	_ = 	snop  }
0x3c: {  	p2 =	seq.s32 s10, $0x1;
	s10 =	sld [smem:$0x3FAE]  }
0x3d: {  	_ =	shalt  }
0x3e: {  	_ =	shalt  }
0x3f: {  	_ =	shalt  }
0x40: {  	_ =	shalt  }
0x41: {  	_ =	shalt  }
0x42: {  	_ =	shalt  }
0x43: {  	_ =	shalt  }
0x44: {  	_ =	shalt  }
0x45: {  	_ =	shalt  }
0x46: {  	_ =	shalt  }
0x47: {  	_ =	shalt  }
0x48: {  	_ =	shalt  }
0x49: {  	_ =	shalt  }
0x4a: {  	_ =	shalt  }
0x4b: {  	_ =	shalt  }
0x4c: {  	_ =	shalt  }
0x4d: {  	_ =	shalt  }
0x4e: {  	_ =	shalt  }
0x4f: {  	_ =	shalt  }
0x50: {  	_ =	shalt  }
0x51: {  	_ =	shalt  }
0x52: {  	_ =	shalt  }
0x53: {  	_ =	shalt  }
0x54: {  	_ =	shalt  }
0x55: {  	_ =	shalt  }
0x56: {  	_ =	shalt  }
0x57: {  	_ =	shalt  }
0x58: {  	_ =	shalt  }
0x59: {  	_ =	shalt  }
0x5a: {  	_ =	shalt  }
0x5b: {  	_ =	shalt  }
0x5c: {  	_ =	shalt  }
0x5d: {  	_ =	shalt  }
0x5e: {  	_ =	shalt  }
0x5f: {  	_ =	shalt  }
0x60: {  	_ =	shalt  }
0x61: {  	_ =	shalt  }
0x62: {  	_ =	shalt  }
0x63: {  	_ =	shalt  }
0x64: {  	_ =	shalt  }
0x65: {  	_ =	shalt  }
0x66: {  	_ =	shalt  }
0x67: {  	_ =	shalt  }
0x68: {  	_ =	shalt  }
0x69: {  	_ =	shalt  }
0x6a: {  	_ =	shalt  }
0x6b: {  	_ =	shalt  }
0x6c: {  	_ =	shalt  }
0x6d: {  	_ =	shalt  }
0x6e: {  	_ =	shalt  }
0x6f: {  	_ =	shalt  }
0x70: {  	_ =	shalt  }
0x71: {  	_ =	shalt  }
0x72: {  	_ =	shalt  }
0x73: {  	_ =	shalt  }
0x74: {  	_ =	shalt  }
0x75: {  	_ =	shalt  }
0x76: {  	_ =	shalt  }
0x77: {  	_ =	shalt  }
0x78: {  	_ =	shalt  }
0x79: {  	_ =	shalt  }
0x7a: {  	_ =	shalt  }
0x7b: {  	_ =	shalt  }
0x7c: {  	_ =	shalt  }
0x7d: {  	_ =	shalt  }
0x7e: {  	_ =	shalt  }
0x7f: {  	_ =	shalt  }
0x80: {  	_ =	shalt  }
0x81: {  	_ =	shalt  }
0x82: {  	_ =	shalt  }
0x83: {  	_ =	shalt  }
0x84: {  	_ =	shalt  }
0x85: {  	_ =	shalt  }
0x86: {  	_ =	shalt  }
0x87: {  	_ =	shalt  }
.Lfunc_end0:
.L_simem_size_0:
called_computation.1_lowered:
.L_overlay_start_0:
0x88: {  	s2 =	sld [smem:$0x3FD9]  }
0x89: {  	s3 =	sld [smem:$0x3FFE];
	_ =	sdelay $0x1  }
0x8a: {  	s1 =	srdreg.scid  }
0x8b: {  	s0 =	sand.u32 $0x1, s1  }
0x8c: {  	s16 =	sshll.u32 s0, $0xA;
	s2 =	sadd.s32 s3, s2  }
0x8d: {  	s2 =	sadd.s32 s2, s16  }
0x8e: {  	[smem:$0x3FBA] =	sst s2  }
0x8f: {  	_ = 	snop  }
0x90: {  	(tm) =	ssettm $0x1  }
0x91: {  	s17 =	sld [smem:$0x3FFB];
	_ =	sdelay $0x3  }
0x92: {  	_ =	strace s17  }
0x93: {  	s2 =	sld [smem:$0x3FFC];
	_ =	sdelay $0x3  }
0x94: {  	_ =	strace s2  }
0x95: {  	s2 =	sld [smem:$0x3FFD];
	_ =	sdelay $0x3  }
0x96: {  	_ =	strace s2  }
0x97: {  	_ =	strace $0x8FFFFFFF  }
0x98: {  	s18 =	sld [smem:$0x3FDB];
	_ =	sdelay $0x1  }
0x99: {  	s19 =	simm.s32 $_scs_section_size  }
0x9a: {  	s4 =	simm.s32 $_size__tile_overlayer_lowered;
	s5 =	simm.s32 $_tile_overlayer_lowered  }
0x9b: {  	s22 =	simm.s32 $0x1BFF;
	s21 =	sshll.u32 s5, $0x1;
	s2 =	sadd.s32 s19, s18  }
0x9c: {  	s6 =	simm.s32 $0x0;
	s20 =	sshll.u32 s4, $0x1;
	s4 =	sadd.s32 s21, s2  }
0x9d: {  	[timem:s6], [sflag:s22] =	dma.local [hbm:s4], s20  }
0x9e: {  	_ =	swait.ge [sflag:s22], s20  }
0x9f: {  	s3 =	ssub.s32 $0x0, s20;
	[sflag:s22] =	ssyncset.done $0x0  }
0xa0: {  	[sflag:s22] =	ssyncadd.s32 s3;
	_ =	sdelay $0x1  }
0xa1: {  	s23 =	simm.s32 $0x1B8B  }
0xa2: {  	_ =	swait.ge [sflag:s23], $0x1  }
0xa3: {  	[sflag:s23] =	ssyncset.done $0x0  }
0xa4: {  	s25 =	simm.s32 $0x1B8E;
	s24 =	sld [smem:$0x3FFE];
	[sflag:s23] =	ssyncadd.s32 $0xFFFFFFFF  }
0xa5: {  	s26 =	simm.s32 $execute0_lowered;
	[smem:$0x3FD2] =	sst s25  }
0xa6: {  	s4 =	sshll.u32 s26, $0x1;
	_ =	strace $0x80000049;
	[dreg:$0x1] =	wrdreg $0xFFFFFFFF  }
0xa7: {  	s28 =	simm.s32 $_size_execute0_lowered;
	s2 =	sadd.s32 s2, s4;
	[dreg:$0x0] =	wrdreg $0x0  }
0xa8: {  	s4 =	sshll.u32 s28, $0x1;
	[dreg:$0x2] =	wrdreg s2  }
0xa9: {  	[dreg:$0x3] =	wrdreg s4  }
0xaa: {  	[dreg:$0x4] =	wrdreg $0xC0  }
0xab: {  	_ =	task [dreg:s6], $0x5FFFF  }
0xac: {  	[dreg:$0x1] =	wrdreg $0xFFFFFFFF  }
0xad: {  	[dreg:$0x0] =	wrdreg $0x60  }
0xae: {  	[dreg:$0x2] =	wrdreg s24  }
0xaf: {  	[dreg:$0x3] =	wrdreg $0x2A000  }
0xb0: {  	[dreg:$0x4] =	wrdreg $0x9  }
0xb1: {  	_ =	task.clear_ibuf [dreg:s6], $0x5FFFF;
	_ =	strace $0x90000049  }
0xb2: {  	s29 =	simm.s32 $0x9;
	_ =	strace $0x8000004B  }
0xb3: {  	_ =	swait.ge [sflag:s29], $0x1  }
0xb4: {  	[sflag:s29] =	ssyncadd.s32 $0xFFFFFFFF  }
0xb5: {  	_ =	strace $0x9000004B  }
0xb6: {  	_ =	sfence  }
0xb7: {  	s30 =	sld [smem:$0x0];
	_ =	sdelay $0x2  }
0xb8: {  	s31 =	sshll.u32 s1, $0xD;
	s1 =	sshrl.u32 s1, $0x2  }
0xb9: {  	s3 =	sand.u32 $0x4000, s31;
	s1 =	sadd.s32 s1, s30  }
0xba: {  	s0 =	sor.u32 s3, s0;
	s1 =	sshll.u32 s1, $0x11  }
0xbb: {  	s0 =	sor.u32 s1, s0  }
0xbc: {  	s0 =	sadd.s32 $0x8F2B, s0  }
0xbd: {  	[sflag:s0] =	ssyncadd.remote.s32 $0x1  }
0xbe: {  	_ =	sfence.sel $0xFFFF  }
0xbf: {  	[dreg:$0x0] =	wrdreg $0xFFFFFFFF;
	(pc) =	sbr.abs _section_cstart, $3  }
0xc0: {  	[dreg:$0x1] =	wrdreg $0xFFFFFFFF  }
0xc1: {  	_ =	task.clear_ibuf [dreg:s6], $0x2FFFF;
	_ =	strace $0x9FFFFFFF  }
0xc2: {  	(tm) =	ssettm $0x7FFFFFFF  }
0xc3: {  	_ =	shalt  }
tec
execute0_lowered:
.L_overlay_start_1:
0x0: {  	(tag) =	ssettag $0x1  }
0x1: {  	s6 =	rddreg [dreg:$0x0];
	s0 =	srdreg.scid  }
0x2: {  	s2 =	rddreg [dreg:$0x1];
	s1 =	stileid.u32;
	s3 =	simm.s32 $0x0  }
0x3: {  	s5 =	sand.u32 $0x1, s0;
	s0 =	rddreg [dreg:$0x2];
	s11 =	smul.u32 $0x6400, s1  }
0x4: {  	s7 =	sshll.u32 s1, $0x7;
	[smem:$0x7FF] =	sst s3;
	s13 =	smul.u32 $0x320, s1  }
0x5: {  	s26 =	sshll.u32 s1, $0x4;
	s4 =	smul.u32 $0xC3500, s5;
	_ =	strace $0x8000004A  }
0x6: {  	s9 =	smul.u32 $0x30D40, s5;
	s10 =	sadd.s32 s26, s6;
	s28 =	ssub.s32 $0x2, s5  }
0x7: {  	s5 =	sadd.s32 $0x234C00, s6;
	s12 =	sshrl.u32 s28, $0x1;
	s30 =	sshrl.u32 s11, $0x2  }
0x8: {  	s11 =	simm.s32 $0x1100;
	s7 =	sadd.s32 s7, s4;
	s4 =	sadd.s32 $0x235000, s6  }
0x9: {  	s9 =	sadd.s32 s9, s6;
	s29 =	ssub.s32 s28, s12;
	s12 =	simm.s32 $0x2  }
0xa: {  	s7 =	sshrl.u32 s7, $0x3;
	s31 =	sadd.s32 s13, s9;
	s9 =	sadd.s32 $0x3000, s10  }
0xb: {  	s13 =	simm.s32 $0x0;
	s8 =	sadd.s32 s7, s6;
	s6 =	smax.u32 s29, $0x1  }
0xc: {  	s7 =	sadd.s32 s30, s2;
	s10 =	sadd.s32 $0x298200, s31;
	s8 =	sadd.s32 $0x1B800, s8  }
.LBB2_1:
0xd: {  	[tilespmem:s11], [sflag:$0x2] =	stream.linear.gather [hbm4b:s5+s3], $0x1900, $0x38;
	[tilespmem:$0x1B0A0] =	vst v63  }
0xe: {  	s14 =	sadd.s32 $0x0, s1;
	_ =	swait.ge [sflag:s12], $0x1900  }
0xf: {  	p0 =	sgt.u32 s14, $0xF9;
	[sflag:s12] =	ssyncset.done $0x0  }
0x10: {  	s14 =	simm.s32 @!p0 $0x1100;
	s17 =	simm.s32 @!p0 $0x2;
	[sflag:s12] =	ssyncadd.s32 $0xFFFFE700  }
0x11: {  	[spmem:s7] =	stream.linear.scatter @!p0 [tilespmem:s14], [sflag:$0x2], $0x1900, $0x38;
	[tilespmem:$0x1B0A0] =	vst v63  }
0x12: {  	s15 =	simm.s32 $0x10;
	_ =	swait.ge @!p0 [sflag:s17], $0x1900  }
0x13: {  	s16 =	simm.s32 $0x20;
	s14 =	sadd.s32 $0x19000, s7;
	[sflag:s17] =	ssyncset.done @!p0 $0x0  }
.LBB2_2:
0x14: {  	s18 =	sadd.s32 s15, s1;
	s15 =	smov.u32 s16;
	s16 =	sadd.s32 $0x10, s16  }
0x15: {  	[sflag:s17] =	ssyncadd.s32 @!p0 $0xFFFFE700;
	p1 =	sne.s32 s16, $0x100  }
.Ltmp0:
0x16: {  	p0 =	sgt.u32 s18, $0xF9;
	(pc) =	sbr.rel @p1 .LBB2_2-.Ltmp0, $4  }
0x17: {  	s18 =	simm.s32 @!p0 $0x1100;
	s17 =	simm.s32 @!p0 $0x2  }
0x18: {  	[spmem:s14] =	stream.linear.scatter @!p0 [tilespmem:s18], [sflag:$0x2], $0x1900, $0x38;
	[tilespmem:$0x1B0A0] =	vst v63  }
0x19: {  	_ =	swait.ge @!p0 [sflag:s17], $0x1900  }
0x1a: {  	s14 =	sadd.s32 $0x19000, s14;
	[sflag:s17] =	ssyncset.done @!p0 $0x0  }
0x1b: {  	s15 =	sadd.s32 s15, s1  }
0x1c: {  	p1 =	sgt.u32 s15, $0xF9  }
0x1d: {  	[sflag:s17] =	ssyncadd.s32 @!p0 $0xFFFFE700;
	s15 =	simm.s32 @!p1 $0x1100;
	s16 =	simm.s32 @!p1 $0x2  }
0x1e: {  	[spmem:s14] =	stream.linear.scatter @!p1 [tilespmem:s15], [sflag:$0x2], $0x1900, $0x38;
	[tilespmem:$0x1B0A0] =	vst v63  }
0x1f: {  	_ =	swait.ge @!p1 [sflag:s16], $0x1900  }
0x20: {  	p0 =	sgt.u32 s1, $0x1869;
	[sflag:s16] =	ssyncset.done @!p1 $0x0  }
0x21: {  	s14 =	sadd.s32 @!p0 $0x0, s8;
	[sflag:s16] =	ssyncadd.s32 @!p1 $0xFFFFE700  }
0x22: {  	s15 =	simm.s32 @!p0 $0x0;
	s16 =	simm.s32 @!p0 $0x3;
	[bflag:$0x0] =	sbarrier.arrive $0xFFFF  }
0x23: {  	[tilespmem:s15], [sflag:$0x3] =	stream.linear.gather @!p0 [hbm4b:s14+s15], $0x80, $0x38;
	[tilespmem:$0x1B0A0] =	vst v63  }
0x24: {  	_ =	swait.ge @!p0 [sflag:s16], $0x80;
	p0 =	por p0, p0  }
0x25: {  	[sflag:s16] =	ssyncset.done @!p0 $0x0  }
0x26: {  	s14 =	sadd.s32 @!p0 $0x0, s9;
	s17 =	simm.s32 @!p0 $0x80;
	[sflag:s16] =	ssyncadd.s32 @!p0 $0xFFFFFF80  }
0x27: {  	[tilespmem:s17], [sflag:$0x3] =	stream.linear.gather @!p0 [hbm4b:s14+s15], $0x80, $0x38;
	[tilespmem:$0x1B0A0] =	vst v63  }
0x28: {  	_ =	swait.ge @!p0 [sflag:s16], $0x80  }
0x29: {  	[sflag:s16] =	ssyncset.done @!p0 $0x0  }
0x2a: {  	s14 =	simm.s32 @!p0 $0x100;
	[sflag:s16] =	ssyncadd.s32 @!p0 $0xFFFFFF80;
	s16 =	simm.s32 @!p0 $0x1  }
0x2b: {  	[tilespmem:s14], [sflag:$0x1] =	stream.indirect.gather @!p0 [hbm4b:s4+s17], $0x20, s15, s17, $0xb8;
	[tilespmem:$0x1B0A0] =	vst v63  }
0x2c: {  	_ =	swait.ge @!p0 [sflag:s16], $0x1000  }
0x2d: {  	[sflag:s16] =	ssyncset.done @!p0 $0x0  }
0x2e: {  	s15 =	sadd.s32 $0x10, s1;
	[sflag:s16] =	ssyncadd.s32 @!p0 $0xFFFFF000  }
0x2f: {  	[spmem:s2] =	stream.indirect.scatter.add.f32 @!p0 [tilespmem:s14], [sflag:$0x2], $0x20, s17, s17, $0xb8;
	[tilespmem:$0x1B0A0] =	vst v63  }
0x30: {  	p2 =	sgt.u32 s15, $0x1869;
	s17 =	simm.s32 @!p0 $0x2  }
0x31: {  	s16 =	simm.s32 $0x200;
	s14 =	simm.s32 $0x100;
	_ =	swait.ge @!p0 [sflag:s17], $0x1000  }
.LBB2_4:
0x32: {  	s18 =	sadd.s32 @!p2 s14, s8  }
0x33: {  	s19 =	simm.s32 @!p2 $0x0;
	[sflag:s17] =	ssyncset.done @!p0 $0x0;
	s20 =	smov.u32 s16  }
0x34: {  	s16 =	sadd.s32 $0x100, s16;
	s21 =	simm.s32 @!p2 $0x3;
	[sflag:s17] =	ssyncadd.s32 @!p0 $0xFFFFF000  }
0x35: {  	[tilespmem:s19], [sflag:$0x3] =	stream.linear.gather @!p2 [hbm4b:s18+s19], $0x80, $0x38;
	[tilespmem:$0x1B0A0] =	vst v63  }
0x36: {  	p1 =	sne.s32 s16, $0x18700;
	p0 =	por p2, p2;
	_ =	swait.ge @!p2 [sflag:s21], $0x80  }
0x37: {  	[sflag:s21] =	ssyncset.done @!p0 $0x0  }
0x38: {  	s14 =	sadd.s32 @!p0 s14, s9;
	s18 =	simm.s32 @!p0 $0x80;
	[sflag:s21] =	ssyncadd.s32 @!p0 $0xFFFFFF80  }
0x39: {  	[tilespmem:s18], [sflag:$0x3] =	stream.linear.gather @!p0 [hbm4b:s14+s19], $0x80, $0x38;
	[tilespmem:$0x1B0A0] =	vst v63  }
0x3a: {  	s14 =	smov.u32 s20;
	_ =	swait.ge @!p0 [sflag:s21], $0x80  }
0x3b: {  	[sflag:s21] =	ssyncset.done @!p0 $0x0  }
0x3c: {  	s17 =	simm.s32 @!p0 $0x1;
	s20 =	simm.s32 @!p0 $0x100;
	[sflag:s21] =	ssyncadd.s32 @!p0 $0xFFFFFF80  }
0x3d: {  	[tilespmem:s20], [sflag:$0x1] =	stream.indirect.gather @!p0 [hbm4b:s4+s18], $0x20, s19, s18, $0xb8;
	[tilespmem:$0x1B0A0] =	vst v63  }
.Ltmp1:
0x3e: {  	_ =	swait.ge @!p0 [sflag:s17], $0x1000;
	(pc) =	sbr.rel @p1 .LBB2_4-.Ltmp1, $4  }
0x3f: {  	[sflag:s17] =	ssyncset.done @!p0 $0x0  }
0x40: {  	s15 =	sadd.s32 $0x10, s15;
	[sflag:s17] =	ssyncadd.s32 @!p0 $0xFFFFF000;
	s17 =	simm.s32 @!p0 $0x2  }
0x41: {  	[spmem:s2] =	stream.indirect.scatter.add.f32 @!p0 [tilespmem:s20], [sflag:$0x2], $0x20, s18, s18, $0xb8;
	[tilespmem:$0x1B0A0] =	vst v63  }
0x42: {  	p2 =	sgt.u32 s15, $0x1869;
	_ =	swait.ge @!p0 [sflag:s17], $0x1000  }
0x43: {  	s15 =	sadd.s32 @!p2 s14, s8;
	[sflag:s17] =	ssyncset.done @!p0 $0x0  }
0x44: {  	s16 =	simm.s32 @!p2 $0x0;
	s18 =	simm.s32 @!p2 $0x3;
	[sflag:s17] =	ssyncadd.s32 @!p0 $0xFFFFF000  }
0x45: {  	[tilespmem:s16], [sflag:$0x3] =	stream.linear.gather @!p2 [hbm4b:s15+s16], $0x80, $0x38;
	[tilespmem:$0x1B0A0] =	vst v63  }
0x46: {  	p0 =	por p2, p2;
	_ =	swait.ge @!p2 [sflag:s18], $0x80  }
0x47: {  	[sflag:s18] =	ssyncset.done @!p0 $0x0  }
0x48: {  	s14 =	sadd.s32 @!p0 s14, s9;
	s15 =	simm.s32 @!p0 $0x80;
	[sflag:s18] =	ssyncadd.s32 @!p0 $0xFFFFFF80  }
0x49: {  	[tilespmem:s15], [sflag:$0x3] =	stream.linear.gather @!p0 [hbm4b:s14+s16], $0x80, $0x38;
	[tilespmem:$0x1B0A0] =	vst v63  }
0x4a: {  	_ =	swait.ge @!p0 [sflag:s18], $0x80  }
0x4b: {  	[sflag:s18] =	ssyncset.done @!p0 $0x0  }
0x4c: {  	s17 =	simm.s32 @!p0 $0x1;
	s14 =	simm.s32 @!p0 $0x100;
	[sflag:s18] =	ssyncadd.s32 @!p0 $0xFFFFFF80  }
0x4d: {  	[tilespmem:s14], [sflag:$0x1] =	stream.indirect.gather @!p0 [hbm4b:s4+s15], $0x20, s16, s15, $0xb8;
	[tilespmem:$0x1B0A0] =	vst v63  }
0x4e: {  	_ =	swait.ge @!p0 [sflag:s17], $0x1000  }
0x4f: {  	[sflag:s17] =	ssyncset.done @!p0 $0x0  }
0x50: {  	s16 =	simm.s32 @!p0 $0x2;
	[sflag:s17] =	ssyncadd.s32 @!p0 $0xFFFFF000  }
0x51: {  	[spmem:s2] =	stream.indirect.scatter.add.f32 @!p0 [tilespmem:s14], [sflag:$0x2], $0x20, s15, s15, $0xb8;
	[tilespmem:$0x1B0A0] =	vst v63  }
0x52: {  	_ =	swait.ge @!p0 [sflag:s16], $0x1000  }
0x53: {  	[sflag:s16] =	ssyncset.done @!p0 $0x0  }
0x54: {  	s30 =	sadd.s32 $0x0, s1;
	[sflag:s16] =	ssyncadd.s32 @!p0 $0xFFFFF000  }
0x55: {  	p0 =	sgt.u32 s30, $0xF9;
	[bflag:$0x0] =	sbarrier.arrive $0xFFFF  }
0x56: {  	s14 =	simm.s32 @!p0 $0x1100;
	s16 =	simm.s32 @!p0 $0x3;
	p0 =	por p0, p0  }
0x57: {  	[tilespmem:s14], [sflag:$0x3] =	stream.linear.gather @!p0 [spmem:s7], $0x1900, $0x38;
	[tilespmem:$0x1B0A0] =	vst v63  }
0x58: {  	_ =	swait.ge @!p0 [sflag:s16], $0x1900  }
0x59: {  	s31 =	sadd.s32 $0x10, s1;
	[sflag:s16] =	ssyncset.done @!p0 $0x0  }
0x5a: {  	s17 =	simm.s32 @!p0 $0x2;
	[sflag:s16] =	ssyncadd.s32 @!p0 $0xFFFFE700;
	s16 =	simm.s32 @!p0 $0x0  }
0x5b: {  	[hbm4b:s10+s16] =	stream.linear.scatter @!p0 [tilespmem:s14], [sflag:$0x2], $0x1900, $0x38;
	[tilespmem:$0x1B0A0] =	vst v63  }
0x5c: {  	p1 =	sgt.u32 s31, $0xF9;
	s15 =	simm.s32 $0x20;
	_ =	swait.ge @!p0 [sflag:s17], $0x1900  }
0x5d: {  	s14 =	sadd.s32 $0x3200, s10;
	s16 =	sadd.s32 $0x19000, s7;
	[sflag:s17] =	ssyncset.done @!p0 $0x0  }
.LBB2_6:
0x5e: {  	s18 =	simm.s32 @!p1 $0x1100;
	s19 =	simm.s32 @!p1 $0x3;
	[sflag:s17] =	ssyncadd.s32 @!p0 $0xFFFFE700  }
0x5f: {  	s20 =	smov.u32 s15;
	p0 =	por p1, p1;
	s15 =	sadd.s32 $0x10, s15  }
0x60: {  	[tilespmem:s18], [sflag:$0x3] =	stream.linear.gather @!p0 [spmem:s16], $0x1900, $0x38;
	[tilespmem:$0x1B0A0] =	vst v63  }
0x61: {  	p2 =	sne.s32 s15, $0x100;
	_ =	swait.ge @!p0 [sflag:s19], $0x1900  }
.Ltmp2:
0x62: {  	[sflag:s19] =	ssyncset.done @!p0 $0x0;
	(pc) =	sbr.rel @p2 .LBB2_6-.Ltmp2, $4  }
0x63: {  	s17 =	simm.s32 @!p0 $0x2;
	[sflag:s19] =	ssyncadd.s32 @!p0 $0xFFFFE700;
	s19 =	simm.s32 @!p0 $0x0  }
0x64: {  	[hbm4b:s14+s19] =	stream.linear.scatter @!p0 [tilespmem:s18], [sflag:$0x2], $0x1900, $0x38;
	[tilespmem:$0x1B0A0] =	vst v63  }
0x65: {  	s18 =	sadd.s32 s20, s1;
	s14 =	sadd.s32 $0x3200, s14;
	_ =	swait.ge @!p0 [sflag:s17], $0x1900  }
0x66: {  	s16 =	sadd.s32 $0x19000, s16;
	p1 =	sgt.u32 s18, $0xF9;
	[sflag:s17] =	ssyncset.done @!p0 $0x0  }
0x67: {  	s15 =	simm.s32 @!p1 $0x1100  }
0x68: {  	s18 =	simm.s32 @!p1 $0x3;
	[sflag:s17] =	ssyncadd.s32 @!p0 $0xFFFFE700;
	p0 =	por p1, p1  }
0x69: {  	[tilespmem:s15], [sflag:$0x3] =	stream.linear.gather @!p0 [spmem:s16], $0x1900, $0x38;
	[tilespmem:$0x1B0A0] =	vst v63  }
0x6a: {  	s13 =	sadd.s32 $0x1, s13;
	_ =	swait.ge @!p0 [sflag:s18], $0x1900  }
0x6b: {  	s16 =	simm.s32 @!p0 $0x0;
	p1 =	sne.s32 s13, s6;
	[sflag:s18] =	ssyncset.done @!p0 $0x0  }
.Ltmp3:
0x6c: {  	s17 =	simm.s32 @!p0 $0x2;
	[sflag:s18] =	ssyncadd.s32 @!p0 $0xFFFFE700;
	(pc) =	sbr.rel @p1 .LBB2_1-.Ltmp3, $4  }
0x6d: {  	[hbm4b:s14+s16] =	stream.linear.scatter @!p0 [tilespmem:s15], [sflag:$0x2], $0x1900, $0x38;
	[tilespmem:$0x1B0A0] =	vst v63  }
0x6e: {  	_ =	swait.ge @!p0 [sflag:s17], $0x1900  }
0x6f: {  	[sflag:s17] =	ssyncset.done @!p0 $0x0  }
0x70: {  	[sflag:s17] =	ssyncadd.s32 @!p0 $0xFFFFE700  }
0x71: {  	_ =	sfence.sel $0x180000  }
0x72: {  	[bflag:$0x0] =	sbarrier.arrive $0xFFFF  }
0x73: {  	p0 =	sne.s32 s1, $0x0;
	_ =	strace $0x9000004A  }
0x74: {  	s0 =	sadd.s32 @!p0 $0x100000, s0;
	[bflag:$0x2] =	sbarrier.arrive $0xFFFF  }
0x75: {  	[sflag:s0] =	ssyncadd.tile.s32 @!p0 $0x1;
	_ =	shalt  }
.Lfunc_end2:
_tile_overlayer_lowered:
.L_overlay_start_2:
0x76: {  	(tag) =	ssettag $0x2  }
0x77: {  	s0 =	rddreg [dreg:$0x0];
	s2 =	stileid.u32  }
0x78: {  	s1 =	rddreg [dreg:$0x1];
	p0 =	sne.s32 s2, $0x0  }
0x79: {  	s3 =	rddreg [dreg:$0x2];
	[bflag:$0x3] =	sbarrier.arrive $0xFFFF;
	s2 =	simm.s32 @!p0 $0x1C02  }
0x7a: {  	[timem:s3], [sflag:s2] =	dma.local @!p0 [hbm:s0], s1  }
0x7b: {  	s0 =	simm.s32 @!p0 $0x2  }
0x7c: {  	_ =	swait.ge @!p0 [sflag:s0], s1  }
0x7d: {  	s1 =	ssub.s32 @!p0 $0x0, s1;
	[sflag:s0] =	ssyncset.done @!p0 $0x0  }
0x7e: {  	[sflag:s0] =	ssyncadd.s32 @!p0 s1  }
0x7f: {  	[bflag:$0x3] =	sbarrier.arrive $0xFFFF  }
0x80: {  	_ =	shalt  }

// kernel: kernel.19.cloned.1.call-start
scs
__scs_entry_jumppad:
0x0: {  	(pc) =	sbr.rel $0x88, $3  }
0x1: {  	(tag) =	ssettag $0x0;
	lr =	simm.s32 $0x1  }
0x2: {  	[smem:$0x3F93] =	sst lr;
	_ =	strace $0xD0000000  }
0x3: {  	_ = 	snop  }
0x4: {  	_ = 	snop  }
0x5: {  	_ = 	snop  }
0x6: {  	_ = 	snop  }
0x7: {  	_ = 	snop  }
__scs_overlays_trampoline_lowered:
0x8: {  	[smem:$0x3FA2] =	sst s0  }
0x9: {  	[smem:$0x3FA3] =	sst s1  }
0xa: {  	[smem:$0x3FA4] =	sst s2  }
0xb: {  	[smem:$0x3FA5] =	sst s3  }
0xc: {  	[smem:$0x3FA6] =	sst s4  }
0xd: {  	[smem:$0x3FA7] =	sst s5  }
0xe: {  	[smem:$0x3FA8] =	sst s6  }
0xf: {  	[smem:$0x3FA9] =	sst s7  }
0x10: {  	[smem:$0x3FAA] =	sst s8  }
0x11: {  	[smem:$0x3FAB] =	sst s9;
	s0 =	simm.s32 @!p0 $0x0  }
0x12: {  	s1 =	sld [smem:$0x3F91];
	s0 =	simm.s32 @p0 $0x1  }
0x13: {  	[smem:$0x3FAC] =	sst s0;
	s0 =	simm.s32 @!p1 $0x0  }
0x14: {  	s2 =	sld [smem:$0x3F90];
	s0 =	simm.s32 @p1 $0x1  }
0x15: {  	[smem:$0x3FAD] =	sst s0;
	s0 =	simm.s32 @!p2 $0x0  }
0x16: {  	s3 =	sld [smem:$0x3FDB];
	s0 =	simm.s32 @p2 $0x1  }
0x17: {  	s4 =	simm.s32 $0x1BF5;
	[smem:$0x3FAF] =	sst s0  }
0x18: {  	s0 =	sld [smem:$0x3F92];
	_ =	swait.ge [sflag:s4], $0x0  }
0x19: {  	s7 =	sld [smem:$0x3F93]  }
0x1a: {  	s8 =	sadd.s32 $0xFFFFE003, lr  }
0x1b: {  	s9 =	sadd.s32 $0xFFFFFEF7, lr;
	s5 =	simm.s32 $0xFFFFFFFF;
	p2 =	slt.u32 s8, $0xFFFFF086  }
0x1c: {  	p1 =	slt.u32 s9, $0xF7A;
	s5 =	simm.s32 @!p2 $0x0  }
0x1d: {  	s5 =	simm.s32 @p1 $0x1;
	p0 =	seq.s32 s7, s2  }
0x1e: {  	s7 =	smul.u32 @!p0 $0xF7A, s2;
	p2 =	seq.s32 @!p0 s5, $0x0  }
0x1f: {  	s9 =	smul.u32 $0xF7A, s1;
	s8 =	simm.s32 @!p0 $0x1BF5;
	p2 =	por !p2, p0  }
0x20: {  	[sflag:s8] =	ssyncset.s32 @!p0 $0xFFFFF086;
	s6 =	sadd.s32 @!p0 s3, s7;
	s7 =	simm.s32 @!p0 $0x108  }
0x21: {  	s3 =	sadd.s32 s3, s9;
	s6 =	sadd.s32 @!p0 $0x88, s6;
	s7 =	simm.s32 @p2 $0x1082  }
0x22: {  	[simem:s7], [sflag:s8] =	dma.local @!p0 [hbm:s6], $0xF7A  }
0x23: {  	s9 =	sor.u32 $0xD0000000, s2;
	s6 =	simm.s32 $0x108;
	_ =	swait.ge @!p0 [sflag:s8], $0x0  }
0x24: {  	s3 =	sadd.s32 $0x88, s3;
	s6 =	simm.s32 @!p1 $0x1082;
	[sflag:s4] =	ssyncset.s32 $0xFFFFF086  }
0x25: {  	[simem:s6], [sflag:s4] =	dma.local [hbm:s3], $0xF7A  }
0x26: {  	[smem:$0x3F93] =	sst s1;
	(tag) =	ssettag s2;
	_ =	strace s9  }
0x27: {  	s1 =	sld [smem:$0x3FA3]  }
0x28: {  	s2 =	sld [smem:$0x3FA4]  }
0x29: {  	s4 =	sld [smem:$0x3FA6]  }
0x2a: {  	p0 =	seq.s32 s5, $0x0;
	s5 =	sld [smem:$0x3FA7]  }
0x2b: {  	s6 =	sld [smem:$0x3FA8]  }
0x2c: {  	s7 =	sld [smem:$0x3FA9]  }
0x2d: {  	s3 =	simm.s32 $0x108;
	s8 =	sld [smem:$0x3FAA]  }
0x2e: {  	s3 =	simm.s32 @!p0 $0x1082;
	s9 =	sld [smem:$0x3FAB]  }
0x2f: {  	lr =	sadd.s32 s0, s3;
	s0 =	sld [smem:$0x3FA2]  }
0x30: {  	s3 =	sld [smem:$0x3FA5]  }
0x31: {  	[smem:$0x3FAE] =	sst s10  }
0x32: {  	s10 =	sld [smem:$0x3FAC];
	_ =	sdelay $0x3  }
0x33: {  	p0 =	seq.s32 s10, $0x1;
	s10 =	sld [smem:$0x3FAE];
	_ =	sdelay $0x3  }
0x34: {  	[smem:$0x3FAE] =	sst s10  }
0x35: {  	s10 =	sld [smem:$0x3FAD];
	_ =	sdelay $0x3  }
0x36: {  	p1 =	seq.s32 s10, $0x1;
	s10 =	sld [smem:$0x3FAE];
	_ =	sdelay $0x3  }
0x37: {  	[smem:$0x3FAE] =	sst s10  }
0x38: {  	s10 =	sld [smem:$0x3FAF]  }
0x39: {  	_ = 	snop;
	(pc) =	sbr.ind lr, $3  }
0x3a: {  	_ = 	snop  }
0x3b: {  	_ = 	snop  }
0x3c: {  	p2 =	seq.s32 s10, $0x1;
	s10 =	sld [smem:$0x3FAE]  }
0x3d: {  	_ =	shalt  }
0x3e: {  	_ =	shalt  }
0x3f: {  	_ =	shalt  }
0x40: {  	_ =	shalt  }
0x41: {  	_ =	shalt  }
0x42: {  	_ =	shalt  }
0x43: {  	_ =	shalt  }
0x44: {  	_ =	shalt  }
0x45: {  	_ =	shalt  }
0x46: {  	_ =	shalt  }
0x47: {  	_ =	shalt  }
0x48: {  	_ =	shalt  }
0x49: {  	_ =	shalt  }
0x4a: {  	_ =	shalt  }
0x4b: {  	_ =	shalt  }
0x4c: {  	_ =	shalt  }
0x4d: {  	_ =	shalt  }
0x4e: {  	_ =	shalt  }
0x4f: {  	_ =	shalt  }
0x50: {  	_ =	shalt  }
0x51: {  	_ =	shalt  }
0x52: {  	_ =	shalt  }
0x53: {  	_ =	shalt  }
0x54: {  	_ =	shalt  }
0x55: {  	_ =	shalt  }
0x56: {  	_ =	shalt  }
0x57: {  	_ =	shalt  }
0x58: {  	_ =	shalt  }
0x59: {  	_ =	shalt  }
0x5a: {  	_ =	shalt  }
0x5b: {  	_ =	shalt  }
0x5c: {  	_ =	shalt  }
0x5d: {  	_ =	shalt  }
0x5e: {  	_ =	shalt  }
0x5f: {  	_ =	shalt  }
0x60: {  	_ =	shalt  }
0x61: {  	_ =	shalt  }
0x62: {  	_ =	shalt  }
0x63: {  	_ =	shalt  }
0x64: {  	_ =	shalt  }
0x65: {  	_ =	shalt  }
0x66: {  	_ =	shalt  }
0x67: {  	_ =	shalt  }
0x68: {  	_ =	shalt  }
0x69: {  	_ =	shalt  }
0x6a: {  	_ =	shalt  }
0x6b: {  	_ =	shalt  }
0x6c: {  	_ =	shalt  }
0x6d: {  	_ =	shalt  }
0x6e: {  	_ =	shalt  }
0x6f: {  	_ =	shalt  }
0x70: {  	_ =	shalt  }
0x71: {  	_ =	shalt  }
0x72: {  	_ =	shalt  }
0x73: {  	_ =	shalt  }
0x74: {  	_ =	shalt  }
0x75: {  	_ =	shalt  }
0x76: {  	_ =	shalt  }
0x77: {  	_ =	shalt  }
0x78: {  	_ =	shalt  }
0x79: {  	_ =	shalt  }
0x7a: {  	_ =	shalt  }
0x7b: {  	_ =	shalt  }
0x7c: {  	_ =	shalt  }
0x7d: {  	_ =	shalt  }
0x7e: {  	_ =	shalt  }
0x7f: {  	_ =	shalt  }
0x80: {  	_ =	shalt  }
0x81: {  	_ =	shalt  }
0x82: {  	_ =	shalt  }
0x83: {  	_ =	shalt  }
0x84: {  	_ =	shalt  }
0x85: {  	_ =	shalt  }
0x86: {  	_ =	shalt  }
0x87: {  	_ =	shalt  }
.Lfunc_end0:
.L_simem_size_0:
called_computation.2_lowered:
.L_overlay_start_0:
0x88: {  	s2 =	sld [smem:$0x3FD9]  }
0x89: {  	s3 =	sld [smem:$0x3FFE];
	_ =	sdelay $0x1  }
0x8a: {  	s1 =	srdreg.scid  }
0x8b: {  	s0 =	sand.u32 $0x1, s1  }
0x8c: {  	s16 =	sshll.u32 s0, $0xA;
	s2 =	sadd.s32 s3, s2  }
0x8d: {  	s2 =	sadd.s32 s2, s16  }
0x8e: {  	[smem:$0x3FBA] =	sst s2  }
0x8f: {  	_ = 	snop  }
0x90: {  	(tm) =	ssettm $0x1  }
0x91: {  	s17 =	sld [smem:$0x3FFB];
	_ =	sdelay $0x3  }
0x92: {  	_ =	strace s17  }
0x93: {  	s2 =	sld [smem:$0x3FFC];
	_ =	sdelay $0x3  }
0x94: {  	_ =	strace s2  }
0x95: {  	s2 =	sld [smem:$0x3FFD];
	_ =	sdelay $0x3  }
0x96: {  	_ =	strace s2  }
0x97: {  	_ =	strace $0x8FFFFFFF  }
0x98: {  	s18 =	sld [smem:$0x3FDB];
	_ =	sdelay $0x1  }
0x99: {  	s19 =	simm.s32 $_scs_section_size  }
0x9a: {  	s4 =	simm.s32 $_size__tile_overlayer_lowered;
	s5 =	simm.s32 $_tile_overlayer_lowered  }
0x9b: {  	s22 =	simm.s32 $0x1BFF;
	s21 =	sshll.u32 s5, $0x1;
	s2 =	sadd.s32 s19, s18  }
0x9c: {  	s6 =	simm.s32 $0x0;
	s20 =	sshll.u32 s4, $0x1;
	s4 =	sadd.s32 s21, s2  }
0x9d: {  	[timem:s6], [sflag:s22] =	dma.local [hbm:s4], s20  }
0x9e: {  	_ =	swait.ge [sflag:s22], s20  }
0x9f: {  	s3 =	ssub.s32 $0x0, s20;
	[sflag:s22] =	ssyncset.done $0x0  }
0xa0: {  	[sflag:s22] =	ssyncadd.s32 s3;
	_ =	sdelay $0x1  }
0xa1: {  	s23 =	simm.s32 $0x1B8B  }
0xa2: {  	_ =	swait.ge [sflag:s23], $0x1  }
0xa3: {  	[sflag:s23] =	ssyncset.done $0x0  }
0xa4: {  	s25 =	simm.s32 $0x1B8E;
	s24 =	sld [smem:$0x3FFE];
	[sflag:s23] =	ssyncadd.s32 $0xFFFFFFFF  }
0xa5: {  	s26 =	simm.s32 $execute0_lowered;
	[smem:$0x3FD2] =	sst s25  }
0xa6: {  	s4 =	sshll.u32 s26, $0x1;
	_ =	strace $0x8000004C;
	[dreg:$0x1] =	wrdreg $0xFFFFFFFF  }
0xa7: {  	s28 =	simm.s32 $_size_execute0_lowered;
	s2 =	sadd.s32 s2, s4;
	[dreg:$0x0] =	wrdreg $0x0  }
0xa8: {  	s4 =	sshll.u32 s28, $0x1;
	[dreg:$0x2] =	wrdreg s2  }
0xa9: {  	[dreg:$0x3] =	wrdreg s4  }
0xaa: {  	[dreg:$0x4] =	wrdreg $0xC0  }
0xab: {  	_ =	task [dreg:s6], $0x5FFFF  }
0xac: {  	[dreg:$0x1] =	wrdreg $0xFFFFFFFF  }
0xad: {  	[dreg:$0x0] =	wrdreg $0x60  }
0xae: {  	[dreg:$0x2] =	wrdreg s24  }
0xaf: {  	[dreg:$0x3] =	wrdreg $0x2A000  }
0xb0: {  	[dreg:$0x4] =	wrdreg $0x9  }
0xb1: {  	_ =	task.clear_ibuf [dreg:s6], $0x5FFFF;
	_ =	strace $0x9000004C  }
0xb2: {  	s29 =	simm.s32 $0x9;
	_ =	strace $0x8000004E  }
0xb3: {  	_ =	swait.ge [sflag:s29], $0x1  }
0xb4: {  	[sflag:s29] =	ssyncadd.s32 $0xFFFFFFFF  }
0xb5: {  	_ =	strace $0x9000004E  }
0xb6: {  	_ =	sfence  }
0xb7: {  	s30 =	sld [smem:$0x0];
	_ =	sdelay $0x2  }
0xb8: {  	s31 =	sshll.u32 s1, $0xD;
	s1 =	sshrl.u32 s1, $0x2  }
0xb9: {  	s3 =	sand.u32 $0x4000, s31;
	s1 =	sadd.s32 s1, s30  }
0xba: {  	s0 =	sor.u32 s3, s0;
	s1 =	sshll.u32 s1, $0x11  }
0xbb: {  	s0 =	sor.u32 s1, s0  }
0xbc: {  	s0 =	sadd.s32 $0x8F2B, s0  }
0xbd: {  	[sflag:s0] =	ssyncadd.remote.s32 $0x1  }
0xbe: {  	_ =	sfence.sel $0xFFFF  }
0xbf: {  	[dreg:$0x0] =	wrdreg $0xFFFFFFFF;
	(pc) =	sbr.abs _section_cstart, $3  }
0xc0: {  	[dreg:$0x1] =	wrdreg $0xFFFFFFFF  }
0xc1: {  	_ =	task.clear_ibuf [dreg:s6], $0x2FFFF;
	_ =	strace $0x9FFFFFFF  }
0xc2: {  	(tm) =	ssettm $0x7FFFFFFF  }
0xc3: {  	_ =	shalt  }
tec
execute0_lowered:
.L_overlay_start_1:
0x0: {  	(tag) =	ssettag $0x1  }
0x1: {  	s6 =	rddreg [dreg:$0x0];
	s0 =	srdreg.scid  }
0x2: {  	s2 =	rddreg [dreg:$0x1];
	s1 =	stileid.u32;
	s3 =	simm.s32 $0x0  }
0x3: {  	s5 =	sand.u32 $0x1, s0;
	s0 =	rddreg [dreg:$0x2];
	s11 =	smul.u32 $0x6400, s1  }
0x4: {  	s7 =	sshll.u32 s1, $0x7;
	[smem:$0x7FF] =	sst s3;
	s13 =	smul.u32 $0x320, s1  }
0x5: {  	s26 =	sshll.u32 s1, $0x4;
	s4 =	smul.u32 $0xC3500, s5;
	_ =	strace $0x8000004D  }
0x6: {  	s9 =	smul.u32 $0x30D40, s5;
	s10 =	sadd.s32 s26, s6;
	s28 =	ssub.s32 $0x2, s5  }
0x7: {  	s5 =	sadd.s32 $0x234C00, s6;
	s12 =	sshrl.u32 s28, $0x1;
	s30 =	sshrl.u32 s11, $0x2  }
0x8: {  	s11 =	simm.s32 $0x1100;
	s7 =	sadd.s32 s7, s4;
	s4 =	sadd.s32 $0x235000, s6  }
0x9: {  	s9 =	sadd.s32 s9, s6;
	s29 =	ssub.s32 s28, s12;
	s12 =	simm.s32 $0x2  }
0xa: {  	s7 =	sshrl.u32 s7, $0x3;
	s31 =	sadd.s32 s13, s9;
	s9 =	sadd.s32 $0x3000, s10  }
0xb: {  	s13 =	simm.s32 $0x0;
	s8 =	sadd.s32 s7, s6;
	s6 =	smax.u32 s29, $0x1  }
0xc: {  	s7 =	sadd.s32 s30, s2;
	s10 =	sadd.s32 $0x4C600, s31;
	s8 =	sadd.s32 $0x1B800, s8  }
.LBB2_1:
0xd: {  	[tilespmem:s11], [sflag:$0x2] =	stream.linear.gather [hbm4b:s5+s3], $0x1900, $0x38;
	[tilespmem:$0x1B0A0] =	vst v63  }
0xe: {  	s14 =	sadd.s32 $0x0, s1;
	_ =	swait.ge [sflag:s12], $0x1900  }
0xf: {  	p0 =	sgt.u32 s14, $0xF9;
	[sflag:s12] =	ssyncset.done $0x0  }
0x10: {  	s14 =	simm.s32 @!p0 $0x1100;
	s17 =	simm.s32 @!p0 $0x2;
	[sflag:s12] =	ssyncadd.s32 $0xFFFFE700  }
0x11: {  	[spmem:s7] =	stream.linear.scatter @!p0 [tilespmem:s14], [sflag:$0x2], $0x1900, $0x38;
	[tilespmem:$0x1B0A0] =	vst v63  }
0x12: {  	s15 =	simm.s32 $0x10;
	_ =	swait.ge @!p0 [sflag:s17], $0x1900  }
0x13: {  	s16 =	simm.s32 $0x20;
	s14 =	sadd.s32 $0x19000, s7;
	[sflag:s17] =	ssyncset.done @!p0 $0x0  }
.LBB2_2:
0x14: {  	s18 =	sadd.s32 s15, s1;
	s15 =	smov.u32 s16;
	s16 =	sadd.s32 $0x10, s16  }
0x15: {  	[sflag:s17] =	ssyncadd.s32 @!p0 $0xFFFFE700;
	p1 =	sne.s32 s16, $0x100  }
.Ltmp0:
0x16: {  	p0 =	sgt.u32 s18, $0xF9;
	(pc) =	sbr.rel @p1 .LBB2_2-.Ltmp0, $4  }
0x17: {  	s18 =	simm.s32 @!p0 $0x1100;
	s17 =	simm.s32 @!p0 $0x2  }
0x18: {  	[spmem:s14] =	stream.linear.scatter @!p0 [tilespmem:s18], [sflag:$0x2], $0x1900, $0x38;
	[tilespmem:$0x1B0A0] =	vst v63  }
0x19: {  	_ =	swait.ge @!p0 [sflag:s17], $0x1900  }
0x1a: {  	s14 =	sadd.s32 $0x19000, s14;
	[sflag:s17] =	ssyncset.done @!p0 $0x0  }
0x1b: {  	s15 =	sadd.s32 s15, s1  }
0x1c: {  	p1 =	sgt.u32 s15, $0xF9  }
0x1d: {  	[sflag:s17] =	ssyncadd.s32 @!p0 $0xFFFFE700;
	s15 =	simm.s32 @!p1 $0x1100;
	s16 =	simm.s32 @!p1 $0x2  }
0x1e: {  	[spmem:s14] =	stream.linear.scatter @!p1 [tilespmem:s15], [sflag:$0x2], $0x1900, $0x38;
	[tilespmem:$0x1B0A0] =	vst v63  }
0x1f: {  	_ =	swait.ge @!p1 [sflag:s16], $0x1900  }
0x20: {  	p0 =	sgt.u32 s1, $0x1869;
	[sflag:s16] =	ssyncset.done @!p1 $0x0  }
0x21: {  	s14 =	sadd.s32 @!p0 $0x0, s8;
	[sflag:s16] =	ssyncadd.s32 @!p1 $0xFFFFE700  }
0x22: {  	s15 =	simm.s32 @!p0 $0x0;
	s16 =	simm.s32 @!p0 $0x3;
	[bflag:$0x0] =	sbarrier.arrive $0xFFFF  }
0x23: {  	[tilespmem:s15], [sflag:$0x3] =	stream.linear.gather @!p0 [hbm4b:s14+s15], $0x80, $0x38;
	[tilespmem:$0x1B0A0] =	vst v63  }
0x24: {  	_ =	swait.ge @!p0 [sflag:s16], $0x80;
	p0 =	por p0, p0  }
0x25: {  	[sflag:s16] =	ssyncset.done @!p0 $0x0  }
0x26: {  	s14 =	sadd.s32 @!p0 $0x0, s9;
	s17 =	simm.s32 @!p0 $0x80;
	[sflag:s16] =	ssyncadd.s32 @!p0 $0xFFFFFF80  }
0x27: {  	[tilespmem:s17], [sflag:$0x3] =	stream.linear.gather @!p0 [hbm4b:s14+s15], $0x80, $0x38;
	[tilespmem:$0x1B0A0] =	vst v63  }
0x28: {  	_ =	swait.ge @!p0 [sflag:s16], $0x80  }
0x29: {  	[sflag:s16] =	ssyncset.done @!p0 $0x0  }
0x2a: {  	s14 =	simm.s32 @!p0 $0x100;
	[sflag:s16] =	ssyncadd.s32 @!p0 $0xFFFFFF80;
	s16 =	simm.s32 @!p0 $0x1  }
0x2b: {  	[tilespmem:s14], [sflag:$0x1] =	stream.indirect.gather @!p0 [hbm4b:s4+s17], $0x20, s15, s17, $0xb8;
	[tilespmem:$0x1B0A0] =	vst v63  }
0x2c: {  	_ =	swait.ge @!p0 [sflag:s16], $0x1000  }
0x2d: {  	[sflag:s16] =	ssyncset.done @!p0 $0x0  }
0x2e: {  	s15 =	sadd.s32 $0x10, s1;
	[sflag:s16] =	ssyncadd.s32 @!p0 $0xFFFFF000  }
0x2f: {  	[spmem:s2] =	stream.indirect.scatter.add.f32 @!p0 [tilespmem:s14], [sflag:$0x2], $0x20, s17, s17, $0xb8;
	[tilespmem:$0x1B0A0] =	vst v63  }
0x30: {  	p2 =	sgt.u32 s15, $0x1869;
	s17 =	simm.s32 @!p0 $0x2  }
0x31: {  	s16 =	simm.s32 $0x200;
	s14 =	simm.s32 $0x100;
	_ =	swait.ge @!p0 [sflag:s17], $0x1000  }
.LBB2_4:
0x32: {  	s18 =	sadd.s32 @!p2 s14, s8  }
0x33: {  	s19 =	simm.s32 @!p2 $0x0;
	[sflag:s17] =	ssyncset.done @!p0 $0x0;
	s20 =	smov.u32 s16  }
0x34: {  	s16 =	sadd.s32 $0x100, s16;
	s21 =	simm.s32 @!p2 $0x3;
	[sflag:s17] =	ssyncadd.s32 @!p0 $0xFFFFF000  }
0x35: {  	[tilespmem:s19], [sflag:$0x3] =	stream.linear.gather @!p2 [hbm4b:s18+s19], $0x80, $0x38;
	[tilespmem:$0x1B0A0] =	vst v63  }
0x36: {  	p1 =	sne.s32 s16, $0x18700;
	p0 =	por p2, p2;
	_ =	swait.ge @!p2 [sflag:s21], $0x80  }
0x37: {  	[sflag:s21] =	ssyncset.done @!p0 $0x0  }
0x38: {  	s14 =	sadd.s32 @!p0 s14, s9;
	s18 =	simm.s32 @!p0 $0x80;
	[sflag:s21] =	ssyncadd.s32 @!p0 $0xFFFFFF80  }
0x39: {  	[tilespmem:s18], [sflag:$0x3] =	stream.linear.gather @!p0 [hbm4b:s14+s19], $0x80, $0x38;
	[tilespmem:$0x1B0A0] =	vst v63  }
0x3a: {  	s14 =	smov.u32 s20;
	_ =	swait.ge @!p0 [sflag:s21], $0x80  }
0x3b: {  	[sflag:s21] =	ssyncset.done @!p0 $0x0  }
0x3c: {  	s17 =	simm.s32 @!p0 $0x1;
	s20 =	simm.s32 @!p0 $0x100;
	[sflag:s21] =	ssyncadd.s32 @!p0 $0xFFFFFF80  }
0x3d: {  	[tilespmem:s20], [sflag:$0x1] =	stream.indirect.gather @!p0 [hbm4b:s4+s18], $0x20, s19, s18, $0xb8;
	[tilespmem:$0x1B0A0] =	vst v63  }
.Ltmp1:
0x3e: {  	_ =	swait.ge @!p0 [sflag:s17], $0x1000;
	(pc) =	sbr.rel @p1 .LBB2_4-.Ltmp1, $4  }
0x3f: {  	[sflag:s17] =	ssyncset.done @!p0 $0x0  }
0x40: {  	s15 =	sadd.s32 $0x10, s15;
	[sflag:s17] =	ssyncadd.s32 @!p0 $0xFFFFF000;
	s17 =	simm.s32 @!p0 $0x2  }
0x41: {  	[spmem:s2] =	stream.indirect.scatter.add.f32 @!p0 [tilespmem:s20], [sflag:$0x2], $0x20, s18, s18, $0xb8;
	[tilespmem:$0x1B0A0] =	vst v63  }
0x42: {  	p2 =	sgt.u32 s15, $0x1869;
	_ =	swait.ge @!p0 [sflag:s17], $0x1000  }
0x43: {  	s15 =	sadd.s32 @!p2 s14, s8;
	[sflag:s17] =	ssyncset.done @!p0 $0x0  }
0x44: {  	s16 =	simm.s32 @!p2 $0x0;
	s18 =	simm.s32 @!p2 $0x3;
	[sflag:s17] =	ssyncadd.s32 @!p0 $0xFFFFF000  }
0x45: {  	[tilespmem:s16], [sflag:$0x3] =	stream.linear.gather @!p2 [hbm4b:s15+s16], $0x80, $0x38;
	[tilespmem:$0x1B0A0] =	vst v63  }
0x46: {  	p0 =	por p2, p2;
	_ =	swait.ge @!p2 [sflag:s18], $0x80  }
0x47: {  	[sflag:s18] =	ssyncset.done @!p0 $0x0  }
0x48: {  	s14 =	sadd.s32 @!p0 s14, s9;
	s15 =	simm.s32 @!p0 $0x80;
	[sflag:s18] =	ssyncadd.s32 @!p0 $0xFFFFFF80  }
0x49: {  	[tilespmem:s15], [sflag:$0x3] =	stream.linear.gather @!p0 [hbm4b:s14+s16], $0x80, $0x38;
	[tilespmem:$0x1B0A0] =	vst v63  }
0x4a: {  	_ =	swait.ge @!p0 [sflag:s18], $0x80  }
0x4b: {  	[sflag:s18] =	ssyncset.done @!p0 $0x0  }
0x4c: {  	s17 =	simm.s32 @!p0 $0x1;
	s14 =	simm.s32 @!p0 $0x100;
	[sflag:s18] =	ssyncadd.s32 @!p0 $0xFFFFFF80  }
0x4d: {  	[tilespmem:s14], [sflag:$0x1] =	stream.indirect.gather @!p0 [hbm4b:s4+s15], $0x20, s16, s15, $0xb8;
	[tilespmem:$0x1B0A0] =	vst v63  }
0x4e: {  	_ =	swait.ge @!p0 [sflag:s17], $0x1000  }
0x4f: {  	[sflag:s17] =	ssyncset.done @!p0 $0x0  }
0x50: {  	s16 =	simm.s32 @!p0 $0x2;
	[sflag:s17] =	ssyncadd.s32 @!p0 $0xFFFFF000  }
0x51: {  	[spmem:s2] =	stream.indirect.scatter.add.f32 @!p0 [tilespmem:s14], [sflag:$0x2], $0x20, s15, s15, $0xb8;
	[tilespmem:$0x1B0A0] =	vst v63  }
0x52: {  	_ =	swait.ge @!p0 [sflag:s16], $0x1000  }
0x53: {  	[sflag:s16] =	ssyncset.done @!p0 $0x0  }
0x54: {  	s30 =	sadd.s32 $0x0, s1;
	[sflag:s16] =	ssyncadd.s32 @!p0 $0xFFFFF000  }
0x55: {  	p0 =	sgt.u32 s30, $0xF9;
	[bflag:$0x0] =	sbarrier.arrive $0xFFFF  }
0x56: {  	s14 =	simm.s32 @!p0 $0x1100;
	s16 =	simm.s32 @!p0 $0x3;
	p0 =	por p0, p0  }
0x57: {  	[tilespmem:s14], [sflag:$0x3] =	stream.linear.gather @!p0 [spmem:s7], $0x1900, $0x38;
	[tilespmem:$0x1B0A0] =	vst v63  }
0x58: {  	_ =	swait.ge @!p0 [sflag:s16], $0x1900  }
0x59: {  	s31 =	sadd.s32 $0x10, s1;
	[sflag:s16] =	ssyncset.done @!p0 $0x0  }
0x5a: {  	s17 =	simm.s32 @!p0 $0x2;
	[sflag:s16] =	ssyncadd.s32 @!p0 $0xFFFFE700;
	s16 =	simm.s32 @!p0 $0x0  }
0x5b: {  	[hbm4b:s10+s16] =	stream.linear.scatter @!p0 [tilespmem:s14], [sflag:$0x2], $0x1900, $0x38;
	[tilespmem:$0x1B0A0] =	vst v63  }
0x5c: {  	p1 =	sgt.u32 s31, $0xF9;
	s15 =	simm.s32 $0x20;
	_ =	swait.ge @!p0 [sflag:s17], $0x1900  }
0x5d: {  	s14 =	sadd.s32 $0x3200, s10;
	s16 =	sadd.s32 $0x19000, s7;
	[sflag:s17] =	ssyncset.done @!p0 $0x0  }
.LBB2_6:
0x5e: {  	s18 =	simm.s32 @!p1 $0x1100;
	s19 =	simm.s32 @!p1 $0x3;
	[sflag:s17] =	ssyncadd.s32 @!p0 $0xFFFFE700  }
0x5f: {  	s20 =	smov.u32 s15;
	p0 =	por p1, p1;
	s15 =	sadd.s32 $0x10, s15  }
0x60: {  	[tilespmem:s18], [sflag:$0x3] =	stream.linear.gather @!p0 [spmem:s16], $0x1900, $0x38;
	[tilespmem:$0x1B0A0] =	vst v63  }
0x61: {  	p2 =	sne.s32 s15, $0x100;
	_ =	swait.ge @!p0 [sflag:s19], $0x1900  }
.Ltmp2:
0x62: {  	[sflag:s19] =	ssyncset.done @!p0 $0x0;
	(pc) =	sbr.rel @p2 .LBB2_6-.Ltmp2, $4  }
0x63: {  	s17 =	simm.s32 @!p0 $0x2;
	[sflag:s19] =	ssyncadd.s32 @!p0 $0xFFFFE700;
	s19 =	simm.s32 @!p0 $0x0  }
0x64: {  	[hbm4b:s14+s19] =	stream.linear.scatter @!p0 [tilespmem:s18], [sflag:$0x2], $0x1900, $0x38;
	[tilespmem:$0x1B0A0] =	vst v63  }
0x65: {  	s18 =	sadd.s32 s20, s1;
	s14 =	sadd.s32 $0x3200, s14;
	_ =	swait.ge @!p0 [sflag:s17], $0x1900  }
0x66: {  	s16 =	sadd.s32 $0x19000, s16;
	p1 =	sgt.u32 s18, $0xF9;
	[sflag:s17] =	ssyncset.done @!p0 $0x0  }
0x67: {  	s15 =	simm.s32 @!p1 $0x1100  }
0x68: {  	s18 =	simm.s32 @!p1 $0x3;
	[sflag:s17] =	ssyncadd.s32 @!p0 $0xFFFFE700;
	p0 =	por p1, p1  }
0x69: {  	[tilespmem:s15], [sflag:$0x3] =	stream.linear.gather @!p0 [spmem:s16], $0x1900, $0x38;
	[tilespmem:$0x1B0A0] =	vst v63  }
0x6a: {  	s13 =	sadd.s32 $0x1, s13;
	_ =	swait.ge @!p0 [sflag:s18], $0x1900  }
0x6b: {  	s16 =	simm.s32 @!p0 $0x0;
	p1 =	sne.s32 s13, s6;
	[sflag:s18] =	ssyncset.done @!p0 $0x0  }
.Ltmp3:
0x6c: {  	s17 =	simm.s32 @!p0 $0x2;
	[sflag:s18] =	ssyncadd.s32 @!p0 $0xFFFFE700;
	(pc) =	sbr.rel @p1 .LBB2_1-.Ltmp3, $4  }
0x6d: {  	[hbm4b:s14+s16] =	stream.linear.scatter @!p0 [tilespmem:s15], [sflag:$0x2], $0x1900, $0x38;
	[tilespmem:$0x1B0A0] =	vst v63  }
0x6e: {  	_ =	swait.ge @!p0 [sflag:s17], $0x1900  }
0x6f: {  	[sflag:s17] =	ssyncset.done @!p0 $0x0  }
0x70: {  	[sflag:s17] =	ssyncadd.s32 @!p0 $0xFFFFE700  }
0x71: {  	_ =	sfence.sel $0x180000  }
0x72: {  	[bflag:$0x0] =	sbarrier.arrive $0xFFFF  }
0x73: {  	p0 =	sne.s32 s1, $0x0;
	_ =	strace $0x9000004D  }
0x74: {  	s0 =	sadd.s32 @!p0 $0x100000, s0;
	[bflag:$0x2] =	sbarrier.arrive $0xFFFF  }
0x75: {  	[sflag:s0] =	ssyncadd.tile.s32 @!p0 $0x1;
	_ =	shalt  }
.Lfunc_end2:
_tile_overlayer_lowered:
.L_overlay_start_2:
0x76: {  	(tag) =	ssettag $0x2  }
0x77: {  	s0 =	rddreg [dreg:$0x0];
	s2 =	stileid.u32  }
0x78: {  	s1 =	rddreg [dreg:$0x1];
	p0 =	sne.s32 s2, $0x0  }
0x79: {  	s3 =	rddreg [dreg:$0x2];
	[bflag:$0x3] =	sbarrier.arrive $0xFFFF;
	s2 =	simm.s32 @!p0 $0x1C02  }
0x7a: {  	[timem:s3], [sflag:s2] =	dma.local @!p0 [hbm:s0], s1  }
0x7b: {  	s0 =	simm.s32 @!p0 $0x2  }
0x7c: {  	_ =	swait.ge @!p0 [sflag:s0], s1  }
0x7d: {  	s1 =	ssub.s32 @!p0 $0x0, s1;
	[sflag:s0] =	ssyncset.done @!p0 $0x0  }
0x7e: {  	[sflag:s0] =	ssyncadd.s32 @!p0 s1  }
0x7f: {  	[bflag:$0x3] =	sbarrier.arrive $0xFFFF  }
0x80: {  	_ =	shalt  }

// kernel: kernel.22.cloned.1.call-start
scs
__scs_entry_jumppad:
0x0: {  	(pc) =	sbr.rel $0x88, $3  }
0x1: {  	(tag) =	ssettag $0x0;
	lr =	simm.s32 $0x1  }
0x2: {  	[smem:$0x3F93] =	sst lr;
	_ =	strace $0xD0000000  }
0x3: {  	_ = 	snop  }
0x4: {  	_ = 	snop  }
0x5: {  	_ = 	snop  }
0x6: {  	_ = 	snop  }
0x7: {  	_ = 	snop  }
__scs_overlays_trampoline_lowered:
0x8: {  	[smem:$0x3FA2] =	sst s0  }
0x9: {  	[smem:$0x3FA3] =	sst s1  }
0xa: {  	[smem:$0x3FA4] =	sst s2  }
0xb: {  	[smem:$0x3FA5] =	sst s3  }
0xc: {  	[smem:$0x3FA6] =	sst s4  }
0xd: {  	[smem:$0x3FA7] =	sst s5  }
0xe: {  	[smem:$0x3FA8] =	sst s6  }
0xf: {  	[smem:$0x3FA9] =	sst s7  }
0x10: {  	[smem:$0x3FAA] =	sst s8  }
0x11: {  	[smem:$0x3FAB] =	sst s9;
	s0 =	simm.s32 @!p0 $0x0  }
0x12: {  	s1 =	sld [smem:$0x3F91];
	s0 =	simm.s32 @p0 $0x1  }
0x13: {  	[smem:$0x3FAC] =	sst s0;
	s0 =	simm.s32 @!p1 $0x0  }
0x14: {  	s2 =	sld [smem:$0x3F90];
	s0 =	simm.s32 @p1 $0x1  }
0x15: {  	[smem:$0x3FAD] =	sst s0;
	s0 =	simm.s32 @!p2 $0x0  }
0x16: {  	s3 =	sld [smem:$0x3FDB];
	s0 =	simm.s32 @p2 $0x1  }
0x17: {  	s4 =	simm.s32 $0x1BF5;
	[smem:$0x3FAF] =	sst s0  }
0x18: {  	s0 =	sld [smem:$0x3F92];
	_ =	swait.ge [sflag:s4], $0x0  }
0x19: {  	s7 =	sld [smem:$0x3F93]  }
0x1a: {  	s8 =	sadd.s32 $0xFFFFE003, lr  }
0x1b: {  	s9 =	sadd.s32 $0xFFFFFEF7, lr;
	s5 =	simm.s32 $0xFFFFFFFF;
	p2 =	slt.u32 s8, $0xFFFFF086  }
0x1c: {  	p1 =	slt.u32 s9, $0xF7A;
	s5 =	simm.s32 @!p2 $0x0  }
0x1d: {  	s5 =	simm.s32 @p1 $0x1;
	p0 =	seq.s32 s7, s2  }
0x1e: {  	s7 =	smul.u32 @!p0 $0xF7A, s2;
	p2 =	seq.s32 @!p0 s5, $0x0  }
0x1f: {  	s9 =	smul.u32 $0xF7A, s1;
	s8 =	simm.s32 @!p0 $0x1BF5;
	p2 =	por !p2, p0  }
0x20: {  	[sflag:s8] =	ssyncset.s32 @!p0 $0xFFFFF086;
	s6 =	sadd.s32 @!p0 s3, s7;
	s7 =	simm.s32 @!p0 $0x108  }
0x21: {  	s3 =	sadd.s32 s3, s9;
	s6 =	sadd.s32 @!p0 $0x88, s6;
	s7 =	simm.s32 @p2 $0x1082  }
0x22: {  	[simem:s7], [sflag:s8] =	dma.local @!p0 [hbm:s6], $0xF7A  }
0x23: {  	s9 =	sor.u32 $0xD0000000, s2;
	s6 =	simm.s32 $0x108;
	_ =	swait.ge @!p0 [sflag:s8], $0x0  }
0x24: {  	s3 =	sadd.s32 $0x88, s3;
	s6 =	simm.s32 @!p1 $0x1082;
	[sflag:s4] =	ssyncset.s32 $0xFFFFF086  }
0x25: {  	[simem:s6], [sflag:s4] =	dma.local [hbm:s3], $0xF7A  }
0x26: {  	[smem:$0x3F93] =	sst s1;
	(tag) =	ssettag s2;
	_ =	strace s9  }
0x27: {  	s1 =	sld [smem:$0x3FA3]  }
0x28: {  	s2 =	sld [smem:$0x3FA4]  }
0x29: {  	s4 =	sld [smem:$0x3FA6]  }
0x2a: {  	p0 =	seq.s32 s5, $0x0;
	s5 =	sld [smem:$0x3FA7]  }
0x2b: {  	s6 =	sld [smem:$0x3FA8]  }
0x2c: {  	s7 =	sld [smem:$0x3FA9]  }
0x2d: {  	s3 =	simm.s32 $0x108;
	s8 =	sld [smem:$0x3FAA]  }
0x2e: {  	s3 =	simm.s32 @!p0 $0x1082;
	s9 =	sld [smem:$0x3FAB]  }
0x2f: {  	lr =	sadd.s32 s0, s3;
	s0 =	sld [smem:$0x3FA2]  }
0x30: {  	s3 =	sld [smem:$0x3FA5]  }
0x31: {  	[smem:$0x3FAE] =	sst s10  }
0x32: {  	s10 =	sld [smem:$0x3FAC];
	_ =	sdelay $0x3  }
0x33: {  	p0 =	seq.s32 s10, $0x1;
	s10 =	sld [smem:$0x3FAE];
	_ =	sdelay $0x3  }
0x34: {  	[smem:$0x3FAE] =	sst s10  }
0x35: {  	s10 =	sld [smem:$0x3FAD];
	_ =	sdelay $0x3  }
0x36: {  	p1 =	seq.s32 s10, $0x1;
	s10 =	sld [smem:$0x3FAE];
	_ =	sdelay $0x3  }
0x37: {  	[smem:$0x3FAE] =	sst s10  }
0x38: {  	s10 =	sld [smem:$0x3FAF]  }
0x39: {  	_ = 	snop;
	(pc) =	sbr.ind lr, $3  }
0x3a: {  	_ = 	snop  }
0x3b: {  	_ = 	snop  }
0x3c: {  	p2 =	seq.s32 s10, $0x1;
	s10 =	sld [smem:$0x3FAE]  }
0x3d: {  	_ =	shalt  }
0x3e: {  	_ =	shalt  }
0x3f: {  	_ =	shalt  }
0x40: {  	_ =	shalt  }
0x41: {  	_ =	shalt  }
0x42: {  	_ =	shalt  }
0x43: {  	_ =	shalt  }
0x44: {  	_ =	shalt  }
0x45: {  	_ =	shalt  }
0x46: {  	_ =	shalt  }
0x47: {  	_ =	shalt  }
0x48: {  	_ =	shalt  }
0x49: {  	_ =	shalt  }
0x4a: {  	_ =	shalt  }
0x4b: {  	_ =	shalt  }
0x4c: {  	_ =	shalt  }
0x4d: {  	_ =	shalt  }
0x4e: {  	_ =	shalt  }
0x4f: {  	_ =	shalt  }
0x50: {  	_ =	shalt  }
0x51: {  	_ =	shalt  }
0x52: {  	_ =	shalt  }
0x53: {  	_ =	shalt  }
0x54: {  	_ =	shalt  }
0x55: {  	_ =	shalt  }
0x56: {  	_ =	shalt  }
0x57: {  	_ =	shalt  }
0x58: {  	_ =	shalt  }
0x59: {  	_ =	shalt  }
0x5a: {  	_ =	shalt  }
0x5b: {  	_ =	shalt  }
0x5c: {  	_ =	shalt  }
0x5d: {  	_ =	shalt  }
0x5e: {  	_ =	shalt  }
0x5f: {  	_ =	shalt  }
0x60: {  	_ =	shalt  }
0x61: {  	_ =	shalt  }
0x62: {  	_ =	shalt  }
0x63: {  	_ =	shalt  }
0x64: {  	_ =	shalt  }
0x65: {  	_ =	shalt  }
0x66: {  	_ =	shalt  }
0x67: {  	_ =	shalt  }
0x68: {  	_ =	shalt  }
0x69: {  	_ =	shalt  }
0x6a: {  	_ =	shalt  }
0x6b: {  	_ =	shalt  }
0x6c: {  	_ =	shalt  }
0x6d: {  	_ =	shalt  }
0x6e: {  	_ =	shalt  }
0x6f: {  	_ =	shalt  }
0x70: {  	_ =	shalt  }
0x71: {  	_ =	shalt  }
0x72: {  	_ =	shalt  }
0x73: {  	_ =	shalt  }
0x74: {  	_ =	shalt  }
0x75: {  	_ =	shalt  }
0x76: {  	_ =	shalt  }
0x77: {  	_ =	shalt  }
0x78: {  	_ =	shalt  }
0x79: {  	_ =	shalt  }
0x7a: {  	_ =	shalt  }
0x7b: {  	_ =	shalt  }
0x7c: {  	_ =	shalt  }
0x7d: {  	_ =	shalt  }
0x7e: {  	_ =	shalt  }
0x7f: {  	_ =	shalt  }
0x80: {  	_ =	shalt  }
0x81: {  	_ =	shalt  }
0x82: {  	_ =	shalt  }
0x83: {  	_ =	shalt  }
0x84: {  	_ =	shalt  }
0x85: {  	_ =	shalt  }
0x86: {  	_ =	shalt  }
0x87: {  	_ =	shalt  }
.Lfunc_end0:
.L_simem_size_0:
called_computation.3_lowered:
.L_overlay_start_0:
0x88: {  	s2 =	sld [smem:$0x3FD9]  }
0x89: {  	s3 =	sld [smem:$0x3FFE];
	_ =	sdelay $0x1  }
0x8a: {  	s1 =	srdreg.scid  }
0x8b: {  	s0 =	sand.u32 $0x1, s1  }
0x8c: {  	s16 =	sshll.u32 s0, $0xA;
	s2 =	sadd.s32 s3, s2  }
0x8d: {  	s2 =	sadd.s32 s2, s16  }
0x8e: {  	[smem:$0x3FBA] =	sst s2  }
0x8f: {  	_ = 	snop  }
0x90: {  	(tm) =	ssettm $0x1  }
0x91: {  	s17 =	sld [smem:$0x3FFB];
	_ =	sdelay $0x3  }
0x92: {  	_ =	strace s17  }
0x93: {  	s2 =	sld [smem:$0x3FFC];
	_ =	sdelay $0x3  }
0x94: {  	_ =	strace s2  }
0x95: {  	s2 =	sld [smem:$0x3FFD];
	_ =	sdelay $0x3  }
0x96: {  	_ =	strace s2  }
0x97: {  	_ =	strace $0x8FFFFFFF  }
0x98: {  	s18 =	sld [smem:$0x3FDB];
	_ =	sdelay $0x1  }
0x99: {  	s19 =	simm.s32 $_scs_section_size  }
0x9a: {  	s4 =	simm.s32 $_size__tile_overlayer_lowered;
	s5 =	simm.s32 $_tile_overlayer_lowered  }
0x9b: {  	s22 =	simm.s32 $0x1BFF;
	s21 =	sshll.u32 s5, $0x1;
	s2 =	sadd.s32 s19, s18  }
0x9c: {  	s6 =	simm.s32 $0x0;
	s20 =	sshll.u32 s4, $0x1;
	s4 =	sadd.s32 s21, s2  }
0x9d: {  	[timem:s6], [sflag:s22] =	dma.local [hbm:s4], s20  }
0x9e: {  	_ =	swait.ge [sflag:s22], s20  }
0x9f: {  	s3 =	ssub.s32 $0x0, s20;
	[sflag:s22] =	ssyncset.done $0x0  }
0xa0: {  	[sflag:s22] =	ssyncadd.s32 s3;
	_ =	sdelay $0x1  }
0xa1: {  	s23 =	simm.s32 $0x1B8B  }
0xa2: {  	_ =	swait.ge [sflag:s23], $0x1  }
0xa3: {  	[sflag:s23] =	ssyncset.done $0x0  }
0xa4: {  	s25 =	simm.s32 $0x1B8E;
	s24 =	sld [smem:$0x3FFE];
	[sflag:s23] =	ssyncadd.s32 $0xFFFFFFFF  }
0xa5: {  	s26 =	simm.s32 $execute0_lowered;
	[smem:$0x3FD2] =	sst s25  }
0xa6: {  	s4 =	sshll.u32 s26, $0x1;
	_ =	strace $0x8000004F;
	[dreg:$0x1] =	wrdreg $0xFFFFFFFF  }
0xa7: {  	s28 =	simm.s32 $_size_execute0_lowered;
	s2 =	sadd.s32 s2, s4;
	[dreg:$0x0] =	wrdreg $0x0  }
0xa8: {  	s4 =	sshll.u32 s28, $0x1;
	[dreg:$0x2] =	wrdreg s2  }
0xa9: {  	[dreg:$0x3] =	wrdreg s4  }
0xaa: {  	[dreg:$0x4] =	wrdreg $0xC0  }
0xab: {  	_ =	task [dreg:s6], $0x5FFFF  }
0xac: {  	[dreg:$0x1] =	wrdreg $0xFFFFFFFF  }
0xad: {  	[dreg:$0x0] =	wrdreg $0x60  }
0xae: {  	[dreg:$0x2] =	wrdreg s24  }
0xaf: {  	[dreg:$0x3] =	wrdreg $0x2A000  }
0xb0: {  	[dreg:$0x4] =	wrdreg $0x9  }
0xb1: {  	_ =	task.clear_ibuf [dreg:s6], $0x5FFFF;
	_ =	strace $0x9000004F  }
0xb2: {  	s29 =	simm.s32 $0x9;
	_ =	strace $0x80000051  }
0xb3: {  	_ =	swait.ge [sflag:s29], $0x1  }
0xb4: {  	[sflag:s29] =	ssyncadd.s32 $0xFFFFFFFF  }
0xb5: {  	_ =	strace $0x90000051  }
0xb6: {  	_ =	sfence  }
0xb7: {  	s30 =	sld [smem:$0x0];
	_ =	sdelay $0x2  }
0xb8: {  	s31 =	sshll.u32 s1, $0xD;
	s1 =	sshrl.u32 s1, $0x2  }
0xb9: {  	s3 =	sand.u32 $0x4000, s31;
	s1 =	sadd.s32 s1, s30  }
0xba: {  	s0 =	sor.u32 s3, s0;
	s1 =	sshll.u32 s1, $0x11  }
0xbb: {  	s0 =	sor.u32 s1, s0  }
0xbc: {  	s0 =	sadd.s32 $0x8F2B, s0  }
0xbd: {  	[sflag:s0] =	ssyncadd.remote.s32 $0x1  }
0xbe: {  	_ =	sfence.sel $0xFFFF  }
0xbf: {  	[dreg:$0x0] =	wrdreg $0xFFFFFFFF;
	(pc) =	sbr.abs _section_cstart, $3  }
0xc0: {  	[dreg:$0x1] =	wrdreg $0xFFFFFFFF  }
0xc1: {  	_ =	task.clear_ibuf [dreg:s6], $0x2FFFF;
	_ =	strace $0x9FFFFFFF  }
0xc2: {  	(tm) =	ssettm $0x7FFFFFFF  }
0xc3: {  	_ =	shalt  }
tec
execute0_lowered:
.L_overlay_start_1:
0x0: {  	(tag) =	ssettag $0x1  }
0x1: {  	s6 =	rddreg [dreg:$0x0];
	s0 =	srdreg.scid  }
0x2: {  	s2 =	rddreg [dreg:$0x1];
	s1 =	stileid.u32;
	s3 =	simm.s32 $0x0  }
0x3: {  	s5 =	sand.u32 $0x1, s0;
	s0 =	rddreg [dreg:$0x2];
	s11 =	smul.u32 $0x6400, s1  }
0x4: {  	s7 =	sshll.u32 s1, $0x7;
	[smem:$0x7FF] =	sst s3;
	s13 =	smul.u32 $0x320, s1  }
0x5: {  	s26 =	sshll.u32 s1, $0x4;
	s4 =	smul.u32 $0xC3500, s5;
	_ =	strace $0x80000050  }
0x6: {  	s9 =	smul.u32 $0x30D40, s5;
	s10 =	sadd.s32 s26, s6;
	s28 =	ssub.s32 $0x2, s5  }
0x7: {  	s5 =	sadd.s32 $0x234C00, s6;
	s12 =	sshrl.u32 s28, $0x1;
	s30 =	sshrl.u32 s11, $0x2  }
0x8: {  	s11 =	simm.s32 $0x1100;
	s7 =	sadd.s32 s7, s4;
	s4 =	sadd.s32 $0x1D3000, s6  }
0x9: {  	s9 =	sadd.s32 s9, s6;
	s29 =	ssub.s32 s28, s12;
	s12 =	simm.s32 $0x2  }
0xa: {  	s7 =	sshrl.u32 s7, $0x3;
	s31 =	sadd.s32 s13, s9;
	s9 =	sadd.s32 $0x3000, s10  }
0xb: {  	s13 =	simm.s32 $0x0;
	s8 =	sadd.s32 s7, s6;
	s6 =	smax.u32 s29, $0x1  }
0xc: {  	s7 =	sadd.s32 s30, s2;
	s10 =	sadd.s32 $0x235000, s31;
	s8 =	sadd.s32 $0x1B800, s8  }
.LBB2_1:
0xd: {  	[tilespmem:s11], [sflag:$0x2] =	stream.linear.gather [hbm4b:s5+s3], $0x1900, $0x38;
	[tilespmem:$0x1B0A0] =	vst v63  }
0xe: {  	s14 =	sadd.s32 $0x0, s1;
	_ =	swait.ge [sflag:s12], $0x1900  }
0xf: {  	p0 =	sgt.u32 s14, $0xF9;
	[sflag:s12] =	ssyncset.done $0x0  }
0x10: {  	s14 =	simm.s32 @!p0 $0x1100;
	s17 =	simm.s32 @!p0 $0x2;
	[sflag:s12] =	ssyncadd.s32 $0xFFFFE700  }
0x11: {  	[spmem:s7] =	stream.linear.scatter @!p0 [tilespmem:s14], [sflag:$0x2], $0x1900, $0x38;
	[tilespmem:$0x1B0A0] =	vst v63  }
0x12: {  	s15 =	simm.s32 $0x10;
	_ =	swait.ge @!p0 [sflag:s17], $0x1900  }
0x13: {  	s16 =	simm.s32 $0x20;
	s14 =	sadd.s32 $0x19000, s7;
	[sflag:s17] =	ssyncset.done @!p0 $0x0  }
.LBB2_2:
0x14: {  	s18 =	sadd.s32 s15, s1;
	s15 =	smov.u32 s16;
	s16 =	sadd.s32 $0x10, s16  }
0x15: {  	[sflag:s17] =	ssyncadd.s32 @!p0 $0xFFFFE700;
	p1 =	sne.s32 s16, $0x100  }
.Ltmp0:
0x16: {  	p0 =	sgt.u32 s18, $0xF9;
	(pc) =	sbr.rel @p1 .LBB2_2-.Ltmp0, $4  }
0x17: {  	s18 =	simm.s32 @!p0 $0x1100;
	s17 =	simm.s32 @!p0 $0x2  }
0x18: {  	[spmem:s14] =	stream.linear.scatter @!p0 [tilespmem:s18], [sflag:$0x2], $0x1900, $0x38;
	[tilespmem:$0x1B0A0] =	vst v63  }
0x19: {  	_ =	swait.ge @!p0 [sflag:s17], $0x1900  }
0x1a: {  	s14 =	sadd.s32 $0x19000, s14;
	[sflag:s17] =	ssyncset.done @!p0 $0x0  }
0x1b: {  	s15 =	sadd.s32 s15, s1  }
0x1c: {  	p1 =	sgt.u32 s15, $0xF9  }
0x1d: {  	[sflag:s17] =	ssyncadd.s32 @!p0 $0xFFFFE700;
	s15 =	simm.s32 @!p1 $0x1100;
	s16 =	simm.s32 @!p1 $0x2  }
0x1e: {  	[spmem:s14] =	stream.linear.scatter @!p1 [tilespmem:s15], [sflag:$0x2], $0x1900, $0x38;
	[tilespmem:$0x1B0A0] =	vst v63  }
0x1f: {  	_ =	swait.ge @!p1 [sflag:s16], $0x1900  }
0x20: {  	p0 =	sgt.u32 s1, $0x1869;
	[sflag:s16] =	ssyncset.done @!p1 $0x0  }
0x21: {  	s14 =	sadd.s32 @!p0 $0x0, s8;
	[sflag:s16] =	ssyncadd.s32 @!p1 $0xFFFFE700  }
0x22: {  	s15 =	simm.s32 @!p0 $0x0;
	s16 =	simm.s32 @!p0 $0x3;
	[bflag:$0x0] =	sbarrier.arrive $0xFFFF  }
0x23: {  	[tilespmem:s15], [sflag:$0x3] =	stream.linear.gather @!p0 [hbm4b:s14+s15], $0x80, $0x38;
	[tilespmem:$0x1B0A0] =	vst v63  }
0x24: {  	_ =	swait.ge @!p0 [sflag:s16], $0x80;
	p0 =	por p0, p0  }
0x25: {  	[sflag:s16] =	ssyncset.done @!p0 $0x0  }
0x26: {  	s14 =	sadd.s32 @!p0 $0x0, s9;
	s17 =	simm.s32 @!p0 $0x80;
	[sflag:s16] =	ssyncadd.s32 @!p0 $0xFFFFFF80  }
0x27: {  	[tilespmem:s17], [sflag:$0x3] =	stream.linear.gather @!p0 [hbm4b:s14+s15], $0x80, $0x38;
	[tilespmem:$0x1B0A0] =	vst v63  }
0x28: {  	_ =	swait.ge @!p0 [sflag:s16], $0x80  }
0x29: {  	[sflag:s16] =	ssyncset.done @!p0 $0x0  }
0x2a: {  	s14 =	simm.s32 @!p0 $0x100;
	[sflag:s16] =	ssyncadd.s32 @!p0 $0xFFFFFF80;
	s16 =	simm.s32 @!p0 $0x1  }
0x2b: {  	[tilespmem:s14], [sflag:$0x1] =	stream.indirect.gather @!p0 [hbm4b:s4+s17], $0x20, s15, s17, $0xb8;
	[tilespmem:$0x1B0A0] =	vst v63  }
0x2c: {  	_ =	swait.ge @!p0 [sflag:s16], $0x1000  }
0x2d: {  	[sflag:s16] =	ssyncset.done @!p0 $0x0  }
0x2e: {  	s15 =	sadd.s32 $0x10, s1;
	[sflag:s16] =	ssyncadd.s32 @!p0 $0xFFFFF000  }
0x2f: {  	[spmem:s2] =	stream.indirect.scatter.add.f32 @!p0 [tilespmem:s14], [sflag:$0x2], $0x20, s17, s17, $0xb8;
	[tilespmem:$0x1B0A0] =	vst v63  }
0x30: {  	p2 =	sgt.u32 s15, $0x1869;
	s17 =	simm.s32 @!p0 $0x2  }
0x31: {  	s16 =	simm.s32 $0x200;
	s14 =	simm.s32 $0x100;
	_ =	swait.ge @!p0 [sflag:s17], $0x1000  }
.LBB2_4:
0x32: {  	s18 =	sadd.s32 @!p2 s14, s8  }
0x33: {  	s19 =	simm.s32 @!p2 $0x0;
	[sflag:s17] =	ssyncset.done @!p0 $0x0;
	s20 =	smov.u32 s16  }
0x34: {  	s16 =	sadd.s32 $0x100, s16;
	s21 =	simm.s32 @!p2 $0x3;
	[sflag:s17] =	ssyncadd.s32 @!p0 $0xFFFFF000  }
0x35: {  	[tilespmem:s19], [sflag:$0x3] =	stream.linear.gather @!p2 [hbm4b:s18+s19], $0x80, $0x38;
	[tilespmem:$0x1B0A0] =	vst v63  }
0x36: {  	p1 =	sne.s32 s16, $0x18700;
	p0 =	por p2, p2;
	_ =	swait.ge @!p2 [sflag:s21], $0x80  }
0x37: {  	[sflag:s21] =	ssyncset.done @!p0 $0x0  }
0x38: {  	s14 =	sadd.s32 @!p0 s14, s9;
	s18 =	simm.s32 @!p0 $0x80;
	[sflag:s21] =	ssyncadd.s32 @!p0 $0xFFFFFF80  }
0x39: {  	[tilespmem:s18], [sflag:$0x3] =	stream.linear.gather @!p0 [hbm4b:s14+s19], $0x80, $0x38;
	[tilespmem:$0x1B0A0] =	vst v63  }
0x3a: {  	s14 =	smov.u32 s20;
	_ =	swait.ge @!p0 [sflag:s21], $0x80  }
0x3b: {  	[sflag:s21] =	ssyncset.done @!p0 $0x0  }
0x3c: {  	s17 =	simm.s32 @!p0 $0x1;
	s20 =	simm.s32 @!p0 $0x100;
	[sflag:s21] =	ssyncadd.s32 @!p0 $0xFFFFFF80  }
0x3d: {  	[tilespmem:s20], [sflag:$0x1] =	stream.indirect.gather @!p0 [hbm4b:s4+s18], $0x20, s19, s18, $0xb8;
	[tilespmem:$0x1B0A0] =	vst v63  }
.Ltmp1:
0x3e: {  	_ =	swait.ge @!p0 [sflag:s17], $0x1000;
	(pc) =	sbr.rel @p1 .LBB2_4-.Ltmp1, $4  }
0x3f: {  	[sflag:s17] =	ssyncset.done @!p0 $0x0  }
0x40: {  	s15 =	sadd.s32 $0x10, s15;
	[sflag:s17] =	ssyncadd.s32 @!p0 $0xFFFFF000;
	s17 =	simm.s32 @!p0 $0x2  }
0x41: {  	[spmem:s2] =	stream.indirect.scatter.add.f32 @!p0 [tilespmem:s20], [sflag:$0x2], $0x20, s18, s18, $0xb8;
	[tilespmem:$0x1B0A0] =	vst v63  }
0x42: {  	p2 =	sgt.u32 s15, $0x1869;
	_ =	swait.ge @!p0 [sflag:s17], $0x1000  }
0x43: {  	s15 =	sadd.s32 @!p2 s14, s8;
	[sflag:s17] =	ssyncset.done @!p0 $0x0  }
0x44: {  	s16 =	simm.s32 @!p2 $0x0;
	s18 =	simm.s32 @!p2 $0x3;
	[sflag:s17] =	ssyncadd.s32 @!p0 $0xFFFFF000  }
0x45: {  	[tilespmem:s16], [sflag:$0x3] =	stream.linear.gather @!p2 [hbm4b:s15+s16], $0x80, $0x38;
	[tilespmem:$0x1B0A0] =	vst v63  }
0x46: {  	p0 =	por p2, p2;
	_ =	swait.ge @!p2 [sflag:s18], $0x80  }
0x47: {  	[sflag:s18] =	ssyncset.done @!p0 $0x0  }
0x48: {  	s14 =	sadd.s32 @!p0 s14, s9;
	s15 =	simm.s32 @!p0 $0x80;
	[sflag:s18] =	ssyncadd.s32 @!p0 $0xFFFFFF80  }
0x49: {  	[tilespmem:s15], [sflag:$0x3] =	stream.linear.gather @!p0 [hbm4b:s14+s16], $0x80, $0x38;
	[tilespmem:$0x1B0A0] =	vst v63  }
0x4a: {  	_ =	swait.ge @!p0 [sflag:s18], $0x80  }
0x4b: {  	[sflag:s18] =	ssyncset.done @!p0 $0x0  }
0x4c: {  	s17 =	simm.s32 @!p0 $0x1;
	s14 =	simm.s32 @!p0 $0x100;
	[sflag:s18] =	ssyncadd.s32 @!p0 $0xFFFFFF80  }
0x4d: {  	[tilespmem:s14], [sflag:$0x1] =	stream.indirect.gather @!p0 [hbm4b:s4+s15], $0x20, s16, s15, $0xb8;
	[tilespmem:$0x1B0A0] =	vst v63  }
0x4e: {  	_ =	swait.ge @!p0 [sflag:s17], $0x1000  }
0x4f: {  	[sflag:s17] =	ssyncset.done @!p0 $0x0  }
0x50: {  	s16 =	simm.s32 @!p0 $0x2;
	[sflag:s17] =	ssyncadd.s32 @!p0 $0xFFFFF000  }
0x51: {  	[spmem:s2] =	stream.indirect.scatter.add.f32 @!p0 [tilespmem:s14], [sflag:$0x2], $0x20, s15, s15, $0xb8;
	[tilespmem:$0x1B0A0] =	vst v63  }
0x52: {  	_ =	swait.ge @!p0 [sflag:s16], $0x1000  }
0x53: {  	[sflag:s16] =	ssyncset.done @!p0 $0x0  }
0x54: {  	s30 =	sadd.s32 $0x0, s1;
	[sflag:s16] =	ssyncadd.s32 @!p0 $0xFFFFF000  }
0x55: {  	p0 =	sgt.u32 s30, $0xF9;
	[bflag:$0x0] =	sbarrier.arrive $0xFFFF  }
0x56: {  	s14 =	simm.s32 @!p0 $0x1100;
	s16 =	simm.s32 @!p0 $0x3;
	p0 =	por p0, p0  }
0x57: {  	[tilespmem:s14], [sflag:$0x3] =	stream.linear.gather @!p0 [spmem:s7], $0x1900, $0x38;
	[tilespmem:$0x1B0A0] =	vst v63  }
0x58: {  	_ =	swait.ge @!p0 [sflag:s16], $0x1900  }
0x59: {  	s31 =	sadd.s32 $0x10, s1;
	[sflag:s16] =	ssyncset.done @!p0 $0x0  }
0x5a: {  	s17 =	simm.s32 @!p0 $0x2;
	[sflag:s16] =	ssyncadd.s32 @!p0 $0xFFFFE700;
	s16 =	simm.s32 @!p0 $0x0  }
0x5b: {  	[hbm4b:s10+s16] =	stream.linear.scatter @!p0 [tilespmem:s14], [sflag:$0x2], $0x1900, $0x38;
	[tilespmem:$0x1B0A0] =	vst v63  }
0x5c: {  	p1 =	sgt.u32 s31, $0xF9;
	s15 =	simm.s32 $0x20;
	_ =	swait.ge @!p0 [sflag:s17], $0x1900  }
0x5d: {  	s14 =	sadd.s32 $0x3200, s10;
	s16 =	sadd.s32 $0x19000, s7;
	[sflag:s17] =	ssyncset.done @!p0 $0x0  }
.LBB2_6:
0x5e: {  	s18 =	simm.s32 @!p1 $0x1100;
	s19 =	simm.s32 @!p1 $0x3;
	[sflag:s17] =	ssyncadd.s32 @!p0 $0xFFFFE700  }
0x5f: {  	s20 =	smov.u32 s15;
	p0 =	por p1, p1;
	s15 =	sadd.s32 $0x10, s15  }
0x60: {  	[tilespmem:s18], [sflag:$0x3] =	stream.linear.gather @!p0 [spmem:s16], $0x1900, $0x38;
	[tilespmem:$0x1B0A0] =	vst v63  }
0x61: {  	p2 =	sne.s32 s15, $0x100;
	_ =	swait.ge @!p0 [sflag:s19], $0x1900  }
.Ltmp2:
0x62: {  	[sflag:s19] =	ssyncset.done @!p0 $0x0;
	(pc) =	sbr.rel @p2 .LBB2_6-.Ltmp2, $4  }
0x63: {  	s17 =	simm.s32 @!p0 $0x2;
	[sflag:s19] =	ssyncadd.s32 @!p0 $0xFFFFE700;
	s19 =	simm.s32 @!p0 $0x0  }
0x64: {  	[hbm4b:s14+s19] =	stream.linear.scatter @!p0 [tilespmem:s18], [sflag:$0x2], $0x1900, $0x38;
	[tilespmem:$0x1B0A0] =	vst v63  }
0x65: {  	s18 =	sadd.s32 s20, s1;
	s14 =	sadd.s32 $0x3200, s14;
	_ =	swait.ge @!p0 [sflag:s17], $0x1900  }
0x66: {  	s16 =	sadd.s32 $0x19000, s16;
	p1 =	sgt.u32 s18, $0xF9;
	[sflag:s17] =	ssyncset.done @!p0 $0x0  }
0x67: {  	s15 =	simm.s32 @!p1 $0x1100  }
0x68: {  	s18 =	simm.s32 @!p1 $0x3;
	[sflag:s17] =	ssyncadd.s32 @!p0 $0xFFFFE700;
	p0 =	por p1, p1  }
0x69: {  	[tilespmem:s15], [sflag:$0x3] =	stream.linear.gather @!p0 [spmem:s16], $0x1900, $0x38;
	[tilespmem:$0x1B0A0] =	vst v63  }
0x6a: {  	s13 =	sadd.s32 $0x1, s13;
	_ =	swait.ge @!p0 [sflag:s18], $0x1900  }
0x6b: {  	s16 =	simm.s32 @!p0 $0x0;
	p1 =	sne.s32 s13, s6;
	[sflag:s18] =	ssyncset.done @!p0 $0x0  }
.Ltmp3:
0x6c: {  	s17 =	simm.s32 @!p0 $0x2;
	[sflag:s18] =	ssyncadd.s32 @!p0 $0xFFFFE700;
	(pc) =	sbr.rel @p1 .LBB2_1-.Ltmp3, $4  }
0x6d: {  	[hbm4b:s14+s16] =	stream.linear.scatter @!p0 [tilespmem:s15], [sflag:$0x2], $0x1900, $0x38;
	[tilespmem:$0x1B0A0] =	vst v63  }
0x6e: {  	_ =	swait.ge @!p0 [sflag:s17], $0x1900  }
0x6f: {  	[sflag:s17] =	ssyncset.done @!p0 $0x0  }
0x70: {  	[sflag:s17] =	ssyncadd.s32 @!p0 $0xFFFFE700  }
0x71: {  	_ =	sfence.sel $0x180000  }
0x72: {  	[bflag:$0x0] =	sbarrier.arrive $0xFFFF  }
0x73: {  	p0 =	sne.s32 s1, $0x0;
	_ =	strace $0x90000050  }
0x74: {  	s0 =	sadd.s32 @!p0 $0x100000, s0;
	[bflag:$0x2] =	sbarrier.arrive $0xFFFF  }
0x75: {  	[sflag:s0] =	ssyncadd.tile.s32 @!p0 $0x1;
	_ =	shalt  }
.Lfunc_end2:
_tile_overlayer_lowered:
.L_overlay_start_2:
0x76: {  	(tag) =	ssettag $0x2  }
0x77: {  	s0 =	rddreg [dreg:$0x0];
	s2 =	stileid.u32  }
0x78: {  	s1 =	rddreg [dreg:$0x1];
	p0 =	sne.s32 s2, $0x0  }
0x79: {  	s3 =	rddreg [dreg:$0x2];
	[bflag:$0x3] =	sbarrier.arrive $0xFFFF;
	s2 =	simm.s32 @!p0 $0x1C02  }
0x7a: {  	[timem:s3], [sflag:s2] =	dma.local @!p0 [hbm:s0], s1  }
0x7b: {  	s0 =	simm.s32 @!p0 $0x2  }
0x7c: {  	_ =	swait.ge @!p0 [sflag:s0], s1  }
0x7d: {  	s1 =	ssub.s32 @!p0 $0x0, s1;
	[sflag:s0] =	ssyncset.done @!p0 $0x0  }
0x7e: {  	[sflag:s0] =	ssyncadd.s32 @!p0 s1  }
0x7f: {  	[bflag:$0x3] =	sbarrier.arrive $0xFFFF  }
0x80: {  	_ =	shalt  }

// kernel: kernel.25.cloned.1.call-start
scs
__scs_entry_jumppad:
0x0: {  	(pc) =	sbr.rel $0x88, $3  }
0x1: {  	(tag) =	ssettag $0x0;
	lr =	simm.s32 $0x1  }
0x2: {  	[smem:$0x3F93] =	sst lr;
	_ =	strace $0xD0000000  }
0x3: {  	_ = 	snop  }
0x4: {  	_ = 	snop  }
0x5: {  	_ = 	snop  }
0x6: {  	_ = 	snop  }
0x7: {  	_ = 	snop  }
__scs_overlays_trampoline_lowered:
0x8: {  	[smem:$0x3FA2] =	sst s0  }
0x9: {  	[smem:$0x3FA3] =	sst s1  }
0xa: {  	[smem:$0x3FA4] =	sst s2  }
0xb: {  	[smem:$0x3FA5] =	sst s3  }
0xc: {  	[smem:$0x3FA6] =	sst s4  }
0xd: {  	[smem:$0x3FA7] =	sst s5  }
0xe: {  	[smem:$0x3FA8] =	sst s6  }
0xf: {  	[smem:$0x3FA9] =	sst s7  }
0x10: {  	[smem:$0x3FAA] =	sst s8  }
0x11: {  	[smem:$0x3FAB] =	sst s9;
	s0 =	simm.s32 @!p0 $0x0  }
0x12: {  	s1 =	sld [smem:$0x3F91];
	s0 =	simm.s32 @p0 $0x1  }
0x13: {  	[smem:$0x3FAC] =	sst s0;
	s0 =	simm.s32 @!p1 $0x0  }
0x14: {  	s2 =	sld [smem:$0x3F90];
	s0 =	simm.s32 @p1 $0x1  }
0x15: {  	[smem:$0x3FAD] =	sst s0;
	s0 =	simm.s32 @!p2 $0x0  }
0x16: {  	s3 =	sld [smem:$0x3FDB];
	s0 =	simm.s32 @p2 $0x1  }
0x17: {  	s4 =	simm.s32 $0x1BF5;
	[smem:$0x3FAF] =	sst s0  }
0x18: {  	s0 =	sld [smem:$0x3F92];
	_ =	swait.ge [sflag:s4], $0x0  }
0x19: {  	s7 =	sld [smem:$0x3F93]  }
0x1a: {  	s8 =	sadd.s32 $0xFFFFE003, lr  }
0x1b: {  	s9 =	sadd.s32 $0xFFFFFEF7, lr;
	s5 =	simm.s32 $0xFFFFFFFF;
	p2 =	slt.u32 s8, $0xFFFFF086  }
0x1c: {  	p1 =	slt.u32 s9, $0xF7A;
	s5 =	simm.s32 @!p2 $0x0  }
0x1d: {  	s5 =	simm.s32 @p1 $0x1;
	p0 =	seq.s32 s7, s2  }
0x1e: {  	s7 =	smul.u32 @!p0 $0xF7A, s2;
	p2 =	seq.s32 @!p0 s5, $0x0  }
0x1f: {  	s9 =	smul.u32 $0xF7A, s1;
	s8 =	simm.s32 @!p0 $0x1BF5;
	p2 =	por !p2, p0  }
0x20: {  	[sflag:s8] =	ssyncset.s32 @!p0 $0xFFFFF086;
	s6 =	sadd.s32 @!p0 s3, s7;
	s7 =	simm.s32 @!p0 $0x108  }
0x21: {  	s3 =	sadd.s32 s3, s9;
	s6 =	sadd.s32 @!p0 $0x88, s6;
	s7 =	simm.s32 @p2 $0x1082  }
0x22: {  	[simem:s7], [sflag:s8] =	dma.local @!p0 [hbm:s6], $0xF7A  }
0x23: {  	s9 =	sor.u32 $0xD0000000, s2;
	s6 =	simm.s32 $0x108;
	_ =	swait.ge @!p0 [sflag:s8], $0x0  }
0x24: {  	s3 =	sadd.s32 $0x88, s3;
	s6 =	simm.s32 @!p1 $0x1082;
	[sflag:s4] =	ssyncset.s32 $0xFFFFF086  }
0x25: {  	[simem:s6], [sflag:s4] =	dma.local [hbm:s3], $0xF7A  }
0x26: {  	[smem:$0x3F93] =	sst s1;
	(tag) =	ssettag s2;
	_ =	strace s9  }
0x27: {  	s1 =	sld [smem:$0x3FA3]  }
0x28: {  	s2 =	sld [smem:$0x3FA4]  }
0x29: {  	s4 =	sld [smem:$0x3FA6]  }
0x2a: {  	p0 =	seq.s32 s5, $0x0;
	s5 =	sld [smem:$0x3FA7]  }
0x2b: {  	s6 =	sld [smem:$0x3FA8]  }
0x2c: {  	s7 =	sld [smem:$0x3FA9]  }
0x2d: {  	s3 =	simm.s32 $0x108;
	s8 =	sld [smem:$0x3FAA]  }
0x2e: {  	s3 =	simm.s32 @!p0 $0x1082;
	s9 =	sld [smem:$0x3FAB]  }
0x2f: {  	lr =	sadd.s32 s0, s3;
	s0 =	sld [smem:$0x3FA2]  }
0x30: {  	s3 =	sld [smem:$0x3FA5]  }
0x31: {  	[smem:$0x3FAE] =	sst s10  }
0x32: {  	s10 =	sld [smem:$0x3FAC];
	_ =	sdelay $0x3  }
0x33: {  	p0 =	seq.s32 s10, $0x1;
	s10 =	sld [smem:$0x3FAE];
	_ =	sdelay $0x3  }
0x34: {  	[smem:$0x3FAE] =	sst s10  }
0x35: {  	s10 =	sld [smem:$0x3FAD];
	_ =	sdelay $0x3  }
0x36: {  	p1 =	seq.s32 s10, $0x1;
	s10 =	sld [smem:$0x3FAE];
	_ =	sdelay $0x3  }
0x37: {  	[smem:$0x3FAE] =	sst s10  }
0x38: {  	s10 =	sld [smem:$0x3FAF]  }
0x39: {  	_ = 	snop;
	(pc) =	sbr.ind lr, $3  }
0x3a: {  	_ = 	snop  }
0x3b: {  	_ = 	snop  }
0x3c: {  	p2 =	seq.s32 s10, $0x1;
	s10 =	sld [smem:$0x3FAE]  }
0x3d: {  	_ =	shalt  }
0x3e: {  	_ =	shalt  }
0x3f: {  	_ =	shalt  }
0x40: {  	_ =	shalt  }
0x41: {  	_ =	shalt  }
0x42: {  	_ =	shalt  }
0x43: {  	_ =	shalt  }
0x44: {  	_ =	shalt  }
0x45: {  	_ =	shalt  }
0x46: {  	_ =	shalt  }
0x47: {  	_ =	shalt  }
0x48: {  	_ =	shalt  }
0x49: {  	_ =	shalt  }
0x4a: {  	_ =	shalt  }
0x4b: {  	_ =	shalt  }
0x4c: {  	_ =	shalt  }
0x4d: {  	_ =	shalt  }
0x4e: {  	_ =	shalt  }
0x4f: {  	_ =	shalt  }
0x50: {  	_ =	shalt  }
0x51: {  	_ =	shalt  }
0x52: {  	_ =	shalt  }
0x53: {  	_ =	shalt  }
0x54: {  	_ =	shalt  }
0x55: {  	_ =	shalt  }
0x56: {  	_ =	shalt  }
0x57: {  	_ =	shalt  }
0x58: {  	_ =	shalt  }
0x59: {  	_ =	shalt  }
0x5a: {  	_ =	shalt  }
0x5b: {  	_ =	shalt  }
0x5c: {  	_ =	shalt  }
0x5d: {  	_ =	shalt  }
0x5e: {  	_ =	shalt  }
0x5f: {  	_ =	shalt  }
0x60: {  	_ =	shalt  }
0x61: {  	_ =	shalt  }
0x62: {  	_ =	shalt  }
0x63: {  	_ =	shalt  }
0x64: {  	_ =	shalt  }
0x65: {  	_ =	shalt  }
0x66: {  	_ =	shalt  }
0x67: {  	_ =	shalt  }
0x68: {  	_ =	shalt  }
0x69: {  	_ =	shalt  }
0x6a: {  	_ =	shalt  }
0x6b: {  	_ =	shalt  }
0x6c: {  	_ =	shalt  }
0x6d: {  	_ =	shalt  }
0x6e: {  	_ =	shalt  }
0x6f: {  	_ =	shalt  }
0x70: {  	_ =	shalt  }
0x71: {  	_ =	shalt  }
0x72: {  	_ =	shalt  }
0x73: {  	_ =	shalt  }
0x74: {  	_ =	shalt  }
0x75: {  	_ =	shalt  }
0x76: {  	_ =	shalt  }
0x77: {  	_ =	shalt  }
0x78: {  	_ =	shalt  }
0x79: {  	_ =	shalt  }
0x7a: {  	_ =	shalt  }
0x7b: {  	_ =	shalt  }
0x7c: {  	_ =	shalt  }
0x7d: {  	_ =	shalt  }
0x7e: {  	_ =	shalt  }
0x7f: {  	_ =	shalt  }
0x80: {  	_ =	shalt  }
0x81: {  	_ =	shalt  }
0x82: {  	_ =	shalt  }
0x83: {  	_ =	shalt  }
0x84: {  	_ =	shalt  }
0x85: {  	_ =	shalt  }
0x86: {  	_ =	shalt  }
0x87: {  	_ =	shalt  }
.Lfunc_end0:
.L_simem_size_0:
called_computation.4_lowered:
.L_overlay_start_0:
0x88: {  	s2 =	sld [smem:$0x3FD9]  }
0x89: {  	s3 =	sld [smem:$0x3FFE];
	_ =	sdelay $0x1  }
0x8a: {  	s1 =	srdreg.scid  }
0x8b: {  	s0 =	sand.u32 $0x1, s1  }
0x8c: {  	s17 =	sshll.u32 s0, $0xA;
	s2 =	sadd.s32 s3, s2  }
0x8d: {  	s2 =	sadd.s32 s2, s17  }
0x8e: {  	[smem:$0x3FBA] =	sst s2  }
0x8f: {  	_ = 	snop  }
0x90: {  	s2 =	sld [smem:$0x3FC7];
	(tm) =	ssettm $0x1  }
0x91: {  	s18 =	sld [smem:$0x3FFB];
	_ =	sdelay $0x3  }
0x92: {  	_ =	strace s18  }
0x93: {  	s3 =	sld [smem:$0x3FFC];
	_ =	sdelay $0x3  }
0x94: {  	_ =	strace s3  }
0x95: {  	s3 =	sld [smem:$0x3FFD];
	_ =	sdelay $0x3  }
0x96: {  	_ =	strace s3  }
0x97: {  	_ =	strace $0x8FFFFFFF  }
0x98: {  	s19 =	sld [smem:$0x3FDB];
	_ =	sdelay $0x1  }
0x99: {  	s4 =	simm.s32 $_scs_section_size  }
0x9a: {  	s5 =	simm.s32 $_size__tile_overlayer_lowered;
	s6 =	simm.s32 $_tile_overlayer_lowered  }
0x9b: {  	s22 =	simm.s32 $0x1BFF;
	s21 =	sshll.u32 s6, $0x1;
	s3 =	sadd.s32 s4, s19  }
0x9c: {  	s7 =	simm.s32 $0x0;
	s20 =	sshll.u32 s5, $0x1;
	s5 =	sadd.s32 s21, s3  }
0x9d: {  	[timem:s7], [sflag:s22] =	dma.local [hbm:s5], s20  }
0x9e: {  	_ =	swait.ge [sflag:s22], s20  }
0x9f: {  	s4 =	ssub.s32 $0x0, s20;
	[sflag:s22] =	ssyncset.done $0x0  }
0xa0: {  	[sflag:s22] =	ssyncadd.s32 s4;
	_ =	sdelay $0x1  }
0xa1: {  	s23 =	simm.s32 $0x1B8B  }
0xa2: {  	_ =	swait.ge [sflag:s23], $0x1  }
0xa3: {  	[sflag:s23] =	ssyncset.done $0x0  }
0xa4: {  	s25 =	simm.s32 $0x1B8E;
	s24 =	sld [smem:$0x3FFE];
	[sflag:s23] =	ssyncadd.s32 $0xFFFFFFFF  }
0xa5: {  	s26 =	simm.s32 $execute0_lowered;
	[smem:$0x3FD2] =	sst s25  }
0xa6: {  	s5 =	sshll.u32 s26, $0x1;
	_ =	strace $0x80000052;
	[dreg:$0x1] =	wrdreg $0xFFFFFFFF  }
0xa7: {  	s28 =	simm.s32 $_size_execute0_lowered;
	s3 =	sadd.s32 s3, s5;
	[dreg:$0x0] =	wrdreg $0x0  }
0xa8: {  	s5 =	sshll.u32 s28, $0x1;
	[dreg:$0x2] =	wrdreg s3  }
0xa9: {  	[dreg:$0x3] =	wrdreg s5  }
0xaa: {  	[dreg:$0x4] =	wrdreg $0xC0  }
0xab: {  	_ =	task [dreg:s7], $0x5FFFF  }
0xac: {  	[dreg:$0x1] =	wrdreg $0xFFFFFFFF  }
0xad: {  	[dreg:$0x0] =	wrdreg $0x60  }
0xae: {  	[dreg:$0x2] =	wrdreg s24  }
0xaf: {  	[dreg:$0x3] =	wrdreg s2  }
0xb0: {  	[dreg:$0x4] =	wrdreg $0x1A500  }
0xb1: {  	[dreg:$0x5] =	wrdreg $0x9  }
0xb2: {  	_ =	task.clear_ibuf [dreg:s7], $0x6FFFF;
	_ =	strace $0x90000052  }
0xb3: {  	s29 =	simm.s32 $0x9;
	_ =	strace $0x80000054  }
0xb4: {  	_ =	swait.ge [sflag:s29], $0x1  }
0xb5: {  	[sflag:s29] =	ssyncadd.s32 $0xFFFFFFFF  }
0xb6: {  	_ =	strace $0x90000054  }
0xb7: {  	_ =	sfence  }
0xb8: {  	s30 =	sld [smem:$0x0];
	_ =	sdelay $0x2  }
0xb9: {  	s31 =	sshll.u32 s1, $0xD;
	s1 =	sshrl.u32 s1, $0x2  }
0xba: {  	s3 =	sand.u32 $0x4000, s31;
	s1 =	sadd.s32 s1, s30  }
0xbb: {  	s0 =	sor.u32 s3, s0;
	s1 =	sshll.u32 s1, $0x11  }
0xbc: {  	s0 =	sor.u32 s1, s0  }
0xbd: {  	s0 =	sadd.s32 $0x8F2B, s0  }
0xbe: {  	[sflag:s0] =	ssyncadd.remote.s32 $0x1  }
0xbf: {  	_ =	sfence.sel $0xFFFF  }
0xc0: {  	[dreg:$0x0] =	wrdreg $0xFFFFFFFF;
	(pc) =	sbr.abs _section_cstart, $3  }
0xc1: {  	[dreg:$0x1] =	wrdreg $0xFFFFFFFF  }
0xc2: {  	_ =	task.clear_ibuf [dreg:s7], $0x2FFFF;
	_ =	strace $0x9FFFFFFF  }
0xc3: {  	(tm) =	ssettm $0x7FFFFFFF  }
tec
execute0_lowered:
.L_overlay_start_1:
0x0: {  	(tag) =	ssettag $0x1  }
0x1: {  	s4 =	rddreg [dreg:$0x0]  }
0x2: {  	s9 =	rddreg [dreg:$0x1]  }
0x3: {  	s0 =	srdreg.scid;
	s1 =	rddreg [dreg:$0x2];
	s3 =	simm.s32 $0x0  }
0x4: {  	s2 =	stileid.u32;
	s6 =	sand.u32 $0x1, s0;
	s0 =	rddreg [dreg:$0x3]  }
0x5: {  	[smem:$0x7FF] =	sst s3;
	s28 =	sshll.u32 s2, $0x9  }
0x6: {  	s7 =	sshll.u32 s2, $0x7;
	s11 =	sshll.u32 s2, $0xC;
	s13 =	smul.u32 $0x140, s2  }
0x7: {  	s30 =	sshll.u32 s2, $0xA;
	s31 =	smul.u32 $0xA, s2;
	p0 =	sgt.u32 s2, $0x3  }
0x8: {  	s5 =	smul.u32 $0x30D40, s6;
	_ =	strace $0x80000053;
	s8 =	ssub.s32 $0x2, s6  }
0x9: {  	s7 =	sadd.s32 s7, s4;
	s12 =	sshll.u32 s6, $0xB;
	s6 =	sadd.s32 s30, s1  }
0xa: {  	s29 =	sshrl.u32 s8, $0x1;
	s7 =	sadd.s32 s12, s7;
	s9 =	sadd.s32 s31, s9  }
0xb: {  	s12 =	simm.s32 $0x1;
	s10 =	sadd.s32 s5, s4;
	s5 =	sadd.s32 s28, s4  }
0xc: {  	s8 =	ssub.s32 s8, s29;
	s7 =	sadd.s32 $0x65400, s7;
	s4 =	sadd.s32 $0x64C00, s5  }
0xd: {  	s5 =	sadd.s32 s11, s1;
	s8 =	smax.u32 s8, $0x1;
	s10 =	sadd.s32 s13, s10  }
0xe: {  	s11 =	simm.s32 $0xA50;
	s13 =	simm.s32 $0x0;
	s10 =	sadd.s32 $0x3000, s10  }
.LBB2_1:
0xf: {  	s14 =	simm.s32 @!p0 $0x0;
	s15 =	simm.s32 @!p0 $0xA50  }
0x10: {  	[tilespmem:s15], [sflag:$0x1] =	stream.linear.gather @!p0 [hbm4b:s4+s14], $0x1000, $0x38;
	[tilespmem:$0x1E50] =	vst v63  }
0x11: {  	s14 =	simm.s32 @!p0 $0x1  }
0x12: {  	_ =	swait.ge @!p0 [sflag:s14], $0x1000  }
0x13: {  	[sflag:s14] =	ssyncset.done @!p0 $0x0  }
0x14: {  	[sflag:s14] =	ssyncadd.s32 @!p0 $0xFFFFF000  }
0x15: {  	[spmem:s5] =	stream.linear.scatter @!p0 [tilespmem:s15], [sflag:$0x1], $0x1000, $0x38;
	[tilespmem:$0x1E50] =	vst v63  }
0x16: {  	s30 =	sadd.s32 $0x0, s2;
	_ =	swait.ge @!p0 [sflag:s14], $0x1000  }
0x17: {  	p1 =	sgt.u32 s30, $0x270;
	[sflag:s14] =	ssyncset.done @!p0 $0x0  }
0x18: {  	s17 =	simm.s32 @!p1 $0x2;
	[sflag:s14] =	ssyncadd.s32 @!p0 $0xFFFFF000  }
0x19: {  	s15 =	simm.s32 @!p1 $0x50;
	s14 =	simm.s32 @!p1 $0x0;
	[bflag:$0x0] =	sbarrier.arrive $0xFFFF  }
0x1a: {  	[tilespmem:s15], [sflag:$0x2] =	stream.linear.gather @!p1 [hbm4b:s10+s14], $0xA00, $0x38;
	[tilespmem:$0x1E50] =	vst v63  }
0x1b: {  	_ =	swait.ge @!p1 [sflag:s17], $0xA00;
	p1 =	por p1, p1  }
0x1c: {  	[sflag:s17] =	ssyncset.done @!p1 $0x0  }
0x1d: {  	[sflag:s17] =	ssyncadd.s32 @!p1 $0xFFFFF600  }
0x1e: {  	[tilespmem:s14], [sflag:$0x2] =	stream.linear.gather @!p1 [hbm4b:s9+s14], $0x50, $0x38;
	[tilespmem:$0x1E50] =	vst v63  }
0x1f: {  	_ =	swait.ge @!p1 [sflag:s17], $0x50  }
0x20: {  	s16 =	simm.s32 $0x20;
	s31 =	sadd.s32 $0x10, s2;
	[sflag:s17] =	ssyncset.done @!p1 $0x0  }
0x21: {  	p2 =	sgt.u32 s31, $0x270;
	[sflag:s17] =	ssyncadd.s32 @!p1 $0xFFFFFFB0;
	s17 =	simm.s32 @!p1 $0x1  }
0x22: {  	[spmem:s1] =	stream.indirect.scatter.add.f32 @!p1 [tilespmem:s15], [sflag:$0x1], $0x20, s14, s15, $0xb8;
	[tilespmem:$0x1E50] =	vst v63  }
0x23: {  	s14 =	sadd.s32 $0x1400, s10;
	s15 =	sadd.s32 $0xA0, s9;
	_ =	swait.ge @!p1 [sflag:s17], $0xA00  }
.LBB2_2:
0x24: {  	s18 =	simm.s32 @!p2 $0x0  }
0x25: {  	s19 =	simm.s32 @!p2 $0x50;
	[sflag:s17] =	ssyncset.done @!p1 $0x0;
	s20 =	smov.u32 s16  }
0x26: {  	s16 =	sadd.s32 $0x10, s16;
	s21 =	simm.s32 @!p2 $0x2;
	[sflag:s17] =	ssyncadd.s32 @!p1 $0xFFFFF600  }
0x27: {  	[tilespmem:s19], [sflag:$0x2] =	stream.linear.gather @!p2 [hbm4b:s14+s18], $0xA00, $0x38;
	[tilespmem:$0x1E50] =	vst v63  }
0x28: {  	p3 =	sne.s32 s16, $0x280;
	p1 =	por p2, p2;
	_ =	swait.ge @!p2 [sflag:s21], $0xA00  }
0x29: {  	[sflag:s21] =	ssyncset.done @!p1 $0x0  }
0x2a: {  	[sflag:s21] =	ssyncadd.s32 @!p1 $0xFFFFF600  }
0x2b: {  	[tilespmem:s18], [sflag:$0x2] =	stream.linear.gather @!p1 [hbm4b:s15+s18], $0x50, $0x38;
	[tilespmem:$0x1E50] =	vst v63  }
.Ltmp0:
0x2c: {  	_ =	swait.ge @!p1 [sflag:s21], $0x50;
	(pc) =	sbr.rel @p3 .LBB2_2-.Ltmp0, $4  }
0x2d: {  	s14 =	sadd.s32 $0x1400, s14;
	[sflag:s21] =	ssyncset.done @!p1 $0x0  }
0x2e: {  	s20 =	sadd.s32 s20, s2;
	s17 =	simm.s32 @!p1 $0x1;
	[sflag:s21] =	ssyncadd.s32 @!p1 $0xFFFFFFB0  }
0x2f: {  	[spmem:s1] =	stream.indirect.scatter.add.f32 @!p1 [tilespmem:s19], [sflag:$0x1], $0x20, s18, s19, $0xb8;
	[tilespmem:$0x1E50] =	vst v63  }
0x30: {  	p2 =	sgt.u32 s20, $0x270;
	s15 =	sadd.s32 $0xA0, s15;
	_ =	swait.ge @!p1 [sflag:s17], $0xA00  }
0x31: {  	s16 =	simm.s32 @!p2 $0x0;
	[sflag:s17] =	ssyncset.done @!p1 $0x0  }
0x32: {  	s18 =	simm.s32 @!p2 $0x50;
	s19 =	simm.s32 @!p2 $0x2;
	[sflag:s17] =	ssyncadd.s32 @!p1 $0xFFFFF600  }
0x33: {  	[tilespmem:s18], [sflag:$0x2] =	stream.linear.gather @!p2 [hbm4b:s14+s16], $0xA00, $0x38;
	[tilespmem:$0x1E50] =	vst v63  }
0x34: {  	p1 =	por p2, p2;
	_ =	swait.ge @!p2 [sflag:s19], $0xA00  }
0x35: {  	[sflag:s19] =	ssyncset.done @!p1 $0x0  }
0x36: {  	[sflag:s19] =	ssyncadd.s32 @!p1 $0xFFFFF600  }
0x37: {  	[tilespmem:s16], [sflag:$0x2] =	stream.linear.gather @!p1 [hbm4b:s15+s16], $0x50, $0x38;
	[tilespmem:$0x1E50] =	vst v63  }
0x38: {  	_ =	swait.ge @!p1 [sflag:s19], $0x50  }
0x39: {  	[sflag:s19] =	ssyncset.done @!p1 $0x0  }
0x3a: {  	s14 =	simm.s32 @!p1 $0x1;
	[sflag:s19] =	ssyncadd.s32 @!p1 $0xFFFFFFB0  }
0x3b: {  	[spmem:s1] =	stream.indirect.scatter.add.f32 @!p1 [tilespmem:s18], [sflag:$0x1], $0x20, s16, s18, $0xb8;
	[tilespmem:$0x1E50] =	vst v63  }
0x3c: {  	_ =	swait.ge @!p1 [sflag:s14], $0xA00  }
0x3d: {  	[sflag:s14] =	ssyncset.done @!p1 $0x0  }
0x3e: {  	[sflag:s14] =	ssyncadd.s32 @!p1 $0xFFFFF600  }
0x3f: {  	[bflag:$0x0] =	sbarrier.arrive $0xFFFF  }
0x40: {  	[tilespmem:s11], [sflag:$0x1] =	stream.linear.gather [spmem:s6], $0x400, $0x38;
	[tilespmem:$0x1E50] =	vst v63  }
0x41: {  	s13 =	sadd.s32 $0x1, s13;
	_ =	swait.ge [sflag:s12], $0x400  }
0x42: {  	p1 =	sne.s32 s13, s8;
	[sflag:s12] =	ssyncset.done $0x0  }
.Ltmp1:
0x43: {  	[sflag:s12] =	ssyncadd.s32 $0xFFFFFC00;
	(pc) =	sbr.rel @p1 .LBB2_1-.Ltmp1, $4  }
0x44: {  	[hbm4b:s7+s3] =	stream.linear.scatter [tilespmem:s11], [sflag:$0x1], $0x400, $0x38;
	[tilespmem:$0x1E50] =	vst v63  }
0x45: {  	_ =	swait.ge [sflag:s12], $0x400  }
0x46: {  	[sflag:s12] =	ssyncset.done $0x0  }
0x47: {  	[sflag:s12] =	ssyncadd.s32 $0xFFFFFC00  }
0x48: {  	_ =	sfence.sel $0x180000  }
0x49: {  	[bflag:$0x0] =	sbarrier.arrive $0xFFFF  }
0x4a: {  	p0 =	sne.s32 s2, $0x0;
	_ =	strace $0x90000053  }
0x4b: {  	s0 =	sadd.s32 @!p0 $0x100000, s0;
	[bflag:$0x2] =	sbarrier.arrive $0xFFFF  }
0x4c: {  	[sflag:s0] =	ssyncadd.tile.s32 @!p0 $0x1;
	_ =	shalt  }
.Lfunc_end2:
_tile_overlayer_lowered:
.L_overlay_start_2:
0x4d: {  	(tag) =	ssettag $0x2  }
0x4e: {  	s0 =	rddreg [dreg:$0x0];
	s2 =	stileid.u32  }
0x4f: {  	s1 =	rddreg [dreg:$0x1];
	p0 =	sne.s32 s2, $0x0  }
0x50: {  	s3 =	rddreg [dreg:$0x2];
	[bflag:$0x3] =	sbarrier.arrive $0xFFFF;
	s2 =	simm.s32 @!p0 $0x1C01  }
0x51: {  	[timem:s3], [sflag:s2] =	dma.local @!p0 [hbm:s0], s1  }
0x52: {  	s0 =	simm.s32 @!p0 $0x1  }
0x53: {  	_ =	swait.ge @!p0 [sflag:s0], s1  }
0x54: {  	s1 =	ssub.s32 @!p0 $0x0, s1;
	[sflag:s0] =	ssyncset.done @!p0 $0x0  }
0x55: {  	[sflag:s0] =	ssyncadd.s32 @!p0 s1  }
0x56: {  	[bflag:$0x3] =	sbarrier.arrive $0xFFFF  }
0x57: {  	_ =	shalt  }

</sc_bundles>
